<compile_context>
chip_gen: v7x
topology: tpu7x:2x2x1
jax: 0.10.2.dev20260603
libtpu: 0.0.44.dev20260713+nightly
codegen_flags: <defaults>
</compile_context>

<pallas_src>
import functools

import jax
import jax.numpy as jnp
from jax import lax
from jax.experimental import pallas as pl
from jax.experimental.pallas import tpu as pltpu
from jax.experimental.pallas import tpu_sc as plsc

NUM_USERS = 1000000
NUM_MOVIES = 100000
NUM_GENRES = 32
NUM_YEARS = 120
YEARS_PAD = 128
D = 32
B = 16384

NC = 2
NS = 16
L = 16
NW = NC * NS
BPW = B // NW
CH = 128
NCH = BPW // CH
GROUPS = BPW // L

EPS = 1e-8
EPS2 = EPS * EPS


def _rsqrt(x):
    i = plsc.bitcast(x, jnp.int32)
    y = plsc.bitcast(jnp.int32(0x5F3759DF) - (i >> 1), jnp.float32)
    for _ in range(3):
        y = y * (1.5 - 0.5 * x * y * y)
    return y


def _inv_norm(n2):
    return jnp.where(n2 > EPS2, _rsqrt(n2), jnp.float32(1.0 / EPS))


def _normalize_table(tab, rows):
    iota = lax.iota(jnp.int32, L)

    def body(grp, _):
        rvec = grp * L + iota
        n2 = jnp.zeros((L,), jnp.float32)
        for d in range(D):
            dv = jnp.full((L,), d, jnp.int32)
            v = plsc.load_gather(tab, [rvec, dv])
            n2 = n2 + v * v
        inv = _inv_norm(n2)
        for d in range(D):
            dv = jnp.full((L,), d, jnp.int32)
            v = plsc.load_gather(tab, [rvec, dv])
            plsc.store_scatter(tab, [rvec, dv], v * inv)
        return _

    lax.fori_loop(0, rows // L, body, 0)


def _body(user_idx, movie_idx, genre_idx, year_idx,
          user_embeds, movie_embeds, user_biases, movie_biases,
          genre_embeds, year_embeds, out,
          uidx_v, midx_v, gidx_v, yidx_v,
          u_rows, m_rows, ub_v, mb_v, gtab, ytab, out_v, sem):
    wid = lax.axis_index("s") * NC + lax.axis_index("c")
    base = wid * BPW

    for j in range(NCH):
        pltpu.sync_copy(user_idx.at[pl.ds(base + j * CH, CH)], uidx_v.at[j])
        pltpu.sync_copy(movie_idx.at[pl.ds(base + j * CH, CH)], midx_v.at[j])
    pltpu.sync_copy(genre_idx.at[pl.ds(base, BPW)], gidx_v)
    pltpu.sync_copy(year_idx.at[pl.ds(base, BPW)], yidx_v)

    copies = []
    for j in range(NCH):
        sl = pl.ds(j * CH, CH)
        copies.append(pltpu.async_copy(
            user_embeds.at[uidx_v.at[j]], u_rows.at[sl], sem))
        copies.append(pltpu.async_copy(
            movie_embeds.at[midx_v.at[j]], m_rows.at[sl], sem))
        copies.append(pltpu.async_copy(
            user_biases.at[uidx_v.at[j]], ub_v.at[sl], sem))
        copies.append(pltpu.async_copy(
            movie_biases.at[midx_v.at[j]], mb_v.at[sl], sem))

    pltpu.sync_copy(genre_embeds, gtab)
    pltpu.sync_copy(year_embeds, ytab.at[pl.ds(0, NUM_YEARS)])
    zero = jnp.zeros((L,), jnp.float32)
    for r in range(NUM_YEARS, YEARS_PAD):
        ytab[r, pl.ds(0, L)] = zero
        ytab[r, pl.ds(L, L)] = zero
    _normalize_table(gtab, NUM_GENRES)
    _normalize_table(ytab, YEARS_PAD)

    for c in copies:
        c.wait()

    iota = lax.iota(jnp.int32, L)

    def group_body(g, _):
        e0 = g * L
        elem = e0 + iota
        gi = gidx_v[pl.ds(e0, L)]
        yi = yidx_v[pl.ds(e0, L)]
        d_um = jnp.zeros((L,), jnp.float32)
        d_ug = jnp.zeros((L,), jnp.float32)
        d_uy = jnp.zeros((L,), jnp.float32)
        n_u = jnp.zeros((L,), jnp.float32)
        n_m = jnp.zeros((L,), jnp.float32)
        for d in range(D):
            dv = jnp.full((L,), d, jnp.int32)
            u = plsc.load_gather(u_rows, [elem, dv])
            m = plsc.load_gather(m_rows, [elem, dv])
            gv = plsc.load_gather(gtab, [gi, dv])
            yv = plsc.load_gather(ytab, [yi, dv])
            d_um = d_um + u * m
            d_ug = d_ug + u * gv
            d_uy = d_uy + u * yv
            n_u = n_u + u * u
            n_m = n_m + m * m
        inv_u = _inv_norm(n_u)
        inv_m = _inv_norm(n_m)
        ub = ub_v[pl.ds(e0, L)]
        mb = mb_v[pl.ds(e0, L)]
        res = (d_um * inv_u * inv_m * 2.5 + 2.75
               + ub + mb + (d_ug + d_uy) * inv_u)
        out_v[pl.ds(e0, L)] = res
        return _

    lax.fori_loop(0, GROUPS, group_body, 0)

    pltpu.sync_copy(out_v, out.at[pl.ds(base, BPW)])


_sc_call = pl.kernel(
    _body,
    out_type=jax.ShapeDtypeStruct((B,), jnp.float32),
    mesh=plsc.VectorSubcoreMesh(
        core_axis_name="c", subcore_axis_name="s",
        num_cores=NC, num_subcores=NS),
    scratch_types=[
        pltpu.VMEM((NCH, CH), jnp.int32),
        pltpu.VMEM((NCH, CH), jnp.int32),
        pltpu.VMEM((BPW,), jnp.int32),
        pltpu.VMEM((BPW,), jnp.int32),
        pltpu.VMEM((BPW, D), jnp.float32),
        pltpu.VMEM((BPW, D), jnp.float32),
        pltpu.VMEM((BPW,), jnp.float32),
        pltpu.VMEM((BPW,), jnp.float32),
        pltpu.VMEM((NUM_GENRES, D), jnp.float32),
        pltpu.VMEM((YEARS_PAD, D), jnp.float32),
        pltpu.VMEM((BPW,), jnp.float32),
        pltpu.SemaphoreType.DMA,
    ],
    compiler_params=pltpu.CompilerParams(
        needs_layout_passes=False, use_tc_tiling_on_sc=False),
    name="mf_side_features_bias_sc",
)


@jax.jit
def kernel(user_idx, movie_idx, genre_idx, year_idx,
           user_embeds, movie_embeds, user_biases, movie_biases,
           genre_embeds, year_embeds):
    return _sc_call(
        user_idx.astype(jnp.int32), movie_idx.astype(jnp.int32),
        genre_idx.astype(jnp.int32), year_idx.astype(jnp.int32),
        user_embeds, movie_embeds,
        user_biases.reshape(-1), movie_biases.reshape(-1),
        genre_embeds, year_embeds)

# --- scband reference (transcript-rebuilt; emitter-appended) ---
"""Pipeline reference for scband-mfside-features-bias-38620345925794 (READ-ONLY COPY).

The authoritative reference and input builder live on the scoring server;
editing this copy changes nothing except your own understanding.
"""

import jax, jax.numpy as jnp
import numpy as np

NUM_USERS = 1000000
NUM_MOVIES = 100000
NUM_GENRES = 32
NUM_YEARS = 120
EMBED_DIM = 32
BATCH = 16384


def _cosine_similarity(a, b, eps=1e-8):
    # Faithful to torch.nn.functional.cosine_similarity along dim=1:
    # denom = max(||a||, eps) * max(||b||, eps)
    na = jnp.maximum(jnp.linalg.norm(a, axis=1), eps)
    nb = jnp.maximum(jnp.linalg.norm(b, axis=1), eps)
    return jnp.sum(a * b, axis=1) / (na * nb)


def setup_inputs(seed: int = 0) -> dict:
    key = jax.random.key(seed)
    ks = jax.random.split(key, 10)
    user_idx = jax.random.randint(ks[0], (BATCH,), 0, NUM_USERS, dtype=jnp.int64 if jax.config.jax_enable_x64 else jnp.int32)
    movie_idx = jax.random.randint(ks[1], (BATCH,), 0, NUM_MOVIES)
    genre_idx = jax.random.randint(ks[2], (BATCH,), 0, NUM_GENRES)
    year_idx = jax.random.randint(ks[3], (BATCH,), 0, NUM_YEARS)
    user_embeds = jax.random.normal(ks[4], (NUM_USERS, EMBED_DIM), dtype=jnp.float32)
    movie_embeds = jax.random.normal(ks[5], (NUM_MOVIES, EMBED_DIM), dtype=jnp.float32)
    user_biases = jax.random.normal(ks[6], (NUM_USERS, 1), dtype=jnp.float32)
    movie_biases = jax.random.normal(ks[7], (NUM_MOVIES, 1), dtype=jnp.float32)
    genre_embeds = jax.random.normal(ks[8], (NUM_GENRES, EMBED_DIM), dtype=jnp.float32)
    year_embeds = jax.random.normal(ks[9], (NUM_YEARS, EMBED_DIM), dtype=jnp.float32)
    return {
        "user_idx": user_idx,
        "movie_idx": movie_idx,
        "genre_idx": genre_idx,
        "year_idx": year_idx,
        "user_embeds": user_embeds,
        "movie_embeds": movie_embeds,
        "user_biases": user_biases,
        "movie_biases": movie_biases,
        "genre_embeds": genre_embeds,
        "year_embeds": year_embeds,
    }


def reference(user_idx, movie_idx, genre_idx, year_idx,
              user_embeds, movie_embeds, user_biases, movie_biases,
              genre_embeds, year_embeds):
    user = jnp.take(user_embeds, user_idx, axis=0)
    movie = jnp.take(movie_embeds, movie_idx, axis=0)
    similarity = _cosine_similarity(user, movie)
    similarity = similarity * 2.5 + 2.75
    movie_bias = jnp.take(movie_biases, movie_idx, axis=0).squeeze()
    user_bias = jnp.take(user_biases, user_idx, axis=0).squeeze()
    genre = jnp.take(genre_embeds, genre_idx, axis=0)
    year = jnp.take(year_embeds, year_idx, axis=0)
    prediction = (similarity + user_bias + movie_bias
                  + _cosine_similarity(user, genre)
                  + _cosine_similarity(user, year))
    return prediction

if __name__ == "__main__":
    import jax
    _d = setup_inputs()
    print(jax.jit(kernel)(*tuple(_d.values())))

</pallas_src>

<mosaic_0001>
#map = affine_map<(d0, d1) -> (0)>
#map1 = affine_map<(d0, d1) -> (0, 0)>
module attributes {stable_mosaic.version = 14 : i64} {
  func.func @mf_side_features_bias_sc(%arg0: i32, %arg1: i32, %arg2: memref<16384xi32, #tpu.memory_space<hbm>>, %arg3: memref<16384xi32, #tpu.memory_space<hbm>>, %arg4: memref<16384xi32, #tpu.memory_space<hbm>>, %arg5: memref<16384xi32, #tpu.memory_space<hbm>>, %arg6: memref<1000000x32xf32, #tpu.memory_space<hbm>>, %arg7: memref<100000x32xf32, #tpu.memory_space<hbm>>, %arg8: memref<1000000xf32, #tpu.memory_space<hbm>>, %arg9: memref<100000xf32, #tpu.memory_space<hbm>>, %arg10: memref<32x32xf32, #tpu.memory_space<hbm>>, %arg11: memref<120x32xf32, #tpu.memory_space<hbm>>, %arg12: memref<16384xf32, #tpu.memory_space<hbm>>, %arg13: memref<4x128xi32, #tpu.memory_space<vmem>>, %arg14: memref<4x128xi32, #tpu.memory_space<vmem>>, %arg15: memref<512xi32, #tpu.memory_space<vmem>>, %arg16: memref<512xi32, #tpu.memory_space<vmem>>, %arg17: memref<512x32xf32, #tpu.memory_space<vmem>>, %arg18: memref<512x32xf32, #tpu.memory_space<vmem>>, %arg19: memref<512xf32, #tpu.memory_space<vmem>>, %arg20: memref<512xf32, #tpu.memory_space<vmem>>, %arg21: memref<32x32xf32, #tpu.memory_space<vmem>>, %arg22: memref<128x32xf32, #tpu.memory_space<vmem>>, %arg23: memref<512xf32, #tpu.memory_space<vmem>>, %arg24: memref<!tpu.dma_semaphore, #tpu.memory_space<semaphore_mem>>) attributes {dimension_semantics = [#tpu.dimension_semantics<core_parallel>, #tpu.dimension_semantics<subcore_parallel>], iteration_bounds = array<i64: 2, 16>, scalar_prefetch = 0 : i64, scratch_operands = 12 : i64, tpu.core_type = #tpu.core_type<sc_vector_subcore>, window_params = [{transform_indices = #map}, {transform_indices = #map}, {transform_indices = #map}, {transform_indices = #map}, {transform_indices = #map1}, {transform_indices = #map1}, {transform_indices = #map}, {transform_indices = #map}, {transform_indices = #map1}, {transform_indices = #map1}, {transform_indices = #map}]} {
    %mul3A = arith.constant 2 : i32
    %mul3A_0 = arith.muli %arg1, %mul3A : i32
    %add3A = arith.addi %mul3A_0, %arg0 : i32
    %mul3A_1 = arith.constant 512 : i32
    %mul3A_2 = arith.muli %add3A, %mul3A_1 : i32
    %add3A_3 = arith.constant 0 : i32
    %add3A_4 = arith.addi %mul3A_2, %add3A_3 : i32
    %run_scoped3A = arith.constant 0 : i32
    "tpu.region"() ({
      %run_scoped3A_395 = tpu.sem_alloc : memref<!tpu.dma_semaphore, #tpu.memory_space<semaphore_mem>>
      %dma_start3A_396 = arith.constant 0 : i32
      %dma_start3A_397 = tpu.memref_slice %arg13[%run_scoped3A, %dma_start3A_396] : memref<4x128xi32, #tpu.memory_space<vmem>> -> memref<1x128xi32, #tpu.memory_space<vmem>>
      %dma_start3A_398 = tpu.memref_squeeze %dma_start3A_397 : memref<1x128xi32, #tpu.memory_space<vmem>> -> memref<128xi32, #tpu.memory_space<vmem>>
      %dma_start3A_399 = tpu.memref_slice %arg2[%add3A_4] : memref<16384xi32, #tpu.memory_space<hbm>> -> memref<128xi32, #tpu.memory_space<hbm>>
      %dma_start3A_400 = arith.constant 0 : i32
      %dma_start3A_401 = tpu.memref_slice %arg13[%run_scoped3A, %dma_start3A_400] : memref<4x128xi32, #tpu.memory_space<vmem>> -> memref<1x128xi32, #tpu.memory_space<vmem>>
      %dma_start3A_402 = tpu.memref_squeeze %dma_start3A_401 : memref<1x128xi32, #tpu.memory_space<vmem>> -> memref<128xi32, #tpu.memory_space<vmem>>
      %dma_start3A_403 = tpu.memref_slice %arg2[%add3A_4] : memref<16384xi32, #tpu.memory_space<hbm>> -> memref<128xi32, #tpu.memory_space<hbm>>
      tpu.enqueue_dma source(%dma_start3A_403 : memref<128xi32, #tpu.memory_space<hbm>>) target(%dma_start3A_402 : memref<128xi32, #tpu.memory_space<vmem>>) target_semaphore(%run_scoped3A_395 : memref<!tpu.dma_semaphore, #tpu.memory_space<semaphore_mem>>)
      %dma_wait3A_404 = arith.constant 0 : i32
      %dma_wait3A_405 = tpu.memref_slice %arg13[%run_scoped3A, %dma_wait3A_404] : memref<4x128xi32, #tpu.memory_space<vmem>> -> memref<1x128xi32, #tpu.memory_space<vmem>>
      %dma_wait3A_406 = tpu.memref_squeeze %dma_wait3A_405 : memref<1x128xi32, #tpu.memory_space<vmem>> -> memref<128xi32, #tpu.memory_space<vmem>>
      %dma_wait3A_407 = tpu.memref_slice %arg2[%add3A_4] : memref<16384xi32, #tpu.memory_space<hbm>> -> memref<128xi32, #tpu.memory_space<hbm>>
      %dma_wait3A_408 = arith.constant 0 : i32
      %dma_wait3A_409 = tpu.memref_slice %arg13[%run_scoped3A, %dma_wait3A_408] : memref<4x128xi32, #tpu.memory_space<vmem>> -> memref<1x128xi32, #tpu.memory_space<vmem>>
      %dma_wait3A_410 = tpu.memref_squeeze %dma_wait3A_409 : memref<1x128xi32, #tpu.memory_space<vmem>> -> memref<128xi32, #tpu.memory_space<vmem>>
      %dma_wait3A_411 = tpu.memref_slice %arg2[%add3A_4] : memref<16384xi32, #tpu.memory_space<hbm>> -> memref<128xi32, #tpu.memory_space<hbm>>
      tpu.wait_dma2 semaphore(%run_scoped3A_395 : memref<!tpu.dma_semaphore, #tpu.memory_space<semaphore_mem>>) src(%dma_wait3A_411 : memref<128xi32, #tpu.memory_space<hbm>>) dst(%dma_wait3A_410 : memref<128xi32, #tpu.memory_space<vmem>>)
      tpu.yield
    }) : () -> ()
    %add3A_5 = arith.constant 0 : i32
    %add3A_6 = arith.addi %mul3A_2, %add3A_5 : i32
    %run_scoped3A_7 = arith.constant 0 : i32
    "tpu.region"() ({
      %run_scoped3A_395 = tpu.sem_alloc : memref<!tpu.dma_semaphore, #tpu.memory_space<semaphore_mem>>
      %dma_start3A_396 = arith.constant 0 : i32
      %dma_start3A_397 = tpu.memref_slice %arg14[%run_scoped3A_7, %dma_start3A_396] : memref<4x128xi32, #tpu.memory_space<vmem>> -> memref<1x128xi32, #tpu.memory_space<vmem>>
      %dma_start3A_398 = tpu.memref_squeeze %dma_start3A_397 : memref<1x128xi32, #tpu.memory_space<vmem>> -> memref<128xi32, #tpu.memory_space<vmem>>
      %dma_start3A_399 = tpu.memref_slice %arg3[%add3A_6] : memref<16384xi32, #tpu.memory_space<hbm>> -> memref<128xi32, #tpu.memory_space<hbm>>
      %dma_start3A_400 = arith.constant 0 : i32
      %dma_start3A_401 = tpu.memref_slice %arg14[%run_scoped3A_7, %dma_start3A_400] : memref<4x128xi32, #tpu.memory_space<vmem>> -> memref<1x128xi32, #tpu.memory_space<vmem>>
      %dma_start3A_402 = tpu.memref_squeeze %dma_start3A_401 : memref<1x128xi32, #tpu.memory_space<vmem>> -> memref<128xi32, #tpu.memory_space<vmem>>
      %dma_start3A_403 = tpu.memref_slice %arg3[%add3A_6] : memref<16384xi32, #tpu.memory_space<hbm>> -> memref<128xi32, #tpu.memory_space<hbm>>
      tpu.enqueue_dma source(%dma_start3A_403 : memref<128xi32, #tpu.memory_space<hbm>>) target(%dma_start3A_402 : memref<128xi32, #tpu.memory_space<vmem>>) target_semaphore(%run_scoped3A_395 : memref<!tpu.dma_semaphore, #tpu.memory_space<semaphore_mem>>)
      %dma_wait3A_404 = arith.constant 0 : i32
      %dma_wait3A_405 = tpu.memref_slice %arg14[%run_scoped3A_7, %dma_wait3A_404] : memref<4x128xi32, #tpu.memory_space<vmem>> -> memref<1x128xi32, #tpu.memory_space<vmem>>
      %dma_wait3A_406 = tpu.memref_squeeze %dma_wait3A_405 : memref<1x128xi32, #tpu.memory_space<vmem>> -> memref<128xi32, #tpu.memory_space<vmem>>
      %dma_wait3A_407 = tpu.memref_slice %arg3[%add3A_6] : memref<16384xi32, #tpu.memory_space<hbm>> -> memref<128xi32, #tpu.memory_space<hbm>>
      %dma_wait3A_408 = arith.constant 0 : i32
      %dma_wait3A_409 = tpu.memref_slice %arg14[%run_scoped3A_7, %dma_wait3A_408] : memref<4x128xi32, #tpu.memory_space<vmem>> -> memref<1x128xi32, #tpu.memory_space<vmem>>
      %dma_wait3A_410 = tpu.memref_squeeze %dma_wait3A_409 : memref<1x128xi32, #tpu.memory_space<vmem>> -> memref<128xi32, #tpu.memory_space<vmem>>
      %dma_wait3A_411 = tpu.memref_slice %arg3[%add3A_6] : memref<16384xi32, #tpu.memory_space<hbm>> -> memref<128xi32, #tpu.memory_space<hbm>>
      tpu.wait_dma2 semaphore(%run_scoped3A_395 : memref<!tpu.dma_semaphore, #tpu.memory_space<semaphore_mem>>) src(%dma_wait3A_411 : memref<128xi32, #tpu.memory_space<hbm>>) dst(%dma_wait3A_410 : memref<128xi32, #tpu.memory_space<vmem>>)
      tpu.yield
    }) : () -> ()
    %add3A_8 = arith.constant 128 : i32
    %add3A_9 = arith.addi %mul3A_2, %add3A_8 : i32
    %run_scoped3A_10 = arith.constant 1 : i32
    "tpu.region"() ({
      %run_scoped3A_395 = tpu.sem_alloc : memref<!tpu.dma_semaphore, #tpu.memory_space<semaphore_mem>>
      %dma_start3A_396 = arith.constant 0 : i32
      %dma_start3A_397 = tpu.memref_slice %arg13[%run_scoped3A_10, %dma_start3A_396] : memref<4x128xi32, #tpu.memory_space<vmem>> -> memref<1x128xi32, #tpu.memory_space<vmem>>
      %dma_start3A_398 = tpu.memref_squeeze %dma_start3A_397 : memref<1x128xi32, #tpu.memory_space<vmem>> -> memref<128xi32, #tpu.memory_space<vmem>>
      %dma_start3A_399 = tpu.memref_slice %arg2[%add3A_9] : memref<16384xi32, #tpu.memory_space<hbm>> -> memref<128xi32, #tpu.memory_space<hbm>>
      %dma_start3A_400 = arith.constant 0 : i32
      %dma_start3A_401 = tpu.memref_slice %arg13[%run_scoped3A_10, %dma_start3A_400] : memref<4x128xi32, #tpu.memory_space<vmem>> -> memref<1x128xi32, #tpu.memory_space<vmem>>
      %dma_start3A_402 = tpu.memref_squeeze %dma_start3A_401 : memref<1x128xi32, #tpu.memory_space<vmem>> -> memref<128xi32, #tpu.memory_space<vmem>>
      %dma_start3A_403 = tpu.memref_slice %arg2[%add3A_9] : memref<16384xi32, #tpu.memory_space<hbm>> -> memref<128xi32, #tpu.memory_space<hbm>>
      tpu.enqueue_dma source(%dma_start3A_403 : memref<128xi32, #tpu.memory_space<hbm>>) target(%dma_start3A_402 : memref<128xi32, #tpu.memory_space<vmem>>) target_semaphore(%run_scoped3A_395 : memref<!tpu.dma_semaphore, #tpu.memory_space<semaphore_mem>>)
      %dma_wait3A_404 = arith.constant 0 : i32
      %dma_wait3A_405 = tpu.memref_slice %arg13[%run_scoped3A_10, %dma_wait3A_404] : memref<4x128xi32, #tpu.memory_space<vmem>> -> memref<1x128xi32, #tpu.memory_space<vmem>>
      %dma_wait3A_406 = tpu.memref_squeeze %dma_wait3A_405 : memref<1x128xi32, #tpu.memory_space<vmem>> -> memref<128xi32, #tpu.memory_space<vmem>>
      %dma_wait3A_407 = tpu.memref_slice %arg2[%add3A_9] : memref<16384xi32, #tpu.memory_space<hbm>> -> memref<128xi32, #tpu.memory_space<hbm>>
      %dma_wait3A_408 = arith.constant 0 : i32
      %dma_wait3A_409 = tpu.memref_slice %arg13[%run_scoped3A_10, %dma_wait3A_408] : memref<4x128xi32, #tpu.memory_space<vmem>> -> memref<1x128xi32, #tpu.memory_space<vmem>>
      %dma_wait3A_410 = tpu.memref_squeeze %dma_wait3A_409 : memref<1x128xi32, #tpu.memory_space<vmem>> -> memref<128xi32, #tpu.memory_space<vmem>>
      %dma_wait3A_411 = tpu.memref_slice %arg2[%add3A_9] : memref<16384xi32, #tpu.memory_space<hbm>> -> memref<128xi32, #tpu.memory_space<hbm>>
      tpu.wait_dma2 semaphore(%run_scoped3A_395 : memref<!tpu.dma_semaphore, #tpu.memory_space<semaphore_mem>>) src(%dma_wait3A_411 : memref<128xi32, #tpu.memory_space<hbm>>) dst(%dma_wait3A_410 : memref<128xi32, #tpu.memory_space<vmem>>)
      tpu.yield
    }) : () -> ()
    %add3A_11 = arith.constant 128 : i32
    %add3A_12 = arith.addi %mul3A_2, %add3A_11 : i32
    %run_scoped3A_13 = arith.constant 1 : i32
    "tpu.region"() ({
      %run_scoped3A_395 = tpu.sem_alloc : memref<!tpu.dma_semaphore, #tpu.memory_space<semaphore_mem>>
      %dma_start3A_396 = arith.constant 0 : i32
      %dma_start3A_397 = tpu.memref_slice %arg14[%run_scoped3A_13, %dma_start3A_396] : memref<4x128xi32, #tpu.memory_space<vmem>> -> memref<1x128xi32, #tpu.memory_space<vmem>>
      %dma_start3A_398 = tpu.memref_squeeze %dma_start3A_397 : memref<1x128xi32, #tpu.memory_space<vmem>> -> memref<128xi32, #tpu.memory_space<vmem>>
      %dma_start3A_399 = tpu.memref_slice %arg3[%add3A_12] : memref<16384xi32, #tpu.memory_space<hbm>> -> memref<128xi32, #tpu.memory_space<hbm>>
      %dma_start3A_400 = arith.constant 0 : i32
      %dma_start3A_401 = tpu.memref_slice %arg14[%run_scoped3A_13, %dma_start3A_400] : memref<4x128xi32, #tpu.memory_space<vmem>> -> memref<1x128xi32, #tpu.memory_space<vmem>>
      %dma_start3A_402 = tpu.memref_squeeze %dma_start3A_401 : memref<1x128xi32, #tpu.memory_space<vmem>> -> memref<128xi32, #tpu.memory_space<vmem>>
      %dma_start3A_403 = tpu.memref_slice %arg3[%add3A_12] : memref<16384xi32, #tpu.memory_space<hbm>> -> memref<128xi32, #tpu.memory_space<hbm>>
      tpu.enqueue_dma source(%dma_start3A_403 : memref<128xi32, #tpu.memory_space<hbm>>) target(%dma_start3A_402 : memref<128xi32, #tpu.memory_space<vmem>>) target_semaphore(%run_scoped3A_395 : memref<!tpu.dma_semaphore, #tpu.memory_space<semaphore_mem>>)
      %dma_wait3A_404 = arith.constant 0 : i32
      %dma_wait3A_405 = tpu.memref_slice %arg14[%run_scoped3A_13, %dma_wait3A_404] : memref<4x128xi32, #tpu.memory_space<vmem>> -> memref<1x128xi32, #tpu.memory_space<vmem>>
      %dma_wait3A_406 = tpu.memref_squeeze %dma_wait3A_405 : memref<1x128xi32, #tpu.memory_space<vmem>> -> memref<128xi32, #tpu.memory_space<vmem>>
      %dma_wait3A_407 = tpu.memref_slice %arg3[%add3A_12] : memref<16384xi32, #tpu.memory_space<hbm>> -> memref<128xi32, #tpu.memory_space<hbm>>
      %dma_wait3A_408 = arith.constant 0 : i32
      %dma_wait3A_409 = tpu.memref_slice %arg14[%run_scoped3A_13, %dma_wait3A_408] : memref<4x128xi32, #tpu.memory_space<vmem>> -> memref<1x128xi32, #tpu.memory_space<vmem>>
      %dma_wait3A_410 = tpu.memref_squeeze %dma_wait3A_409 : memref<1x128xi32, #tpu.memory_space<vmem>> -> memref<128xi32, #tpu.memory_space<vmem>>
      %dma_wait3A_411 = tpu.memref_slice %arg3[%add3A_12] : memref<16384xi32, #tpu.memory_space<hbm>> -> memref<128xi32, #tpu.memory_space<hbm>>
      tpu.wait_dma2 semaphore(%run_scoped3A_395 : memref<!tpu.dma_semaphore, #tpu.memory_space<semaphore_mem>>) src(%dma_wait3A_411 : memref<128xi32, #tpu.memory_space<hbm>>) dst(%dma_wait3A_410 : memref<128xi32, #tpu.memory_space<vmem>>)
      tpu.yield
    }) : () -> ()
    %add3A_14 = arith.constant 256 : i32
    %add3A_15 = arith.addi %mul3A_2, %add3A_14 : i32
    %run_scoped3A_16 = arith.constant 2 : i32
    "tpu.region"() ({
      %run_scoped3A_395 = tpu.sem_alloc : memref<!tpu.dma_semaphore, #tpu.memory_space<semaphore_mem>>
      %dma_start3A_396 = arith.constant 0 : i32
      %dma_start3A_397 = tpu.memref_slice %arg13[%run_scoped3A_16, %dma_start3A_396] : memref<4x128xi32, #tpu.memory_space<vmem>> -> memref<1x128xi32, #tpu.memory_space<vmem>>
      %dma_start3A_398 = tpu.memref_squeeze %dma_start3A_397 : memref<1x128xi32, #tpu.memory_space<vmem>> -> memref<128xi32, #tpu.memory_space<vmem>>
      %dma_start3A_399 = tpu.memref_slice %arg2[%add3A_15] : memref<16384xi32, #tpu.memory_space<hbm>> -> memref<128xi32, #tpu.memory_space<hbm>>
      %dma_start3A_400 = arith.constant 0 : i32
      %dma_start3A_401 = tpu.memref_slice %arg13[%run_scoped3A_16, %dma_start3A_400] : memref<4x128xi32, #tpu.memory_space<vmem>> -> memref<1x128xi32, #tpu.memory_space<vmem>>
      %dma_start3A_402 = tpu.memref_squeeze %dma_start3A_401 : memref<1x128xi32, #tpu.memory_space<vmem>> -> memref<128xi32, #tpu.memory_space<vmem>>
      %dma_start3A_403 = tpu.memref_slice %arg2[%add3A_15] : memref<16384xi32, #tpu.memory_space<hbm>> -> memref<128xi32, #tpu.memory_space<hbm>>
      tpu.enqueue_dma source(%dma_start3A_403 : memref<128xi32, #tpu.memory_space<hbm>>) target(%dma_start3A_402 : memref<128xi32, #tpu.memory_space<vmem>>) target_semaphore(%run_scoped3A_395 : memref<!tpu.dma_semaphore, #tpu.memory_space<semaphore_mem>>)
      %dma_wait3A_404 = arith.constant 0 : i32
      %dma_wait3A_405 = tpu.memref_slice %arg13[%run_scoped3A_16, %dma_wait3A_404] : memref<4x128xi32, #tpu.memory_space<vmem>> -> memref<1x128xi32, #tpu.memory_space<vmem>>
      %dma_wait3A_406 = tpu.memref_squeeze %dma_wait3A_405 : memref<1x128xi32, #tpu.memory_space<vmem>> -> memref<128xi32, #tpu.memory_space<vmem>>
      %dma_wait3A_407 = tpu.memref_slice %arg2[%add3A_15] : memref<16384xi32, #tpu.memory_space<hbm>> -> memref<128xi32, #tpu.memory_space<hbm>>
      %dma_wait3A_408 = arith.constant 0 : i32
      %dma_wait3A_409 = tpu.memref_slice %arg13[%run_scoped3A_16, %dma_wait3A_408] : memref<4x128xi32, #tpu.memory_space<vmem>> -> memref<1x128xi32, #tpu.memory_space<vmem>>
      %dma_wait3A_410 = tpu.memref_squeeze %dma_wait3A_409 : memref<1x128xi32, #tpu.memory_space<vmem>> -> memref<128xi32, #tpu.memory_space<vmem>>
      %dma_wait3A_411 = tpu.memref_slice %arg2[%add3A_15] : memref<16384xi32, #tpu.memory_space<hbm>> -> memref<128xi32, #tpu.memory_space<hbm>>
      tpu.wait_dma2 semaphore(%run_scoped3A_395 : memref<!tpu.dma_semaphore, #tpu.memory_space<semaphore_mem>>) src(%dma_wait3A_411 : memref<128xi32, #tpu.memory_space<hbm>>) dst(%dma_wait3A_410 : memref<128xi32, #tpu.memory_space<vmem>>)
      tpu.yield
    }) : () -> ()
    %add3A_17 = arith.constant 256 : i32
    %add3A_18 = arith.addi %mul3A_2, %add3A_17 : i32
    %run_scoped3A_19 = arith.constant 2 : i32
    "tpu.region"() ({
      %run_scoped3A_395 = tpu.sem_alloc : memref<!tpu.dma_semaphore, #tpu.memory_space<semaphore_mem>>
      %dma_start3A_396 = arith.constant 0 : i32
      %dma_start3A_397 = tpu.memref_slice %arg14[%run_scoped3A_19, %dma_start3A_396] : memref<4x128xi32, #tpu.memory_space<vmem>> -> memref<1x128xi32, #tpu.memory_space<vmem>>
      %dma_start3A_398 = tpu.memref_squeeze %dma_start3A_397 : memref<1x128xi32, #tpu.memory_space<vmem>> -> memref<128xi32, #tpu.memory_space<vmem>>
      %dma_start3A_399 = tpu.memref_slice %arg3[%add3A_18] : memref<16384xi32, #tpu.memory_space<hbm>> -> memref<128xi32, #tpu.memory_space<hbm>>
      %dma_start3A_400 = arith.constant 0 : i32
      %dma_start3A_401 = tpu.memref_slice %arg14[%run_scoped3A_19, %dma_start3A_400] : memref<4x128xi32, #tpu.memory_space<vmem>> -> memref<1x128xi32, #tpu.memory_space<vmem>>
      %dma_start3A_402 = tpu.memref_squeeze %dma_start3A_401 : memref<1x128xi32, #tpu.memory_space<vmem>> -> memref<128xi32, #tpu.memory_space<vmem>>
      %dma_start3A_403 = tpu.memref_slice %arg3[%add3A_18] : memref<16384xi32, #tpu.memory_space<hbm>> -> memref<128xi32, #tpu.memory_space<hbm>>
      tpu.enqueue_dma source(%dma_start3A_403 : memref<128xi32, #tpu.memory_space<hbm>>) target(%dma_start3A_402 : memref<128xi32, #tpu.memory_space<vmem>>) target_semaphore(%run_scoped3A_395 : memref<!tpu.dma_semaphore, #tpu.memory_space<semaphore_mem>>)
      %dma_wait3A_404 = arith.constant 0 : i32
      %dma_wait3A_405 = tpu.memref_slice %arg14[%run_scoped3A_19, %dma_wait3A_404] : memref<4x128xi32, #tpu.memory_space<vmem>> -> memref<1x128xi32, #tpu.memory_space<vmem>>
      %dma_wait3A_406 = tpu.memref_squeeze %dma_wait3A_405 : memref<1x128xi32, #tpu.memory_space<vmem>> -> memref<128xi32, #tpu.memory_space<vmem>>
      %dma_wait3A_407 = tpu.memref_slice %arg3[%add3A_18] : memref<16384xi32, #tpu.memory_space<hbm>> -> memref<128xi32, #tpu.memory_space<hbm>>
      %dma_wait3A_408 = arith.constant 0 : i32
      %dma_wait3A_409 = tpu.memref_slice %arg14[%run_scoped3A_19, %dma_wait3A_408] : memref<4x128xi32, #tpu.memory_space<vmem>> -> memref<1x128xi32, #tpu.memory_space<vmem>>
      %dma_wait3A_410 = tpu.memref_squeeze %dma_wait3A_409 : memref<1x128xi32, #tpu.memory_space<vmem>> -> memref<128xi32, #tpu.memory_space<vmem>>
      %dma_wait3A_411 = tpu.memref_slice %arg3[%add3A_18] : memref<16384xi32, #tpu.memory_space<hbm>> -> memref<128xi32, #tpu.memory_space<hbm>>
      tpu.wait_dma2 semaphore(%run_scoped3A_395 : memref<!tpu.dma_semaphore, #tpu.memory_space<semaphore_mem>>) src(%dma_wait3A_411 : memref<128xi32, #tpu.memory_space<hbm>>) dst(%dma_wait3A_410 : memref<128xi32, #tpu.memory_space<vmem>>)
      tpu.yield
    }) : () -> ()
    %add3A_20 = arith.constant 384 : i32
    %add3A_21 = arith.addi %mul3A_2, %add3A_20 : i32
    %run_scoped3A_22 = arith.constant 3 : i32
    "tpu.region"() ({
      %run_scoped3A_395 = tpu.sem_alloc : memref<!tpu.dma_semaphore, #tpu.memory_space<semaphore_mem>>
      %dma_start3A_396 = arith.constant 0 : i32
      %dma_start3A_397 = tpu.memref_slice %arg13[%run_scoped3A_22, %dma_start3A_396] : memref<4x128xi32, #tpu.memory_space<vmem>> -> memref<1x128xi32, #tpu.memory_space<vmem>>
      %dma_start3A_398 = tpu.memref_squeeze %dma_start3A_397 : memref<1x128xi32, #tpu.memory_space<vmem>> -> memref<128xi32, #tpu.memory_space<vmem>>
      %dma_start3A_399 = tpu.memref_slice %arg2[%add3A_21] : memref<16384xi32, #tpu.memory_space<hbm>> -> memref<128xi32, #tpu.memory_space<hbm>>
      %dma_start3A_400 = arith.constant 0 : i32
      %dma_start3A_401 = tpu.memref_slice %arg13[%run_scoped3A_22, %dma_start3A_400] : memref<4x128xi32, #tpu.memory_space<vmem>> -> memref<1x128xi32, #tpu.memory_space<vmem>>
      %dma_start3A_402 = tpu.memref_squeeze %dma_start3A_401 : memref<1x128xi32, #tpu.memory_space<vmem>> -> memref<128xi32, #tpu.memory_space<vmem>>
      %dma_start3A_403 = tpu.memref_slice %arg2[%add3A_21] : memref<16384xi32, #tpu.memory_space<hbm>> -> memref<128xi32, #tpu.memory_space<hbm>>
      tpu.enqueue_dma source(%dma_start3A_403 : memref<128xi32, #tpu.memory_space<hbm>>) target(%dma_start3A_402 : memref<128xi32, #tpu.memory_space<vmem>>) target_semaphore(%run_scoped3A_395 : memref<!tpu.dma_semaphore, #tpu.memory_space<semaphore_mem>>)
      %dma_wait3A_404 = arith.constant 0 : i32
      %dma_wait3A_405 = tpu.memref_slice %arg13[%run_scoped3A_22, %dma_wait3A_404] : memref<4x128xi32, #tpu.memory_space<vmem>> -> memref<1x128xi32, #tpu.memory_space<vmem>>
      %dma_wait3A_406 = tpu.memref_squeeze %dma_wait3A_405 : memref<1x128xi32, #tpu.memory_space<vmem>> -> memref<128xi32, #tpu.memory_space<vmem>>
      %dma_wait3A_407 = tpu.memref_slice %arg2[%add3A_21] : memref<16384xi32, #tpu.memory_space<hbm>> -> memref<128xi32, #tpu.memory_space<hbm>>
      %dma_wait3A_408 = arith.constant 0 : i32
      %dma_wait3A_409 = tpu.memref_slice %arg13[%run_scoped3A_22, %dma_wait3A_408] : memref<4x128xi32, #tpu.memory_space<vmem>> -> memref<1x128xi32, #tpu.memory_space<vmem>>
      %dma_wait3A_410 = tpu.memref_squeeze %dma_wait3A_409 : memref<1x128xi32, #tpu.memory_space<vmem>> -> memref<128xi32, #tpu.memory_space<vmem>>
      %dma_wait3A_411 = tpu.memref_slice %arg2[%add3A_21] : memref<16384xi32, #tpu.memory_space<hbm>> -> memref<128xi32, #tpu.memory_space<hbm>>
      tpu.wait_dma2 semaphore(%run_scoped3A_395 : memref<!tpu.dma_semaphore, #tpu.memory_space<semaphore_mem>>) src(%dma_wait3A_411 : memref<128xi32, #tpu.memory_space<hbm>>) dst(%dma_wait3A_410 : memref<128xi32, #tpu.memory_space<vmem>>)
      tpu.yield
    }) : () -> ()
    %add3A_23 = arith.constant 384 : i32
    %add3A_24 = arith.addi %mul3A_2, %add3A_23 : i32
    %run_scoped3A_25 = arith.constant 3 : i32
    "tpu.region"() ({
      %run_scoped3A_395 = tpu.sem_alloc : memref<!tpu.dma_semaphore, #tpu.memory_space<semaphore_mem>>
      %dma_start3A_396 = arith.constant 0 : i32
      %dma_start3A_397 = tpu.memref_slice %arg14[%run_scoped3A_25, %dma_start3A_396] : memref<4x128xi32, #tpu.memory_space<vmem>> -> memref<1x128xi32, #tpu.memory_space<vmem>>
      %dma_start3A_398 = tpu.memref_squeeze %dma_start3A_397 : memref<1x128xi32, #tpu.memory_space<vmem>> -> memref<128xi32, #tpu.memory_space<vmem>>
      %dma_start3A_399 = tpu.memref_slice %arg3[%add3A_24] : memref<16384xi32, #tpu.memory_space<hbm>> -> memref<128xi32, #tpu.memory_space<hbm>>
      %dma_start3A_400 = arith.constant 0 : i32
      %dma_start3A_401 = tpu.memref_slice %arg14[%run_scoped3A_25, %dma_start3A_400] : memref<4x128xi32, #tpu.memory_space<vmem>> -> memref<1x128xi32, #tpu.memory_space<vmem>>
      %dma_start3A_402 = tpu.memref_squeeze %dma_start3A_401 : memref<1x128xi32, #tpu.memory_space<vmem>> -> memref<128xi32, #tpu.memory_space<vmem>>
      %dma_start3A_403 = tpu.memref_slice %arg3[%add3A_24] : memref<16384xi32, #tpu.memory_space<hbm>> -> memref<128xi32, #tpu.memory_space<hbm>>
      tpu.enqueue_dma source(%dma_start3A_403 : memref<128xi32, #tpu.memory_space<hbm>>) target(%dma_start3A_402 : memref<128xi32, #tpu.memory_space<vmem>>) target_semaphore(%run_scoped3A_395 : memref<!tpu.dma_semaphore, #tpu.memory_space<semaphore_mem>>)
      %dma_wait3A_404 = arith.constant 0 : i32
      %dma_wait3A_405 = tpu.memref_slice %arg14[%run_scoped3A_25, %dma_wait3A_404] : memref<4x128xi32, #tpu.memory_space<vmem>> -> memref<1x128xi32, #tpu.memory_space<vmem>>
      %dma_wait3A_406 = tpu.memref_squeeze %dma_wait3A_405 : memref<1x128xi32, #tpu.memory_space<vmem>> -> memref<128xi32, #tpu.memory_space<vmem>>
      %dma_wait3A_407 = tpu.memref_slice %arg3[%add3A_24] : memref<16384xi32, #tpu.memory_space<hbm>> -> memref<128xi32, #tpu.memory_space<hbm>>
      %dma_wait3A_408 = arith.constant 0 : i32
      %dma_wait3A_409 = tpu.memref_slice %arg14[%run_scoped3A_25, %dma_wait3A_408] : memref<4x128xi32, #tpu.memory_space<vmem>> -> memref<1x128xi32, #tpu.memory_space<vmem>>
      %dma_wait3A_410 = tpu.memref_squeeze %dma_wait3A_409 : memref<1x128xi32, #tpu.memory_space<vmem>> -> memref<128xi32, #tpu.memory_space<vmem>>
      %dma_wait3A_411 = tpu.memref_slice %arg3[%add3A_24] : memref<16384xi32, #tpu.memory_space<hbm>> -> memref<128xi32, #tpu.memory_space<hbm>>
      tpu.wait_dma2 semaphore(%run_scoped3A_395 : memref<!tpu.dma_semaphore, #tpu.memory_space<semaphore_mem>>) src(%dma_wait3A_411 : memref<128xi32, #tpu.memory_space<hbm>>) dst(%dma_wait3A_410 : memref<128xi32, #tpu.memory_space<vmem>>)
      tpu.yield
    }) : () -> ()
    "tpu.region"() ({
      %run_scoped3A_395 = tpu.sem_alloc : memref<!tpu.dma_semaphore, #tpu.memory_space<semaphore_mem>>
      %dma_start3A_396 = tpu.memref_slice %arg4[%mul3A_2] : memref<16384xi32, #tpu.memory_space<hbm>> -> memref<512xi32, #tpu.memory_space<hbm>>
      %dma_start3A_397 = tpu.memref_slice %arg4[%mul3A_2] : memref<16384xi32, #tpu.memory_space<hbm>> -> memref<512xi32, #tpu.memory_space<hbm>>
      tpu.enqueue_dma source(%dma_start3A_397 : memref<512xi32, #tpu.memory_space<hbm>>) target(%arg15 : memref<512xi32, #tpu.memory_space<vmem>>) target_semaphore(%run_scoped3A_395 : memref<!tpu.dma_semaphore, #tpu.memory_space<semaphore_mem>>)
      %dma_wait3A_398 = tpu.memref_slice %arg4[%mul3A_2] : memref<16384xi32, #tpu.memory_space<hbm>> -> memref<512xi32, #tpu.memory_space<hbm>>
      %dma_wait3A_399 = tpu.memref_slice %arg4[%mul3A_2] : memref<16384xi32, #tpu.memory_space<hbm>> -> memref<512xi32, #tpu.memory_space<hbm>>
      tpu.wait_dma2 semaphore(%run_scoped3A_395 : memref<!tpu.dma_semaphore, #tpu.memory_space<semaphore_mem>>) src(%dma_wait3A_399 : memref<512xi32, #tpu.memory_space<hbm>>) dst(%arg15 : memref<512xi32, #tpu.memory_space<vmem>>)
      tpu.yield
    }) : () -> ()
    "tpu.region"() ({
      %run_scoped3A_395 = tpu.sem_alloc : memref<!tpu.dma_semaphore, #tpu.memory_space<semaphore_mem>>
      %dma_start3A_396 = tpu.memref_slice %arg5[%mul3A_2] : memref<16384xi32, #tpu.memory_space<hbm>> -> memref<512xi32, #tpu.memory_space<hbm>>
      %dma_start3A_397 = tpu.memref_slice %arg5[%mul3A_2] : memref<16384xi32, #tpu.memory_space<hbm>> -> memref<512xi32, #tpu.memory_space<hbm>>
      tpu.enqueue_dma source(%dma_start3A_397 : memref<512xi32, #tpu.memory_space<hbm>>) target(%arg16 : memref<512xi32, #tpu.memory_space<vmem>>) target_semaphore(%run_scoped3A_395 : memref<!tpu.dma_semaphore, #tpu.memory_space<semaphore_mem>>)
      %dma_wait3A_398 = tpu.memref_slice %arg5[%mul3A_2] : memref<16384xi32, #tpu.memory_space<hbm>> -> memref<512xi32, #tpu.memory_space<hbm>>
      %dma_wait3A_399 = tpu.memref_slice %arg5[%mul3A_2] : memref<16384xi32, #tpu.memory_space<hbm>> -> memref<512xi32, #tpu.memory_space<hbm>>
      tpu.wait_dma2 semaphore(%run_scoped3A_395 : memref<!tpu.dma_semaphore, #tpu.memory_space<semaphore_mem>>) src(%dma_wait3A_399 : memref<512xi32, #tpu.memory_space<hbm>>) dst(%arg16 : memref<512xi32, #tpu.memory_space<vmem>>)
      tpu.yield
    }) : () -> ()
    %dma_start3A = arith.constant 0 : i32
    %dma_start3A_26 = arith.constant 0 : i32
    %dma_start3A_27 = arith.constant 0 : i32
    %dma_start3A_28 = tpu.memref_slice %arg17[%dma_start3A_26, %dma_start3A_27] : memref<512x32xf32, #tpu.memory_space<vmem>> -> memref<128x32xf32, #tpu.memory_space<vmem>>
    %dma_start3A_29 = arith.constant 0 : i32
    %dma_start3A_30 = tpu.memref_slice %arg13[%dma_start3A, %dma_start3A_29] : memref<4x128xi32, #tpu.memory_space<vmem>> -> memref<1x128xi32, #tpu.memory_space<vmem>>
    %dma_start3A_31 = tpu.memref_squeeze %dma_start3A_30 : memref<1x128xi32, #tpu.memory_space<vmem>> -> memref<128xi32, #tpu.memory_space<vmem>>
    %dma_start3A_32 = arith.constant 0 : i32
    %dma_start3A_33 = arith.constant 0 : i32
    %dma_start3A_34 = tpu.memref_slice %arg6[%dma_start3A_32, %dma_start3A_33] : memref<1000000x32xf32, #tpu.memory_space<hbm>> -> memref<1000000x32xf32, #tpu.memory_space<hbm>>
    tpu.enqueue_indirect_dma source(%dma_start3A_34 : memref<1000000x32xf32, #tpu.memory_space<hbm>>) target(%dma_start3A_28 : memref<128x32xf32, #tpu.memory_space<vmem>>) offsets(%dma_start3A_31 : memref<128xi32, #tpu.memory_space<vmem>>) semaphore(%arg24 : memref<!tpu.dma_semaphore, #tpu.memory_space<semaphore_mem>>)
    %dma_start3A_35 = arith.constant 0 : i32
    %dma_start3A_36 = arith.constant 0 : i32
    %dma_start3A_37 = arith.constant 0 : i32
    %dma_start3A_38 = tpu.memref_slice %arg18[%dma_start3A_36, %dma_start3A_37] : memref<512x32xf32, #tpu.memory_space<vmem>> -> memref<128x32xf32, #tpu.memory_space<vmem>>
    %dma_start3A_39 = arith.constant 0 : i32
    %dma_start3A_40 = tpu.memref_slice %arg14[%dma_start3A_35, %dma_start3A_39] : memref<4x128xi32, #tpu.memory_space<vmem>> -> memref<1x128xi32, #tpu.memory_space<vmem>>
    %dma_start3A_41 = tpu.memref_squeeze %dma_start3A_40 : memref<1x128xi32, #tpu.memory_space<vmem>> -> memref<128xi32, #tpu.memory_space<vmem>>
    %dma_start3A_42 = arith.constant 0 : i32
    %dma_start3A_43 = arith.constant 0 : i32
    %dma_start3A_44 = tpu.memref_slice %arg7[%dma_start3A_42, %dma_start3A_43] : memref<100000x32xf32, #tpu.memory_space<hbm>> -> memref<100000x32xf32, #tpu.memory_space<hbm>>
    tpu.enqueue_indirect_dma source(%dma_start3A_44 : memref<100000x32xf32, #tpu.memory_space<hbm>>) target(%dma_start3A_38 : memref<128x32xf32, #tpu.memory_space<vmem>>) offsets(%dma_start3A_41 : memref<128xi32, #tpu.memory_space<vmem>>) semaphore(%arg24 : memref<!tpu.dma_semaphore, #tpu.memory_space<semaphore_mem>>)
    %dma_start3A_45 = arith.constant 0 : i32
    %dma_start3A_46 = arith.constant 0 : i32
    %dma_start3A_47 = tpu.memref_slice %arg19[%dma_start3A_46] : memref<512xf32, #tpu.memory_space<vmem>> -> memref<128xf32, #tpu.memory_space<vmem>>
    %dma_start3A_48 = arith.constant 0 : i32
    %dma_start3A_49 = tpu.memref_slice %arg13[%dma_start3A_45, %dma_start3A_48] : memref<4x128xi32, #tpu.memory_space<vmem>> -> memref<1x128xi32, #tpu.memory_space<vmem>>
    %dma_start3A_50 = tpu.memref_squeeze %dma_start3A_49 : memref<1x128xi32, #tpu.memory_space<vmem>> -> memref<128xi32, #tpu.memory_space<vmem>>
    %dma_start3A_51 = arith.constant 0 : i32
    %dma_start3A_52 = tpu.memref_slice %arg8[%dma_start3A_51] : memref<1000000xf32, #tpu.memory_space<hbm>> -> memref<1000000xf32, #tpu.memory_space<hbm>>
    tpu.enqueue_indirect_dma source(%dma_start3A_52 : memref<1000000xf32, #tpu.memory_space<hbm>>) target(%dma_start3A_47 : memref<128xf32, #tpu.memory_space<vmem>>) offsets(%dma_start3A_50 : memref<128xi32, #tpu.memory_space<vmem>>) semaphore(%arg24 : memref<!tpu.dma_semaphore, #tpu.memory_space<semaphore_mem>>)
    %dma_start3A_53 = arith.constant 0 : i32
    %dma_start3A_54 = arith.constant 0 : i32
    %dma_start3A_55 = tpu.memref_slice %arg20[%dma_start3A_54] : memref<512xf32, #tpu.memory_space<vmem>> -> memref<128xf32, #tpu.memory_space<vmem>>
    %dma_start3A_56 = arith.constant 0 : i32
    %dma_start3A_57 = tpu.memref_slice %arg14[%dma_start3A_53, %dma_start3A_56] : memref<4x128xi32, #tpu.memory_space<vmem>> -> memref<1x128xi32, #tpu.memory_space<vmem>>
    %dma_start3A_58 = tpu.memref_squeeze %dma_start3A_57 : memref<1x128xi32, #tpu.memory_space<vmem>> -> memref<128xi32, #tpu.memory_space<vmem>>
    %dma_start3A_59 = arith.constant 0 : i32
    %dma_start3A_60 = tpu.memref_slice %arg9[%dma_start3A_59] : memref<100000xf32, #tpu.memory_space<hbm>> -> memref<100000xf32, #tpu.memory_space<hbm>>
    tpu.enqueue_indirect_dma source(%dma_start3A_60 : memref<100000xf32, #tpu.memory_space<hbm>>) target(%dma_start3A_55 : memref<128xf32, #tpu.memory_space<vmem>>) offsets(%dma_start3A_58 : memref<128xi32, #tpu.memory_space<vmem>>) semaphore(%arg24 : memref<!tpu.dma_semaphore, #tpu.memory_space<semaphore_mem>>)
    %dma_start3A_61 = arith.constant 1 : i32
    %dma_start3A_62 = arith.constant 128 : i32
    %dma_start3A_63 = arith.constant 0 : i32
    %dma_start3A_64 = tpu.memref_slice %arg17[%dma_start3A_62, %dma_start3A_63] : memref<512x32xf32, #tpu.memory_space<vmem>> -> memref<128x32xf32, #tpu.memory_space<vmem>>
    %dma_start3A_65 = arith.constant 0 : i32
    %dma_start3A_66 = tpu.memref_slice %arg13[%dma_start3A_61, %dma_start3A_65] : memref<4x128xi32, #tpu.memory_space<vmem>> -> memref<1x128xi32, #tpu.memory_space<vmem>>
    %dma_start3A_67 = tpu.memref_squeeze %dma_start3A_66 : memref<1x128xi32, #tpu.memory_space<vmem>> -> memref<128xi32, #tpu.memory_space<vmem>>
    %dma_start3A_68 = arith.constant 0 : i32
    %dma_start3A_69 = arith.constant 0 : i32
    %dma_start3A_70 = tpu.memref_slice %arg6[%dma_start3A_68, %dma_start3A_69] : memref<1000000x32xf32, #tpu.memory_space<hbm>> -> memref<1000000x32xf32, #tpu.memory_space<hbm>>
    tpu.enqueue_indirect_dma source(%dma_start3A_70 : memref<1000000x32xf32, #tpu.memory_space<hbm>>) target(%dma_start3A_64 : memref<128x32xf32, #tpu.memory_space<vmem>>) offsets(%dma_start3A_67 : memref<128xi32, #tpu.memory_space<vmem>>) semaphore(%arg24 : memref<!tpu.dma_semaphore, #tpu.memory_space<semaphore_mem>>)
    %dma_start3A_71 = arith.constant 1 : i32
    %dma_start3A_72 = arith.constant 128 : i32
    %dma_start3A_73 = arith.constant 0 : i32
    %dma_start3A_74 = tpu.memref_slice %arg18[%dma_start3A_72, %dma_start3A_73] : memref<512x32xf32, #tpu.memory_space<vmem>> -> memref<128x32xf32, #tpu.memory_space<vmem>>
    %dma_start3A_75 = arith.constant 0 : i32
    %dma_start3A_76 = tpu.memref_slice %arg14[%dma_start3A_71, %dma_start3A_75] : memref<4x128xi32, #tpu.memory_space<vmem>> -> memref<1x128xi32, #tpu.memory_space<vmem>>
    %dma_start3A_77 = tpu.memref_squeeze %dma_start3A_76 : memref<1x128xi32, #tpu.memory_space<vmem>> -> memref<128xi32, #tpu.memory_space<vmem>>
    %dma_start3A_78 = arith.constant 0 : i32
    %dma_start3A_79 = arith.constant 0 : i32
    %dma_start3A_80 = tpu.memref_slice %arg7[%dma_start3A_78, %dma_start3A_79] : memref<100000x32xf32, #tpu.memory_space<hbm>> -> memref<100000x32xf32, #tpu.memory_space<hbm>>
    tpu.enqueue_indirect_dma source(%dma_start3A_80 : memref<100000x32xf32, #tpu.memory_space<hbm>>) target(%dma_start3A_74 : memref<128x32xf32, #tpu.memory_space<vmem>>) offsets(%dma_start3A_77 : memref<128xi32, #tpu.memory_space<vmem>>) semaphore(%arg24 : memref<!tpu.dma_semaphore, #tpu.memory_space<semaphore_mem>>)
    %dma_start3A_81 = arith.constant 1 : i32
    %dma_start3A_82 = arith.constant 128 : i32
    %dma_start3A_83 = tpu.memref_slice %arg19[%dma_start3A_82] : memref<512xf32, #tpu.memory_space<vmem>> -> memref<128xf32, #tpu.memory_space<vmem>>
    %dma_start3A_84 = arith.constant 0 : i32
    %dma_start3A_85 = tpu.memref_slice %arg13[%dma_start3A_81, %dma_start3A_84] : memref<4x128xi32, #tpu.memory_space<vmem>> -> memref<1x128xi32, #tpu.memory_space<vmem>>
    %dma_start3A_86 = tpu.memref_squeeze %dma_start3A_85 : memref<1x128xi32, #tpu.memory_space<vmem>> -> memref<128xi32, #tpu.memory_space<vmem>>
    %dma_start3A_87 = arith.constant 0 : i32
    %dma_start3A_88 = tpu.memref_slice %arg8[%dma_start3A_87] : memref<1000000xf32, #tpu.memory_space<hbm>> -> memref<1000000xf32, #tpu.memory_space<hbm>>
    tpu.enqueue_indirect_dma source(%dma_start3A_88 : memref<1000000xf32, #tpu.memory_space<hbm>>) target(%dma_start3A_83 : memref<128xf32, #tpu.memory_space<vmem>>) offsets(%dma_start3A_86 : memref<128xi32, #tpu.memory_space<vmem>>) semaphore(%arg24 : memref<!tpu.dma_semaphore, #tpu.memory_space<semaphore_mem>>)
    %dma_start3A_89 = arith.constant 1 : i32
    %dma_start3A_90 = arith.constant 128 : i32
    %dma_start3A_91 = tpu.memref_slice %arg20[%dma_start3A_90] : memref<512xf32, #tpu.memory_space<vmem>> -> memref<128xf32, #tpu.memory_space<vmem>>
    %dma_start3A_92 = arith.constant 0 : i32
    %dma_start3A_93 = tpu.memref_slice %arg14[%dma_start3A_89, %dma_start3A_92] : memref<4x128xi32, #tpu.memory_space<vmem>> -> memref<1x128xi32, #tpu.memory_space<vmem>>
    %dma_start3A_94 = tpu.memref_squeeze %dma_start3A_93 : memref<1x128xi32, #tpu.memory_space<vmem>> -> memref<128xi32, #tpu.memory_space<vmem>>
    %dma_start3A_95 = arith.constant 0 : i32
    %dma_start3A_96 = tpu.memref_slice %arg9[%dma_start3A_95] : memref<100000xf32, #tpu.memory_space<hbm>> -> memref<100000xf32, #tpu.memory_space<hbm>>
    tpu.enqueue_indirect_dma source(%dma_start3A_96 : memref<100000xf32, #tpu.memory_space<hbm>>) target(%dma_start3A_91 : memref<128xf32, #tpu.memory_space<vmem>>) offsets(%dma_start3A_94 : memref<128xi32, #tpu.memory_space<vmem>>) semaphore(%arg24 : memref<!tpu.dma_semaphore, #tpu.memory_space<semaphore_mem>>)
    %dma_start3A_97 = arith.constant 2 : i32
    %dma_start3A_98 = arith.constant 256 : i32
    %dma_start3A_99 = arith.constant 0 : i32
    %dma_start3A_100 = tpu.memref_slice %arg17[%dma_start3A_98, %dma_start3A_99] : memref<512x32xf32, #tpu.memory_space<vmem>> -> memref<128x32xf32, #tpu.memory_space<vmem>>
    %dma_start3A_101 = arith.constant 0 : i32
    %dma_start3A_102 = tpu.memref_slice %arg13[%dma_start3A_97, %dma_start3A_101] : memref<4x128xi32, #tpu.memory_space<vmem>> -> memref<1x128xi32, #tpu.memory_space<vmem>>
    %dma_start3A_103 = tpu.memref_squeeze %dma_start3A_102 : memref<1x128xi32, #tpu.memory_space<vmem>> -> memref<128xi32, #tpu.memory_space<vmem>>
    %dma_start3A_104 = arith.constant 0 : i32
    %dma_start3A_105 = arith.constant 0 : i32
    %dma_start3A_106 = tpu.memref_slice %arg6[%dma_start3A_104, %dma_start3A_105] : memref<1000000x32xf32, #tpu.memory_space<hbm>> -> memref<1000000x32xf32, #tpu.memory_space<hbm>>
    tpu.enqueue_indirect_dma source(%dma_start3A_106 : memref<1000000x32xf32, #tpu.memory_space<hbm>>) target(%dma_start3A_100 : memref<128x32xf32, #tpu.memory_space<vmem>>) offsets(%dma_start3A_103 : memref<128xi32, #tpu.memory_space<vmem>>) semaphore(%arg24 : memref<!tpu.dma_semaphore, #tpu.memory_space<semaphore_mem>>)
    %dma_start3A_107 = arith.constant 2 : i32
    %dma_start3A_108 = arith.constant 256 : i32
    %dma_start3A_109 = arith.constant 0 : i32
    %dma_start3A_110 = tpu.memref_slice %arg18[%dma_start3A_108, %dma_start3A_109] : memref<512x32xf32, #tpu.memory_space<vmem>> -> memref<128x32xf32, #tpu.memory_space<vmem>>
    %dma_start3A_111 = arith.constant 0 : i32
    %dma_start3A_112 = tpu.memref_slice %arg14[%dma_start3A_107, %dma_start3A_111] : memref<4x128xi32, #tpu.memory_space<vmem>> -> memref<1x128xi32, #tpu.memory_space<vmem>>
    %dma_start3A_113 = tpu.memref_squeeze %dma_start3A_112 : memref<1x128xi32, #tpu.memory_space<vmem>> -> memref<128xi32, #tpu.memory_space<vmem>>
    %dma_start3A_114 = arith.constant 0 : i32
    %dma_start3A_115 = arith.constant 0 : i32
    %dma_start3A_116 = tpu.memref_slice %arg7[%dma_start3A_114, %dma_start3A_115] : memref<100000x32xf32, #tpu.memory_space<hbm>> -> memref<100000x32xf32, #tpu.memory_space<hbm>>
    tpu.enqueue_indirect_dma source(%dma_start3A_116 : memref<100000x32xf32, #tpu.memory_space<hbm>>) target(%dma_start3A_110 : memref<128x32xf32, #tpu.memory_space<vmem>>) offsets(%dma_start3A_113 : memref<128xi32, #tpu.memory_space<vmem>>) semaphore(%arg24 : memref<!tpu.dma_semaphore, #tpu.memory_space<semaphore_mem>>)
    %dma_start3A_117 = arith.constant 2 : i32
    %dma_start3A_118 = arith.constant 256 : i32
    %dma_start3A_119 = tpu.memref_slice %arg19[%dma_start3A_118] : memref<512xf32, #tpu.memory_space<vmem>> -> memref<128xf32, #tpu.memory_space<vmem>>
    %dma_start3A_120 = arith.constant 0 : i32
    %dma_start3A_121 = tpu.memref_slice %arg13[%dma_start3A_117, %dma_start3A_120] : memref<4x128xi32, #tpu.memory_space<vmem>> -> memref<1x128xi32, #tpu.memory_space<vmem>>
    %dma_start3A_122 = tpu.memref_squeeze %dma_start3A_121 : memref<1x128xi32, #tpu.memory_space<vmem>> -> memref<128xi32, #tpu.memory_space<vmem>>
    %dma_start3A_123 = arith.constant 0 : i32
    %dma_start3A_124 = tpu.memref_slice %arg8[%dma_start3A_123] : memref<1000000xf32, #tpu.memory_space<hbm>> -> memref<1000000xf32, #tpu.memory_space<hbm>>
    tpu.enqueue_indirect_dma source(%dma_start3A_124 : memref<1000000xf32, #tpu.memory_space<hbm>>) target(%dma_start3A_119 : memref<128xf32, #tpu.memory_space<vmem>>) offsets(%dma_start3A_122 : memref<128xi32, #tpu.memory_space<vmem>>) semaphore(%arg24 : memref<!tpu.dma_semaphore, #tpu.memory_space<semaphore_mem>>)
    %dma_start3A_125 = arith.constant 2 : i32
    %dma_start3A_126 = arith.constant 256 : i32
    %dma_start3A_127 = tpu.memref_slice %arg20[%dma_start3A_126] : memref<512xf32, #tpu.memory_space<vmem>> -> memref<128xf32, #tpu.memory_space<vmem>>
    %dma_start3A_128 = arith.constant 0 : i32
    %dma_start3A_129 = tpu.memref_slice %arg14[%dma_start3A_125, %dma_start3A_128] : memref<4x128xi32, #tpu.memory_space<vmem>> -> memref<1x128xi32, #tpu.memory_space<vmem>>
    %dma_start3A_130 = tpu.memref_squeeze %dma_start3A_129 : memref<1x128xi32, #tpu.memory_space<vmem>> -> memref<128xi32, #tpu.memory_space<vmem>>
    %dma_start3A_131 = arith.constant 0 : i32
    %dma_start3A_132 = tpu.memref_slice %arg9[%dma_start3A_131] : memref<100000xf32, #tpu.memory_space<hbm>> -> memref<100000xf32, #tpu.memory_space<hbm>>
    tpu.enqueue_indirect_dma source(%dma_start3A_132 : memref<100000xf32, #tpu.memory_space<hbm>>) target(%dma_start3A_127 : memref<128xf32, #tpu.memory_space<vmem>>) offsets(%dma_start3A_130 : memref<128xi32, #tpu.memory_space<vmem>>) semaphore(%arg24 : memref<!tpu.dma_semaphore, #tpu.memory_space<semaphore_mem>>)
    %dma_start3A_133 = arith.constant 3 : i32
    %dma_start3A_134 = arith.constant 384 : i32
    %dma_start3A_135 = arith.constant 0 : i32
    %dma_start3A_136 = tpu.memref_slice %arg17[%dma_start3A_134, %dma_start3A_135] : memref<512x32xf32, #tpu.memory_space<vmem>> -> memref<128x32xf32, #tpu.memory_space<vmem>>
    %dma_start3A_137 = arith.constant 0 : i32
    %dma_start3A_138 = tpu.memref_slice %arg13[%dma_start3A_133, %dma_start3A_137] : memref<4x128xi32, #tpu.memory_space<vmem>> -> memref<1x128xi32, #tpu.memory_space<vmem>>
    %dma_start3A_139 = tpu.memref_squeeze %dma_start3A_138 : memref<1x128xi32, #tpu.memory_space<vmem>> -> memref<128xi32, #tpu.memory_space<vmem>>
    %dma_start3A_140 = arith.constant 0 : i32
    %dma_start3A_141 = arith.constant 0 : i32
    %dma_start3A_142 = tpu.memref_slice %arg6[%dma_start3A_140, %dma_start3A_141] : memref<1000000x32xf32, #tpu.memory_space<hbm>> -> memref<1000000x32xf32, #tpu.memory_space<hbm>>
    tpu.enqueue_indirect_dma source(%dma_start3A_142 : memref<1000000x32xf32, #tpu.memory_space<hbm>>) target(%dma_start3A_136 : memref<128x32xf32, #tpu.memory_space<vmem>>) offsets(%dma_start3A_139 : memref<128xi32, #tpu.memory_space<vmem>>) semaphore(%arg24 : memref<!tpu.dma_semaphore, #tpu.memory_space<semaphore_mem>>)
    %dma_start3A_143 = arith.constant 3 : i32
    %dma_start3A_144 = arith.constant 384 : i32
    %dma_start3A_145 = arith.constant 0 : i32
    %dma_start3A_146 = tpu.memref_slice %arg18[%dma_start3A_144, %dma_start3A_145] : memref<512x32xf32, #tpu.memory_space<vmem>> -> memref<128x32xf32, #tpu.memory_space<vmem>>
    %dma_start3A_147 = arith.constant 0 : i32
    %dma_start3A_148 = tpu.memref_slice %arg14[%dma_start3A_143, %dma_start3A_147] : memref<4x128xi32, #tpu.memory_space<vmem>> -> memref<1x128xi32, #tpu.memory_space<vmem>>
    %dma_start3A_149 = tpu.memref_squeeze %dma_start3A_148 : memref<1x128xi32, #tpu.memory_space<vmem>> -> memref<128xi32, #tpu.memory_space<vmem>>
    %dma_start3A_150 = arith.constant 0 : i32
    %dma_start3A_151 = arith.constant 0 : i32
    %dma_start3A_152 = tpu.memref_slice %arg7[%dma_start3A_150, %dma_start3A_151] : memref<100000x32xf32, #tpu.memory_space<hbm>> -> memref<100000x32xf32, #tpu.memory_space<hbm>>
    tpu.enqueue_indirect_dma source(%dma_start3A_152 : memref<100000x32xf32, #tpu.memory_space<hbm>>) target(%dma_start3A_146 : memref<128x32xf32, #tpu.memory_space<vmem>>) offsets(%dma_start3A_149 : memref<128xi32, #tpu.memory_space<vmem>>) semaphore(%arg24 : memref<!tpu.dma_semaphore, #tpu.memory_space<semaphore_mem>>)
    %dma_start3A_153 = arith.constant 3 : i32
    %dma_start3A_154 = arith.constant 384 : i32
    %dma_start3A_155 = tpu.memref_slice %arg19[%dma_start3A_154] : memref<512xf32, #tpu.memory_space<vmem>> -> memref<128xf32, #tpu.memory_space<vmem>>
    %dma_start3A_156 = arith.constant 0 : i32
    %dma_start3A_157 = tpu.memref_slice %arg13[%dma_start3A_153, %dma_start3A_156] : memref<4x128xi32, #tpu.memory_space<vmem>> -> memref<1x128xi32, #tpu.memory_space<vmem>>
    %dma_start3A_158 = tpu.memref_squeeze %dma_start3A_157 : memref<1x128xi32, #tpu.memory_space<vmem>> -> memref<128xi32, #tpu.memory_space<vmem>>
    %dma_start3A_159 = arith.constant 0 : i32
    %dma_start3A_160 = tpu.memref_slice %arg8[%dma_start3A_159] : memref<1000000xf32, #tpu.memory_space<hbm>> -> memref<1000000xf32, #tpu.memory_space<hbm>>
    tpu.enqueue_indirect_dma source(%dma_start3A_160 : memref<1000000xf32, #tpu.memory_space<hbm>>) target(%dma_start3A_155 : memref<128xf32, #tpu.memory_space<vmem>>) offsets(%dma_start3A_158 : memref<128xi32, #tpu.memory_space<vmem>>) semaphore(%arg24 : memref<!tpu.dma_semaphore, #tpu.memory_space<semaphore_mem>>)
    %dma_start3A_161 = arith.constant 3 : i32
    %dma_start3A_162 = arith.constant 384 : i32
    %dma_start3A_163 = tpu.memref_slice %arg20[%dma_start3A_162] : memref<512xf32, #tpu.memory_space<vmem>> -> memref<128xf32, #tpu.memory_space<vmem>>
    %dma_start3A_164 = arith.constant 0 : i32
    %dma_start3A_165 = tpu.memref_slice %arg14[%dma_start3A_161, %dma_start3A_164] : memref<4x128xi32, #tpu.memory_space<vmem>> -> memref<1x128xi32, #tpu.memory_space<vmem>>
    %dma_start3A_166 = tpu.memref_squeeze %dma_start3A_165 : memref<1x128xi32, #tpu.memory_space<vmem>> -> memref<128xi32, #tpu.memory_space<vmem>>
    %dma_start3A_167 = arith.constant 0 : i32
    %dma_start3A_168 = tpu.memref_slice %arg9[%dma_start3A_167] : memref<100000xf32, #tpu.memory_space<hbm>> -> memref<100000xf32, #tpu.memory_space<hbm>>
    tpu.enqueue_indirect_dma source(%dma_start3A_168 : memref<100000xf32, #tpu.memory_space<hbm>>) target(%dma_start3A_163 : memref<128xf32, #tpu.memory_space<vmem>>) offsets(%dma_start3A_166 : memref<128xi32, #tpu.memory_space<vmem>>) semaphore(%arg24 : memref<!tpu.dma_semaphore, #tpu.memory_space<semaphore_mem>>)
    "tpu.region"() ({
      %run_scoped3A_395 = tpu.sem_alloc : memref<!tpu.dma_semaphore, #tpu.memory_space<semaphore_mem>>
      tpu.enqueue_dma source(%arg10 : memref<32x32xf32, #tpu.memory_space<hbm>>) target(%arg21 : memref<32x32xf32, #tpu.memory_space<vmem>>) target_semaphore(%run_scoped3A_395 : memref<!tpu.dma_semaphore, #tpu.memory_space<semaphore_mem>>)
      tpu.wait_dma2 semaphore(%run_scoped3A_395 : memref<!tpu.dma_semaphore, #tpu.memory_space<semaphore_mem>>) src(%arg10 : memref<32x32xf32, #tpu.memory_space<hbm>>) dst(%arg21 : memref<32x32xf32, #tpu.memory_space<vmem>>)
      tpu.yield
    }) : () -> ()
    "tpu.region"() ({
      %run_scoped3A_395 = tpu.sem_alloc : memref<!tpu.dma_semaphore, #tpu.memory_space<semaphore_mem>>
      %dma_start3A_396 = arith.constant 0 : i32
      %dma_start3A_397 = arith.constant 0 : i32
      %dma_start3A_398 = tpu.memref_slice %arg22[%dma_start3A_396, %dma_start3A_397] : memref<128x32xf32, #tpu.memory_space<vmem>> -> memref<120x32xf32, #tpu.memory_space<vmem>>
      %dma_start3A_399 = arith.constant 0 : i32
      %dma_start3A_400 = arith.constant 0 : i32
      %dma_start3A_401 = tpu.memref_slice %arg22[%dma_start3A_399, %dma_start3A_400] : memref<128x32xf32, #tpu.memory_space<vmem>> -> memref<120x32xf32, #tpu.memory_space<vmem>>
      tpu.enqueue_dma source(%arg11 : memref<120x32xf32, #tpu.memory_space<hbm>>) target(%dma_start3A_401 : memref<120x32xf32, #tpu.memory_space<vmem>>) target_semaphore(%run_scoped3A_395 : memref<!tpu.dma_semaphore, #tpu.memory_space<semaphore_mem>>)
      %dma_wait3A_402 = arith.constant 0 : i32
      %dma_wait3A_403 = arith.constant 0 : i32
      %dma_wait3A_404 = tpu.memref_slice %arg22[%dma_wait3A_402, %dma_wait3A_403] : memref<128x32xf32, #tpu.memory_space<vmem>> -> memref<120x32xf32, #tpu.memory_space<vmem>>
      %dma_wait3A_405 = arith.constant 0 : i32
      %dma_wait3A_406 = arith.constant 0 : i32
      %dma_wait3A_407 = tpu.memref_slice %arg22[%dma_wait3A_405, %dma_wait3A_406] : memref<128x32xf32, #tpu.memory_space<vmem>> -> memref<120x32xf32, #tpu.memory_space<vmem>>
      tpu.wait_dma2 semaphore(%run_scoped3A_395 : memref<!tpu.dma_semaphore, #tpu.memory_space<semaphore_mem>>) src(%arg11 : memref<120x32xf32, #tpu.memory_space<hbm>>) dst(%dma_wait3A_407 : memref<120x32xf32, #tpu.memory_space<vmem>>)
      tpu.yield
    }) : () -> ()
    %broadcast_in_dim3A = arith.constant 0.000000e+00 : f32
    %broadcast_in_dim3A_169 = vector.broadcast %broadcast_in_dim3A : f32 to vector<16xf32>
    %swap3A = arith.constant 120 : i32
    %swap3A_170 = arith.index_cast %swap3A : i32 to index
    %swap3A_171 = arith.constant 0 : index
    %swap3A_172 = tpu.vector_load %arg22[%swap3A_170, %swap3A_171] {strides = array<i32>} : memref<128x32xf32, #tpu.memory_space<vmem>>, vector<16xf32>,
    tpu.vector_store %arg22[%swap3A_170, %swap3A_171], %broadcast_in_dim3A_169 {strides = array<i32>} : memref<128x32xf32, #tpu.memory_space<vmem>>, vector<16xf32>,
    %swap3A_173 = arith.constant 120 : i32
    %swap3A_174 = arith.index_cast %swap3A_173 : i32 to index
    %swap3A_175 = arith.constant 16 : index
    %swap3A_176 = tpu.vector_load %arg22[%swap3A_174, %swap3A_175] {strides = array<i32>} : memref<128x32xf32, #tpu.memory_space<vmem>>, vector<16xf32>,
    tpu.vector_store %arg22[%swap3A_174, %swap3A_175], %broadcast_in_dim3A_169 {strides = array<i32>} : memref<128x32xf32, #tpu.memory_space<vmem>>, vector<16xf32>,
    %swap3A_177 = arith.constant 121 : i32
    %swap3A_178 = arith.index_cast %swap3A_177 : i32 to index
    %swap3A_179 = arith.constant 0 : index
    %swap3A_180 = tpu.vector_load %arg22[%swap3A_178, %swap3A_179] {strides = array<i32>} : memref<128x32xf32, #tpu.memory_space<vmem>>, vector<16xf32>,
    tpu.vector_store %arg22[%swap3A_178, %swap3A_179], %broadcast_in_dim3A_169 {strides = array<i32>} : memref<128x32xf32, #tpu.memory_space<vmem>>, vector<16xf32>,
    %swap3A_181 = arith.constant 121 : i32
    %swap3A_182 = arith.index_cast %swap3A_181 : i32 to index
    %swap3A_183 = arith.constant 16 : index
    %swap3A_184 = tpu.vector_load %arg22[%swap3A_182, %swap3A_183] {strides = array<i32>} : memref<128x32xf32, #tpu.memory_space<vmem>>, vector<16xf32>,
    tpu.vector_store %arg22[%swap3A_182, %swap3A_183], %broadcast_in_dim3A_169 {strides = array<i32>} : memref<128x32xf32, #tpu.memory_space<vmem>>, vector<16xf32>,
    %swap3A_185 = arith.constant 122 : i32
    %swap3A_186 = arith.index_cast %swap3A_185 : i32 to index
    %swap3A_187 = arith.constant 0 : index
    %swap3A_188 = tpu.vector_load %arg22[%swap3A_186, %swap3A_187] {strides = array<i32>} : memref<128x32xf32, #tpu.memory_space<vmem>>, vector<16xf32>,
    tpu.vector_store %arg22[%swap3A_186, %swap3A_187], %broadcast_in_dim3A_169 {strides = array<i32>} : memref<128x32xf32, #tpu.memory_space<vmem>>, vector<16xf32>,
    %swap3A_189 = arith.constant 122 : i32
    %swap3A_190 = arith.index_cast %swap3A_189 : i32 to index
    %swap3A_191 = arith.constant 16 : index
    %swap3A_192 = tpu.vector_load %arg22[%swap3A_190, %swap3A_191] {strides = array<i32>} : memref<128x32xf32, #tpu.memory_space<vmem>>, vector<16xf32>,
    tpu.vector_store %arg22[%swap3A_190, %swap3A_191], %broadcast_in_dim3A_169 {strides = array<i32>} : memref<128x32xf32, #tpu.memory_space<vmem>>, vector<16xf32>,
    %swap3A_193 = arith.constant 123 : i32
    %swap3A_194 = arith.index_cast %swap3A_193 : i32 to index
    %swap3A_195 = arith.constant 0 : index
    %swap3A_196 = tpu.vector_load %arg22[%swap3A_194, %swap3A_195] {strides = array<i32>} : memref<128x32xf32, #tpu.memory_space<vmem>>, vector<16xf32>,
    tpu.vector_store %arg22[%swap3A_194, %swap3A_195], %broadcast_in_dim3A_169 {strides = array<i32>} : memref<128x32xf32, #tpu.memory_space<vmem>>, vector<16xf32>,
    %swap3A_197 = arith.constant 123 : i32
    %swap3A_198 = arith.index_cast %swap3A_197 : i32 to index
    %swap3A_199 = arith.constant 16 : index
    %swap3A_200 = tpu.vector_load %arg22[%swap3A_198, %swap3A_199] {strides = array<i32>} : memref<128x32xf32, #tpu.memory_space<vmem>>, vector<16xf32>,
    tpu.vector_store %arg22[%swap3A_198, %swap3A_199], %broadcast_in_dim3A_169 {strides = array<i32>} : memref<128x32xf32, #tpu.memory_space<vmem>>, vector<16xf32>,
    %swap3A_201 = arith.constant 124 : i32
    %swap3A_202 = arith.index_cast %swap3A_201 : i32 to index
    %swap3A_203 = arith.constant 0 : index
    %swap3A_204 = tpu.vector_load %arg22[%swap3A_202, %swap3A_203] {strides = array<i32>} : memref<128x32xf32, #tpu.memory_space<vmem>>, vector<16xf32>,
    tpu.vector_store %arg22[%swap3A_202, %swap3A_203], %broadcast_in_dim3A_169 {strides = array<i32>} : memref<128x32xf32, #tpu.memory_space<vmem>>, vector<16xf32>,
    %swap3A_205 = arith.constant 124 : i32
    %swap3A_206 = arith.index_cast %swap3A_205 : i32 to index
    %swap3A_207 = arith.constant 16 : index
    %swap3A_208 = tpu.vector_load %arg22[%swap3A_206, %swap3A_207] {strides = array<i32>} : memref<128x32xf32, #tpu.memory_space<vmem>>, vector<16xf32>,
    tpu.vector_store %arg22[%swap3A_206, %swap3A_207], %broadcast_in_dim3A_169 {strides = array<i32>} : memref<128x32xf32, #tpu.memory_space<vmem>>, vector<16xf32>,
    %swap3A_209 = arith.constant 125 : i32
    %swap3A_210 = arith.index_cast %swap3A_209 : i32 to index
    %swap3A_211 = arith.constant 0 : index
    %swap3A_212 = tpu.vector_load %arg22[%swap3A_210, %swap3A_211] {strides = array<i32>} : memref<128x32xf32, #tpu.memory_space<vmem>>, vector<16xf32>,
    tpu.vector_store %arg22[%swap3A_210, %swap3A_211], %broadcast_in_dim3A_169 {strides = array<i32>} : memref<128x32xf32, #tpu.memory_space<vmem>>, vector<16xf32>,
    %swap3A_213 = arith.constant 125 : i32
    %swap3A_214 = arith.index_cast %swap3A_213 : i32 to index
    %swap3A_215 = arith.constant 16 : index
    %swap3A_216 = tpu.vector_load %arg22[%swap3A_214, %swap3A_215] {strides = array<i32>} : memref<128x32xf32, #tpu.memory_space<vmem>>, vector<16xf32>,
    tpu.vector_store %arg22[%swap3A_214, %swap3A_215], %broadcast_in_dim3A_169 {strides = array<i32>} : memref<128x32xf32, #tpu.memory_space<vmem>>, vector<16xf32>,
    %swap3A_217 = arith.constant 126 : i32
    %swap3A_218 = arith.index_cast %swap3A_217 : i32 to index
    %swap3A_219 = arith.constant 0 : index
    %swap3A_220 = tpu.vector_load %arg22[%swap3A_218, %swap3A_219] {strides = array<i32>} : memref<128x32xf32, #tpu.memory_space<vmem>>, vector<16xf32>,
    tpu.vector_store %arg22[%swap3A_218, %swap3A_219], %broadcast_in_dim3A_169 {strides = array<i32>} : memref<128x32xf32, #tpu.memory_space<vmem>>, vector<16xf32>,
    %swap3A_221 = arith.constant 126 : i32
    %swap3A_222 = arith.index_cast %swap3A_221 : i32 to index
    %swap3A_223 = arith.constant 16 : index
    %swap3A_224 = tpu.vector_load %arg22[%swap3A_222, %swap3A_223] {strides = array<i32>} : memref<128x32xf32, #tpu.memory_space<vmem>>, vector<16xf32>,
    tpu.vector_store %arg22[%swap3A_222, %swap3A_223], %broadcast_in_dim3A_169 {strides = array<i32>} : memref<128x32xf32, #tpu.memory_space<vmem>>, vector<16xf32>,
    %swap3A_225 = arith.constant 127 : i32
    %swap3A_226 = arith.index_cast %swap3A_225 : i32 to index
    %swap3A_227 = arith.constant 0 : index
    %swap3A_228 = tpu.vector_load %arg22[%swap3A_226, %swap3A_227] {strides = array<i32>} : memref<128x32xf32, #tpu.memory_space<vmem>>, vector<16xf32>,
    tpu.vector_store %arg22[%swap3A_226, %swap3A_227], %broadcast_in_dim3A_169 {strides = array<i32>} : memref<128x32xf32, #tpu.memory_space<vmem>>, vector<16xf32>,
    %swap3A_229 = arith.constant 127 : i32
    %swap3A_230 = arith.index_cast %swap3A_229 : i32 to index
    %swap3A_231 = arith.constant 16 : index
    %swap3A_232 = tpu.vector_load %arg22[%swap3A_230, %swap3A_231] {strides = array<i32>} : memref<128x32xf32, #tpu.memory_space<vmem>>, vector<16xf32>,
    tpu.vector_store %arg22[%swap3A_230, %swap3A_231], %broadcast_in_dim3A_169 {strides = array<i32>} : memref<128x32xf32, #tpu.memory_space<vmem>>, vector<16xf32>,
    %iota3A = tpu.iota {dimensions = array<i32: 0>} : vector<16xi32>
    %scan3A = arith.constant 0 : i32
    %scan3A_233 = arith.constant 0 : i32
    %scan3A_234 = arith.constant 2 : i32
    %scan3A_235 = arith.addi %scan3A_233, %scan3A_234 : i32
    %scan3A_236 = arith.constant 1 : i32
    scf.for %scan3A_395 = %scan3A_233 to %scan3A_235 step %scan3A_236  : i32 {
      %mul3A_396 = arith.constant 16 : i32
      %mul3A_397 = arith.muli %scan3A_395, %mul3A_396 : i32
      %add3A_398 = vector.broadcast %mul3A_397 : i32 to vector<16xi32>
      %add3A_399 = arith.addi %add3A_398, %iota3A : vector<16xi32>
      %broadcast_in_dim3A_400 = arith.constant 0.000000e+00 : f32
      %broadcast_in_dim3A_401 = vector.broadcast %broadcast_in_dim3A_400 : f32 to vector<16xf32>
      %broadcast_in_dim3A_402 = arith.constant 0 : i32
      %broadcast_in_dim3A_403 = vector.broadcast %broadcast_in_dim3A_402 : i32 to vector<16xi32>
      %gather3A = tpu.vector_load_idx %arg21[%add3A_399, %broadcast_in_dim3A_403] : memref<32x32xf32, #tpu.memory_space<vmem>>[vector<16xi32>, vector<16xi32>], vector<16xf32>,
      %mul3A_404 = arith.mulf %gather3A, %gather3A : vector<16xf32>
      %add3A_405 = arith.addf %broadcast_in_dim3A_401, %mul3A_404 : vector<16xf32>
      %broadcast_in_dim3A_406 = arith.constant 1 : i32
      %broadcast_in_dim3A_407 = vector.broadcast %broadcast_in_dim3A_406 : i32 to vector<16xi32>
      %gather3A_408 = tpu.vector_load_idx %arg21[%add3A_399, %broadcast_in_dim3A_407] : memref<32x32xf32, #tpu.memory_space<vmem>>[vector<16xi32>, vector<16xi32>], vector<16xf32>,
      %mul3A_409 = arith.mulf %gather3A_408, %gather3A_408 : vector<16xf32>
      %add3A_410 = arith.addf %add3A_405, %mul3A_409 : vector<16xf32>
      %broadcast_in_dim3A_411 = arith.constant 2 : i32
      %broadcast_in_dim3A_412 = vector.broadcast %broadcast_in_dim3A_411 : i32 to vector<16xi32>
      %gather3A_413 = tpu.vector_load_idx %arg21[%add3A_399, %broadcast_in_dim3A_412] : memref<32x32xf32, #tpu.memory_space<vmem>>[vector<16xi32>, vector<16xi32>], vector<16xf32>,
      %mul3A_414 = arith.mulf %gather3A_413, %gather3A_413 : vector<16xf32>
      %add3A_415 = arith.addf %add3A_410, %mul3A_414 : vector<16xf32>
      %broadcast_in_dim3A_416 = arith.constant 3 : i32
      %broadcast_in_dim3A_417 = vector.broadcast %broadcast_in_dim3A_416 : i32 to vector<16xi32>
      %gather3A_418 = tpu.vector_load_idx %arg21[%add3A_399, %broadcast_in_dim3A_417] : memref<32x32xf32, #tpu.memory_space<vmem>>[vector<16xi32>, vector<16xi32>], vector<16xf32>,
      %mul3A_419 = arith.mulf %gather3A_418, %gather3A_418 : vector<16xf32>
      %add3A_420 = arith.addf %add3A_415, %mul3A_419 : vector<16xf32>
      %broadcast_in_dim3A_421 = arith.constant 4 : i32
      %broadcast_in_dim3A_422 = vector.broadcast %broadcast_in_dim3A_421 : i32 to vector<16xi32>
      %gather3A_423 = tpu.vector_load_idx %arg21[%add3A_399, %broadcast_in_dim3A_422] : memref<32x32xf32, #tpu.memory_space<vmem>>[vector<16xi32>, vector<16xi32>], vector<16xf32>,
      %mul3A_424 = arith.mulf %gather3A_423, %gather3A_423 : vector<16xf32>
      %add3A_425 = arith.addf %add3A_420, %mul3A_424 : vector<16xf32>
      %broadcast_in_dim3A_426 = arith.constant 5 : i32
      %broadcast_in_dim3A_427 = vector.broadcast %broadcast_in_dim3A_426 : i32 to vector<16xi32>
      %gather3A_428 = tpu.vector_load_idx %arg21[%add3A_399, %broadcast_in_dim3A_427] : memref<32x32xf32, #tpu.memory_space<vmem>>[vector<16xi32>, vector<16xi32>], vector<16xf32>,
      %mul3A_429 = arith.mulf %gather3A_428, %gather3A_428 : vector<16xf32>
      %add3A_430 = arith.addf %add3A_425, %mul3A_429 : vector<16xf32>
      %broadcast_in_dim3A_431 = arith.constant 6 : i32
      %broadcast_in_dim3A_432 = vector.broadcast %broadcast_in_dim3A_431 : i32 to vector<16xi32>
      %gather3A_433 = tpu.vector_load_idx %arg21[%add3A_399, %broadcast_in_dim3A_432] : memref<32x32xf32, #tpu.memory_space<vmem>>[vector<16xi32>, vector<16xi32>], vector<16xf32>,
      %mul3A_434 = arith.mulf %gather3A_433, %gather3A_433 : vector<16xf32>
      %add3A_435 = arith.addf %add3A_430, %mul3A_434 : vector<16xf32>
      %broadcast_in_dim3A_436 = arith.constant 7 : i32
      %broadcast_in_dim3A_437 = vector.broadcast %broadcast_in_dim3A_436 : i32 to vector<16xi32>
      %gather3A_438 = tpu.vector_load_idx %arg21[%add3A_399, %broadcast_in_dim3A_437] : memref<32x32xf32, #tpu.memory_space<vmem>>[vector<16xi32>, vector<16xi32>], vector<16xf32>,
      %mul3A_439 = arith.mulf %gather3A_438, %gather3A_438 : vector<16xf32>
      %add3A_440 = arith.addf %add3A_435, %mul3A_439 : vector<16xf32>
      %broadcast_in_dim3A_441 = arith.constant 8 : i32
      %broadcast_in_dim3A_442 = vector.broadcast %broadcast_in_dim3A_441 : i32 to vector<16xi32>
      %gather3A_443 = tpu.vector_load_idx %arg21[%add3A_399, %broadcast_in_dim3A_442] : memref<32x32xf32, #tpu.memory_space<vmem>>[vector<16xi32>, vector<16xi32>], vector<16xf32>,
      %mul3A_444 = arith.mulf %gather3A_443, %gather3A_443 : vector<16xf32>
      %add3A_445 = arith.addf %add3A_440, %mul3A_444 : vector<16xf32>
      %broadcast_in_dim3A_446 = arith.constant 9 : i32
      %broadcast_in_dim3A_447 = vector.broadcast %broadcast_in_dim3A_446 : i32 to vector<16xi32>
      %gather3A_448 = tpu.vector_load_idx %arg21[%add3A_399, %broadcast_in_dim3A_447] : memref<32x32xf32, #tpu.memory_space<vmem>>[vector<16xi32>, vector<16xi32>], vector<16xf32>,
      %mul3A_449 = arith.mulf %gather3A_448, %gather3A_448 : vector<16xf32>
      %add3A_450 = arith.addf %add3A_445, %mul3A_449 : vector<16xf32>
      %broadcast_in_dim3A_451 = arith.constant 10 : i32
      %broadcast_in_dim3A_452 = vector.broadcast %broadcast_in_dim3A_451 : i32 to vector<16xi32>
      %gather3A_453 = tpu.vector_load_idx %arg21[%add3A_399, %broadcast_in_dim3A_452] : memref<32x32xf32, #tpu.memory_space<vmem>>[vector<16xi32>, vector<16xi32>], vector<16xf32>,
      %mul3A_454 = arith.mulf %gather3A_453, %gather3A_453 : vector<16xf32>
      %add3A_455 = arith.addf %add3A_450, %mul3A_454 : vector<16xf32>
      %broadcast_in_dim3A_456 = arith.constant 11 : i32
      %broadcast_in_dim3A_457 = vector.broadcast %broadcast_in_dim3A_456 : i32 to vector<16xi32>
      %gather3A_458 = tpu.vector_load_idx %arg21[%add3A_399, %broadcast_in_dim3A_457] : memref<32x32xf32, #tpu.memory_space<vmem>>[vector<16xi32>, vector<16xi32>], vector<16xf32>,
      %mul3A_459 = arith.mulf %gather3A_458, %gather3A_458 : vector<16xf32>
      %add3A_460 = arith.addf %add3A_455, %mul3A_459 : vector<16xf32>
      %broadcast_in_dim3A_461 = arith.constant 12 : i32
      %broadcast_in_dim3A_462 = vector.broadcast %broadcast_in_dim3A_461 : i32 to vector<16xi32>
      %gather3A_463 = tpu.vector_load_idx %arg21[%add3A_399, %broadcast_in_dim3A_462] : memref<32x32xf32, #tpu.memory_space<vmem>>[vector<16xi32>, vector<16xi32>], vector<16xf32>,
      %mul3A_464 = arith.mulf %gather3A_463, %gather3A_463 : vector<16xf32>
      %add3A_465 = arith.addf %add3A_460, %mul3A_464 : vector<16xf32>
      %broadcast_in_dim3A_466 = arith.constant 13 : i32
      %broadcast_in_dim3A_467 = vector.broadcast %broadcast_in_dim3A_466 : i32 to vector<16xi32>
      %gather3A_468 = tpu.vector_load_idx %arg21[%add3A_399, %broadcast_in_dim3A_467] : memref<32x32xf32, #tpu.memory_space<vmem>>[vector<16xi32>, vector<16xi32>], vector<16xf32>,
      %mul3A_469 = arith.mulf %gather3A_468, %gather3A_468 : vector<16xf32>
      %add3A_470 = arith.addf %add3A_465, %mul3A_469 : vector<16xf32>
      %broadcast_in_dim3A_471 = arith.constant 14 : i32
      %broadcast_in_dim3A_472 = vector.broadcast %broadcast_in_dim3A_471 : i32 to vector<16xi32>
      %gather3A_473 = tpu.vector_load_idx %arg21[%add3A_399, %broadcast_in_dim3A_472] : memref<32x32xf32, #tpu.memory_space<vmem>>[vector<16xi32>, vector<16xi32>], vector<16xf32>,
      %mul3A_474 = arith.mulf %gather3A_473, %gather3A_473 : vector<16xf32>
      %add3A_475 = arith.addf %add3A_470, %mul3A_474 : vector<16xf32>
      %broadcast_in_dim3A_476 = arith.constant 15 : i32
      %broadcast_in_dim3A_477 = vector.broadcast %broadcast_in_dim3A_476 : i32 to vector<16xi32>
      %gather3A_478 = tpu.vector_load_idx %arg21[%add3A_399, %broadcast_in_dim3A_477] : memref<32x32xf32, #tpu.memory_space<vmem>>[vector<16xi32>, vector<16xi32>], vector<16xf32>,
      %mul3A_479 = arith.mulf %gather3A_478, %gather3A_478 : vector<16xf32>
      %add3A_480 = arith.addf %add3A_475, %mul3A_479 : vector<16xf32>
      %broadcast_in_dim3A_481 = arith.constant 16 : i32
      %broadcast_in_dim3A_482 = vector.broadcast %broadcast_in_dim3A_481 : i32 to vector<16xi32>
      %gather3A_483 = tpu.vector_load_idx %arg21[%add3A_399, %broadcast_in_dim3A_482] : memref<32x32xf32, #tpu.memory_space<vmem>>[vector<16xi32>, vector<16xi32>], vector<16xf32>,
      %mul3A_484 = arith.mulf %gather3A_483, %gather3A_483 : vector<16xf32>
      %add3A_485 = arith.addf %add3A_480, %mul3A_484 : vector<16xf32>
      %broadcast_in_dim3A_486 = arith.constant 17 : i32
      %broadcast_in_dim3A_487 = vector.broadcast %broadcast_in_dim3A_486 : i32 to vector<16xi32>
      %gather3A_488 = tpu.vector_load_idx %arg21[%add3A_399, %broadcast_in_dim3A_487] : memref<32x32xf32, #tpu.memory_space<vmem>>[vector<16xi32>, vector<16xi32>], vector<16xf32>,
      %mul3A_489 = arith.mulf %gather3A_488, %gather3A_488 : vector<16xf32>
      %add3A_490 = arith.addf %add3A_485, %mul3A_489 : vector<16xf32>
      %broadcast_in_dim3A_491 = arith.constant 18 : i32
      %broadcast_in_dim3A_492 = vector.broadcast %broadcast_in_dim3A_491 : i32 to vector<16xi32>
      %gather3A_493 = tpu.vector_load_idx %arg21[%add3A_399, %broadcast_in_dim3A_492] : memref<32x32xf32, #tpu.memory_space<vmem>>[vector<16xi32>, vector<16xi32>], vector<16xf32>,
      %mul3A_494 = arith.mulf %gather3A_493, %gather3A_493 : vector<16xf32>
      %add3A_495 = arith.addf %add3A_490, %mul3A_494 : vector<16xf32>
      %broadcast_in_dim3A_496 = arith.constant 19 : i32
      %broadcast_in_dim3A_497 = vector.broadcast %broadcast_in_dim3A_496 : i32 to vector<16xi32>
      %gather3A_498 = tpu.vector_load_idx %arg21[%add3A_399, %broadcast_in_dim3A_497] : memref<32x32xf32, #tpu.memory_space<vmem>>[vector<16xi32>, vector<16xi32>], vector<16xf32>,
      %mul3A_499 = arith.mulf %gather3A_498, %gather3A_498 : vector<16xf32>
      %add3A_500 = arith.addf %add3A_495, %mul3A_499 : vector<16xf32>
      %broadcast_in_dim3A_501 = arith.constant 20 : i32
      %broadcast_in_dim3A_502 = vector.broadcast %broadcast_in_dim3A_501 : i32 to vector<16xi32>
      %gather3A_503 = tpu.vector_load_idx %arg21[%add3A_399, %broadcast_in_dim3A_502] : memref<32x32xf32, #tpu.memory_space<vmem>>[vector<16xi32>, vector<16xi32>], vector<16xf32>,
      %mul3A_504 = arith.mulf %gather3A_503, %gather3A_503 : vector<16xf32>
      %add3A_505 = arith.addf %add3A_500, %mul3A_504 : vector<16xf32>
      %broadcast_in_dim3A_506 = arith.constant 21 : i32
      %broadcast_in_dim3A_507 = vector.broadcast %broadcast_in_dim3A_506 : i32 to vector<16xi32>
      %gather3A_508 = tpu.vector_load_idx %arg21[%add3A_399, %broadcast_in_dim3A_507] : memref<32x32xf32, #tpu.memory_space<vmem>>[vector<16xi32>, vector<16xi32>], vector<16xf32>,
      %mul3A_509 = arith.mulf %gather3A_508, %gather3A_508 : vector<16xf32>
      %add3A_510 = arith.addf %add3A_505, %mul3A_509 : vector<16xf32>
      %broadcast_in_dim3A_511 = arith.constant 22 : i32
      %broadcast_in_dim3A_512 = vector.broadcast %broadcast_in_dim3A_511 : i32 to vector<16xi32>
      %gather3A_513 = tpu.vector_load_idx %arg21[%add3A_399, %broadcast_in_dim3A_512] : memref<32x32xf32, #tpu.memory_space<vmem>>[vector<16xi32>, vector<16xi32>], vector<16xf32>,
      %mul3A_514 = arith.mulf %gather3A_513, %gather3A_513 : vector<16xf32>
      %add3A_515 = arith.addf %add3A_510, %mul3A_514 : vector<16xf32>
      %broadcast_in_dim3A_516 = arith.constant 23 : i32
      %broadcast_in_dim3A_517 = vector.broadcast %broadcast_in_dim3A_516 : i32 to vector<16xi32>
      %gather3A_518 = tpu.vector_load_idx %arg21[%add3A_399, %broadcast_in_dim3A_517] : memref<32x32xf32, #tpu.memory_space<vmem>>[vector<16xi32>, vector<16xi32>], vector<16xf32>,
      %mul3A_519 = arith.mulf %gather3A_518, %gather3A_518 : vector<16xf32>
      %add3A_520 = arith.addf %add3A_515, %mul3A_519 : vector<16xf32>
      %broadcast_in_dim3A_521 = arith.constant 24 : i32
      %broadcast_in_dim3A_522 = vector.broadcast %broadcast_in_dim3A_521 : i32 to vector<16xi32>
      %gather3A_523 = tpu.vector_load_idx %arg21[%add3A_399, %broadcast_in_dim3A_522] : memref<32x32xf32, #tpu.memory_space<vmem>>[vector<16xi32>, vector<16xi32>], vector<16xf32>,
      %mul3A_524 = arith.mulf %gather3A_523, %gather3A_523 : vector<16xf32>
      %add3A_525 = arith.addf %add3A_520, %mul3A_524 : vector<16xf32>
      %broadcast_in_dim3A_526 = arith.constant 25 : i32
      %broadcast_in_dim3A_527 = vector.broadcast %broadcast_in_dim3A_526 : i32 to vector<16xi32>
      %gather3A_528 = tpu.vector_load_idx %arg21[%add3A_399, %broadcast_in_dim3A_527] : memref<32x32xf32, #tpu.memory_space<vmem>>[vector<16xi32>, vector<16xi32>], vector<16xf32>,
      %mul3A_529 = arith.mulf %gather3A_528, %gather3A_528 : vector<16xf32>
      %add3A_530 = arith.addf %add3A_525, %mul3A_529 : vector<16xf32>
      %broadcast_in_dim3A_531 = arith.constant 26 : i32
      %broadcast_in_dim3A_532 = vector.broadcast %broadcast_in_dim3A_531 : i32 to vector<16xi32>
      %gather3A_533 = tpu.vector_load_idx %arg21[%add3A_399, %broadcast_in_dim3A_532] : memref<32x32xf32, #tpu.memory_space<vmem>>[vector<16xi32>, vector<16xi32>], vector<16xf32>,
      %mul3A_534 = arith.mulf %gather3A_533, %gather3A_533 : vector<16xf32>
      %add3A_535 = arith.addf %add3A_530, %mul3A_534 : vector<16xf32>
      %broadcast_in_dim3A_536 = arith.constant 27 : i32
      %broadcast_in_dim3A_537 = vector.broadcast %broadcast_in_dim3A_536 : i32 to vector<16xi32>
      %gather3A_538 = tpu.vector_load_idx %arg21[%add3A_399, %broadcast_in_dim3A_537] : memref<32x32xf32, #tpu.memory_space<vmem>>[vector<16xi32>, vector<16xi32>], vector<16xf32>,
      %mul3A_539 = arith.mulf %gather3A_538, %gather3A_538 : vector<16xf32>
      %add3A_540 = arith.addf %add3A_535, %mul3A_539 : vector<16xf32>
      %broadcast_in_dim3A_541 = arith.constant 28 : i32
      %broadcast_in_dim3A_542 = vector.broadcast %broadcast_in_dim3A_541 : i32 to vector<16xi32>
      %gather3A_543 = tpu.vector_load_idx %arg21[%add3A_399, %broadcast_in_dim3A_542] : memref<32x32xf32, #tpu.memory_space<vmem>>[vector<16xi32>, vector<16xi32>], vector<16xf32>,
      %mul3A_544 = arith.mulf %gather3A_543, %gather3A_543 : vector<16xf32>
      %add3A_545 = arith.addf %add3A_540, %mul3A_544 : vector<16xf32>
      %broadcast_in_dim3A_546 = arith.constant 29 : i32
      %broadcast_in_dim3A_547 = vector.broadcast %broadcast_in_dim3A_546 : i32 to vector<16xi32>
      %gather3A_548 = tpu.vector_load_idx %arg21[%add3A_399, %broadcast_in_dim3A_547] : memref<32x32xf32, #tpu.memory_space<vmem>>[vector<16xi32>, vector<16xi32>], vector<16xf32>,
      %mul3A_549 = arith.mulf %gather3A_548, %gather3A_548 : vector<16xf32>
      %add3A_550 = arith.addf %add3A_545, %mul3A_549 : vector<16xf32>
      %broadcast_in_dim3A_551 = arith.constant 30 : i32
      %broadcast_in_dim3A_552 = vector.broadcast %broadcast_in_dim3A_551 : i32 to vector<16xi32>
      %gather3A_553 = tpu.vector_load_idx %arg21[%add3A_399, %broadcast_in_dim3A_552] : memref<32x32xf32, #tpu.memory_space<vmem>>[vector<16xi32>, vector<16xi32>], vector<16xf32>,
      %mul3A_554 = arith.mulf %gather3A_553, %gather3A_553 : vector<16xf32>
      %add3A_555 = arith.addf %add3A_550, %mul3A_554 : vector<16xf32>
      %broadcast_in_dim3A_556 = arith.constant 31 : i32
      %broadcast_in_dim3A_557 = vector.broadcast %broadcast_in_dim3A_556 : i32 to vector<16xi32>
      %gather3A_558 = tpu.vector_load_idx %arg21[%add3A_399, %broadcast_in_dim3A_557] : memref<32x32xf32, #tpu.memory_space<vmem>>[vector<16xi32>, vector<16xi32>], vector<16xf32>,
      %mul3A_559 = arith.mulf %gather3A_558, %gather3A_558 : vector<16xf32>
      %add3A_560 = arith.addf %add3A_555, %mul3A_559 : vector<16xf32>
      %gt3A = arith.constant 1.000000e-16 : f32
      %gt3A_561 = vector.broadcast %gt3A : f32 to vector<16xf32>
      %gt3A_562 = arith.cmpf ogt, %add3A_560, %gt3A_561 : vector<16xf32>
      %bitcast3A = vector.bitcast %add3A_560 : vector<16xf32> to vector<16xi32>
      %shift_right_arithmetic3A = arith.constant 1 : i32
      %shift_right_arithmetic3A_563 = vector.broadcast %shift_right_arithmetic3A : i32 to vector<16xi32>
      %shift_right_arithmetic3A_564 = arith.shrsi %bitcast3A, %shift_right_arithmetic3A_563 : vector<16xi32>
      %sub3A = arith.constant 1597463007 : i32
      %sub3A_565 = vector.broadcast %sub3A : i32 to vector<16xi32>
      %sub3A_566 = arith.subi %sub3A_565, %shift_right_arithmetic3A_564 : vector<16xi32>
      %bitcast3A_567 = vector.bitcast %sub3A_566 : vector<16xi32> to vector<16xf32>
      %mul3A_568 = arith.constant 5.000000e-01 : f32
      %mul3A_569 = vector.broadcast %mul3A_568 : f32 to vector<16xf32>
      %mul3A_570 = arith.mulf %mul3A_569, %add3A_560 : vector<16xf32>
      %mul3A_571 = arith.mulf %mul3A_570, %bitcast3A_567 : vector<16xf32>
      %mul3A_572 = arith.mulf %mul3A_571, %bitcast3A_567 : vector<16xf32>
      %sub3A_573 = arith.constant 1.500000e+00 : f32
      %sub3A_574 = vector.broadcast %sub3A_573 : f32 to vector<16xf32>
      %sub3A_575 = arith.subf %sub3A_574, %mul3A_572 : vector<16xf32>
      %mul3A_576 = arith.mulf %bitcast3A_567, %sub3A_575 : vector<16xf32>
      %mul3A_577 = arith.constant 5.000000e-01 : f32
      %mul3A_578 = vector.broadcast %mul3A_577 : f32 to vector<16xf32>
      %mul3A_579 = arith.mulf %mul3A_578, %add3A_560 : vector<16xf32>
      %mul3A_580 = arith.mulf %mul3A_579, %mul3A_576 : vector<16xf32>
      %mul3A_581 = arith.mulf %mul3A_580, %mul3A_576 : vector<16xf32>
      %sub3A_582 = arith.constant 1.500000e+00 : f32
      %sub3A_583 = vector.broadcast %sub3A_582 : f32 to vector<16xf32>
      %sub3A_584 = arith.subf %sub3A_583, %mul3A_581 : vector<16xf32>
      %mul3A_585 = arith.mulf %mul3A_576, %sub3A_584 : vector<16xf32>
      %mul3A_586 = arith.constant 5.000000e-01 : f32
      %mul3A_587 = vector.broadcast %mul3A_586 : f32 to vector<16xf32>
      %mul3A_588 = arith.mulf %mul3A_587, %add3A_560 : vector<16xf32>
      %mul3A_589 = arith.mulf %mul3A_588, %mul3A_585 : vector<16xf32>
      %mul3A_590 = arith.mulf %mul3A_589, %mul3A_585 : vector<16xf32>
      %sub3A_591 = arith.constant 1.500000e+00 : f32
      %sub3A_592 = vector.broadcast %sub3A_591 : f32 to vector<16xf32>
      %sub3A_593 = arith.subf %sub3A_592, %mul3A_590 : vector<16xf32>
      %mul3A_594 = arith.mulf %mul3A_585, %sub3A_593 : vector<16xf32>
      %jit3A = arith.constant 1.000000e+08 : f32
      %broadcast_in_dim3A_595 = vector.broadcast %jit3A : f32 to vector<16xf32>
      %select_n3A = arith.select %gt3A_562, %mul3A_594, %broadcast_in_dim3A_595 : vector<16xi1>, vector<16xf32>
      %broadcast_in_dim3A_596 = arith.constant 0 : i32
      %broadcast_in_dim3A_597 = vector.broadcast %broadcast_in_dim3A_596 : i32 to vector<16xi32>
      %gather3A_598 = tpu.vector_load_idx %arg21[%add3A_399, %broadcast_in_dim3A_597] : memref<32x32xf32, #tpu.memory_space<vmem>>[vector<16xi32>, vector<16xi32>], vector<16xf32>,
      %mul3A_599 = arith.mulf %gather3A_598, %select_n3A : vector<16xf32>
      tpu.vector_store_idx %arg21[%add3A_399, %broadcast_in_dim3A_597], %mul3A_599 : memref<32x32xf32, #tpu.memory_space<vmem>>[vector<16xi32>, vector<16xi32>], vector<16xf32>,
      %broadcast_in_dim3A_600 = arith.constant 1 : i32
      %broadcast_in_dim3A_601 = vector.broadcast %broadcast_in_dim3A_600 : i32 to vector<16xi32>
      %gather3A_602 = tpu.vector_load_idx %arg21[%add3A_399, %broadcast_in_dim3A_601] : memref<32x32xf32, #tpu.memory_space<vmem>>[vector<16xi32>, vector<16xi32>], vector<16xf32>,
      %mul3A_603 = arith.mulf %gather3A_602, %select_n3A : vector<16xf32>
      tpu.vector_store_idx %arg21[%add3A_399, %broadcast_in_dim3A_601], %mul3A_603 : memref<32x32xf32, #tpu.memory_space<vmem>>[vector<16xi32>, vector<16xi32>], vector<16xf32>,
      %broadcast_in_dim3A_604 = arith.constant 2 : i32
      %broadcast_in_dim3A_605 = vector.broadcast %broadcast_in_dim3A_604 : i32 to vector<16xi32>
      %gather3A_606 = tpu.vector_load_idx %arg21[%add3A_399, %broadcast_in_dim3A_605] : memref<32x32xf32, #tpu.memory_space<vmem>>[vector<16xi32>, vector<16xi32>], vector<16xf32>,
      %mul3A_607 = arith.mulf %gather3A_606, %select_n3A : vector<16xf32>
      tpu.vector_store_idx %arg21[%add3A_399, %broadcast_in_dim3A_605], %mul3A_607 : memref<32x32xf32, #tpu.memory_space<vmem>>[vector<16xi32>, vector<16xi32>], vector<16xf32>,
      %broadcast_in_dim3A_608 = arith.constant 3 : i32
      %broadcast_in_dim3A_609 = vector.broadcast %broadcast_in_dim3A_608 : i32 to vector<16xi32>
      %gather3A_610 = tpu.vector_load_idx %arg21[%add3A_399, %broadcast_in_dim3A_609] : memref<32x32xf32, #tpu.memory_space<vmem>>[vector<16xi32>, vector<16xi32>], vector<16xf32>,
      %mul3A_611 = arith.mulf %gather3A_610, %select_n3A : vector<16xf32>
      tpu.vector_store_idx %arg21[%add3A_399, %broadcast_in_dim3A_609], %mul3A_611 : memref<32x32xf32, #tpu.memory_space<vmem>>[vector<16xi32>, vector<16xi32>], vector<16xf32>,
      %broadcast_in_dim3A_612 = arith.constant 4 : i32
      %broadcast_in_dim3A_613 = vector.broadcast %broadcast_in_dim3A_612 : i32 to vector<16xi32>
      %gather3A_614 = tpu.vector_load_idx %arg21[%add3A_399, %broadcast_in_dim3A_613] : memref<32x32xf32, #tpu.memory_space<vmem>>[vector<16xi32>, vector<16xi32>], vector<16xf32>,
      %mul3A_615 = arith.mulf %gather3A_614, %select_n3A : vector<16xf32>
      tpu.vector_store_idx %arg21[%add3A_399, %broadcast_in_dim3A_613], %mul3A_615 : memref<32x32xf32, #tpu.memory_space<vmem>>[vector<16xi32>, vector<16xi32>], vector<16xf32>,
      %broadcast_in_dim3A_616 = arith.constant 5 : i32
      %broadcast_in_dim3A_617 = vector.broadcast %broadcast_in_dim3A_616 : i32 to vector<16xi32>
      %gather3A_618 = tpu.vector_load_idx %arg21[%add3A_399, %broadcast_in_dim3A_617] : memref<32x32xf32, #tpu.memory_space<vmem>>[vector<16xi32>, vector<16xi32>], vector<16xf32>,
      %mul3A_619 = arith.mulf %gather3A_618, %select_n3A : vector<16xf32>
      tpu.vector_store_idx %arg21[%add3A_399, %broadcast_in_dim3A_617], %mul3A_619 : memref<32x32xf32, #tpu.memory_space<vmem>>[vector<16xi32>, vector<16xi32>], vector<16xf32>,
      %broadcast_in_dim3A_620 = arith.constant 6 : i32
      %broadcast_in_dim3A_621 = vector.broadcast %broadcast_in_dim3A_620 : i32 to vector<16xi32>
      %gather3A_622 = tpu.vector_load_idx %arg21[%add3A_399, %broadcast_in_dim3A_621] : memref<32x32xf32, #tpu.memory_space<vmem>>[vector<16xi32>, vector<16xi32>], vector<16xf32>,
      %mul3A_623 = arith.mulf %gather3A_622, %select_n3A : vector<16xf32>
      tpu.vector_store_idx %arg21[%add3A_399, %broadcast_in_dim3A_621], %mul3A_623 : memref<32x32xf32, #tpu.memory_space<vmem>>[vector<16xi32>, vector<16xi32>], vector<16xf32>,
      %broadcast_in_dim3A_624 = arith.constant 7 : i32
      %broadcast_in_dim3A_625 = vector.broadcast %broadcast_in_dim3A_624 : i32 to vector<16xi32>
      %gather3A_626 = tpu.vector_load_idx %arg21[%add3A_399, %broadcast_in_dim3A_625] : memref<32x32xf32, #tpu.memory_space<vmem>>[vector<16xi32>, vector<16xi32>], vector<16xf32>,
      %mul3A_627 = arith.mulf %gather3A_626, %select_n3A : vector<16xf32>
      tpu.vector_store_idx %arg21[%add3A_399, %broadcast_in_dim3A_625], %mul3A_627 : memref<32x32xf32, #tpu.memory_space<vmem>>[vector<16xi32>, vector<16xi32>], vector<16xf32>,
      %broadcast_in_dim3A_628 = arith.constant 8 : i32
      %broadcast_in_dim3A_629 = vector.broadcast %broadcast_in_dim3A_628 : i32 to vector<16xi32>
      %gather3A_630 = tpu.vector_load_idx %arg21[%add3A_399, %broadcast_in_dim3A_629] : memref<32x32xf32, #tpu.memory_space<vmem>>[vector<16xi32>, vector<16xi32>], vector<16xf32>,
      %mul3A_631 = arith.mulf %gather3A_630, %select_n3A : vector<16xf32>
      tpu.vector_store_idx %arg21[%add3A_399, %broadcast_in_dim3A_629], %mul3A_631 : memref<32x32xf32, #tpu.memory_space<vmem>>[vector<16xi32>, vector<16xi32>], vector<16xf32>,
      %broadcast_in_dim3A_632 = arith.constant 9 : i32
      %broadcast_in_dim3A_633 = vector.broadcast %broadcast_in_dim3A_632 : i32 to vector<16xi32>
      %gather3A_634 = tpu.vector_load_idx %arg21[%add3A_399, %broadcast_in_dim3A_633] : memref<32x32xf32, #tpu.memory_space<vmem>>[vector<16xi32>, vector<16xi32>], vector<16xf32>,
      %mul3A_635 = arith.mulf %gather3A_634, %select_n3A : vector<16xf32>
      tpu.vector_store_idx %arg21[%add3A_399, %broadcast_in_dim3A_633], %mul3A_635 : memref<32x32xf32, #tpu.memory_space<vmem>>[vector<16xi32>, vector<16xi32>], vector<16xf32>,
      %broadcast_in_dim3A_636 = arith.constant 10 : i32
      %broadcast_in_dim3A_637 = vector.broadcast %broadcast_in_dim3A_636 : i32 to vector<16xi32>
      %gather3A_638 = tpu.vector_load_idx %arg21[%add3A_399, %broadcast_in_dim3A_637] : memref<32x32xf32, #tpu.memory_space<vmem>>[vector<16xi32>, vector<16xi32>], vector<16xf32>,
      %mul3A_639 = arith.mulf %gather3A_638, %select_n3A : vector<16xf32>
      tpu.vector_store_idx %arg21[%add3A_399, %broadcast_in_dim3A_637], %mul3A_639 : memref<32x32xf32, #tpu.memory_space<vmem>>[vector<16xi32>, vector<16xi32>], vector<16xf32>,
      %broadcast_in_dim3A_640 = arith.constant 11 : i32
      %broadcast_in_dim3A_641 = vector.broadcast %broadcast_in_dim3A_640 : i32 to vector<16xi32>
      %gather3A_642 = tpu.vector_load_idx %arg21[%add3A_399, %broadcast_in_dim3A_641] : memref<32x32xf32, #tpu.memory_space<vmem>>[vector<16xi32>, vector<16xi32>], vector<16xf32>,
      %mul3A_643 = arith.mulf %gather3A_642, %select_n3A : vector<16xf32>
      tpu.vector_store_idx %arg21[%add3A_399, %broadcast_in_dim3A_641], %mul3A_643 : memref<32x32xf32, #tpu.memory_space<vmem>>[vector<16xi32>, vector<16xi32>], vector<16xf32>,
      %broadcast_in_dim3A_644 = arith.constant 12 : i32
      %broadcast_in_dim3A_645 = vector.broadcast %broadcast_in_dim3A_644 : i32 to vector<16xi32>
      %gather3A_646 = tpu.vector_load_idx %arg21[%add3A_399, %broadcast_in_dim3A_645] : memref<32x32xf32, #tpu.memory_space<vmem>>[vector<16xi32>, vector<16xi32>], vector<16xf32>,
      %mul3A_647 = arith.mulf %gather3A_646, %select_n3A : vector<16xf32>
      tpu.vector_store_idx %arg21[%add3A_399, %broadcast_in_dim3A_645], %mul3A_647 : memref<32x32xf32, #tpu.memory_space<vmem>>[vector<16xi32>, vector<16xi32>], vector<16xf32>,
      %broadcast_in_dim3A_648 = arith.constant 13 : i32
      %broadcast_in_dim3A_649 = vector.broadcast %broadcast_in_dim3A_648 : i32 to vector<16xi32>
      %gather3A_650 = tpu.vector_load_idx %arg21[%add3A_399, %broadcast_in_dim3A_649] : memref<32x32xf32, #tpu.memory_space<vmem>>[vector<16xi32>, vector<16xi32>], vector<16xf32>,
      %mul3A_651 = arith.mulf %gather3A_650, %select_n3A : vector<16xf32>
      tpu.vector_store_idx %arg21[%add3A_399, %broadcast_in_dim3A_649], %mul3A_651 : memref<32x32xf32, #tpu.memory_space<vmem>>[vector<16xi32>, vector<16xi32>], vector<16xf32>,
      %broadcast_in_dim3A_652 = arith.constant 14 : i32
      %broadcast_in_dim3A_653 = vector.broadcast %broadcast_in_dim3A_652 : i32 to vector<16xi32>
      %gather3A_654 = tpu.vector_load_idx %arg21[%add3A_399, %broadcast_in_dim3A_653] : memref<32x32xf32, #tpu.memory_space<vmem>>[vector<16xi32>, vector<16xi32>], vector<16xf32>,
      %mul3A_655 = arith.mulf %gather3A_654, %select_n3A : vector<16xf32>
      tpu.vector_store_idx %arg21[%add3A_399, %broadcast_in_dim3A_653], %mul3A_655 : memref<32x32xf32, #tpu.memory_space<vmem>>[vector<16xi32>, vector<16xi32>], vector<16xf32>,
      %broadcast_in_dim3A_656 = arith.constant 15 : i32
      %broadcast_in_dim3A_657 = vector.broadcast %broadcast_in_dim3A_656 : i32 to vector<16xi32>
      %gather3A_658 = tpu.vector_load_idx %arg21[%add3A_399, %broadcast_in_dim3A_657] : memref<32x32xf32, #tpu.memory_space<vmem>>[vector<16xi32>, vector<16xi32>], vector<16xf32>,
      %mul3A_659 = arith.mulf %gather3A_658, %select_n3A : vector<16xf32>
      tpu.vector_store_idx %arg21[%add3A_399, %broadcast_in_dim3A_657], %mul3A_659 : memref<32x32xf32, #tpu.memory_space<vmem>>[vector<16xi32>, vector<16xi32>], vector<16xf32>,
      %broadcast_in_dim3A_660 = arith.constant 16 : i32
      %broadcast_in_dim3A_661 = vector.broadcast %broadcast_in_dim3A_660 : i32 to vector<16xi32>
      %gather3A_662 = tpu.vector_load_idx %arg21[%add3A_399, %broadcast_in_dim3A_661] : memref<32x32xf32, #tpu.memory_space<vmem>>[vector<16xi32>, vector<16xi32>], vector<16xf32>,
      %mul3A_663 = arith.mulf %gather3A_662, %select_n3A : vector<16xf32>
      tpu.vector_store_idx %arg21[%add3A_399, %broadcast_in_dim3A_661], %mul3A_663 : memref<32x32xf32, #tpu.memory_space<vmem>>[vector<16xi32>, vector<16xi32>], vector<16xf32>,
      %broadcast_in_dim3A_664 = arith.constant 17 : i32
      %broadcast_in_dim3A_665 = vector.broadcast %broadcast_in_dim3A_664 : i32 to vector<16xi32>
      %gather3A_666 = tpu.vector_load_idx %arg21[%add3A_399, %broadcast_in_dim3A_665] : memref<32x32xf32, #tpu.memory_space<vmem>>[vector<16xi32>, vector<16xi32>], vector<16xf32>,
      %mul3A_667 = arith.mulf %gather3A_666, %select_n3A : vector<16xf32>
      tpu.vector_store_idx %arg21[%add3A_399, %broadcast_in_dim3A_665], %mul3A_667 : memref<32x32xf32, #tpu.memory_space<vmem>>[vector<16xi32>, vector<16xi32>], vector<16xf32>,
      %broadcast_in_dim3A_668 = arith.constant 18 : i32
      %broadcast_in_dim3A_669 = vector.broadcast %broadcast_in_dim3A_668 : i32 to vector<16xi32>
      %gather3A_670 = tpu.vector_load_idx %arg21[%add3A_399, %broadcast_in_dim3A_669] : memref<32x32xf32, #tpu.memory_space<vmem>>[vector<16xi32>, vector<16xi32>], vector<16xf32>,
      %mul3A_671 = arith.mulf %gather3A_670, %select_n3A : vector<16xf32>
      tpu.vector_store_idx %arg21[%add3A_399, %broadcast_in_dim3A_669], %mul3A_671 : memref<32x32xf32, #tpu.memory_space<vmem>>[vector<16xi32>, vector<16xi32>], vector<16xf32>,
      %broadcast_in_dim3A_672 = arith.constant 19 : i32
      %broadcast_in_dim3A_673 = vector.broadcast %broadcast_in_dim3A_672 : i32 to vector<16xi32>
      %gather3A_674 = tpu.vector_load_idx %arg21[%add3A_399, %broadcast_in_dim3A_673] : memref<32x32xf32, #tpu.memory_space<vmem>>[vector<16xi32>, vector<16xi32>], vector<16xf32>,
      %mul3A_675 = arith.mulf %gather3A_674, %select_n3A : vector<16xf32>
      tpu.vector_store_idx %arg21[%add3A_399, %broadcast_in_dim3A_673], %mul3A_675 : memref<32x32xf32, #tpu.memory_space<vmem>>[vector<16xi32>, vector<16xi32>], vector<16xf32>,
      %broadcast_in_dim3A_676 = arith.constant 20 : i32
      %broadcast_in_dim3A_677 = vector.broadcast %broadcast_in_dim3A_676 : i32 to vector<16xi32>
      %gather3A_678 = tpu.vector_load_idx %arg21[%add3A_399, %broadcast_in_dim3A_677] : memref<32x32xf32, #tpu.memory_space<vmem>>[vector<16xi32>, vector<16xi32>], vector<16xf32>,
      %mul3A_679 = arith.mulf %gather3A_678, %select_n3A : vector<16xf32>
      tpu.vector_store_idx %arg21[%add3A_399, %broadcast_in_dim3A_677], %mul3A_679 : memref<32x32xf32, #tpu.memory_space<vmem>>[vector<16xi32>, vector<16xi32>], vector<16xf32>,
      %broadcast_in_dim3A_680 = arith.constant 21 : i32
      %broadcast_in_dim3A_681 = vector.broadcast %broadcast_in_dim3A_680 : i32 to vector<16xi32>
      %gather3A_682 = tpu.vector_load_idx %arg21[%add3A_399, %broadcast_in_dim3A_681] : memref<32x32xf32, #tpu.memory_space<vmem>>[vector<16xi32>, vector<16xi32>], vector<16xf32>,
      %mul3A_683 = arith.mulf %gather3A_682, %select_n3A : vector<16xf32>
      tpu.vector_store_idx %arg21[%add3A_399, %broadcast_in_dim3A_681], %mul3A_683 : memref<32x32xf32, #tpu.memory_space<vmem>>[vector<16xi32>, vector<16xi32>], vector<16xf32>,
      %broadcast_in_dim3A_684 = arith.constant 22 : i32
      %broadcast_in_dim3A_685 = vector.broadcast %broadcast_in_dim3A_684 : i32 to vector<16xi32>
      %gather3A_686 = tpu.vector_load_idx %arg21[%add3A_399, %broadcast_in_dim3A_685] : memref<32x32xf32, #tpu.memory_space<vmem>>[vector<16xi32>, vector<16xi32>], vector<16xf32>,
      %mul3A_687 = arith.mulf %gather3A_686, %select_n3A : vector<16xf32>
      tpu.vector_store_idx %arg21[%add3A_399, %broadcast_in_dim3A_685], %mul3A_687 : memref<32x32xf32, #tpu.memory_space<vmem>>[vector<16xi32>, vector<16xi32>], vector<16xf32>,
      %broadcast_in_dim3A_688 = arith.constant 23 : i32
      %broadcast_in_dim3A_689 = vector.broadcast %broadcast_in_dim3A_688 : i32 to vector<16xi32>
      %gather3A_690 = tpu.vector_load_idx %arg21[%add3A_399, %broadcast_in_dim3A_689] : memref<32x32xf32, #tpu.memory_space<vmem>>[vector<16xi32>, vector<16xi32>], vector<16xf32>,
      %mul3A_691 = arith.mulf %gather3A_690, %select_n3A : vector<16xf32>
      tpu.vector_store_idx %arg21[%add3A_399, %broadcast_in_dim3A_689], %mul3A_691 : memref<32x32xf32, #tpu.memory_space<vmem>>[vector<16xi32>, vector<16xi32>], vector<16xf32>,
      %broadcast_in_dim3A_692 = arith.constant 24 : i32
      %broadcast_in_dim3A_693 = vector.broadcast %broadcast_in_dim3A_692 : i32 to vector<16xi32>
      %gather3A_694 = tpu.vector_load_idx %arg21[%add3A_399, %broadcast_in_dim3A_693] : memref<32x32xf32, #tpu.memory_space<vmem>>[vector<16xi32>, vector<16xi32>], vector<16xf32>,
      %mul3A_695 = arith.mulf %gather3A_694, %select_n3A : vector<16xf32>
      tpu.vector_store_idx %arg21[%add3A_399, %broadcast_in_dim3A_693], %mul3A_695 : memref<32x32xf32, #tpu.memory_space<vmem>>[vector<16xi32>, vector<16xi32>], vector<16xf32>,
      %broadcast_in_dim3A_696 = arith.constant 25 : i32
      %broadcast_in_dim3A_697 = vector.broadcast %broadcast_in_dim3A_696 : i32 to vector<16xi32>
      %gather3A_698 = tpu.vector_load_idx %arg21[%add3A_399, %broadcast_in_dim3A_697] : memref<32x32xf32, #tpu.memory_space<vmem>>[vector<16xi32>, vector<16xi32>], vector<16xf32>,
      %mul3A_699 = arith.mulf %gather3A_698, %select_n3A : vector<16xf32>
      tpu.vector_store_idx %arg21[%add3A_399, %broadcast_in_dim3A_697], %mul3A_699 : memref<32x32xf32, #tpu.memory_space<vmem>>[vector<16xi32>, vector<16xi32>], vector<16xf32>,
      %broadcast_in_dim3A_700 = arith.constant 26 : i32
      %broadcast_in_dim3A_701 = vector.broadcast %broadcast_in_dim3A_700 : i32 to vector<16xi32>
      %gather3A_702 = tpu.vector_load_idx %arg21[%add3A_399, %broadcast_in_dim3A_701] : memref<32x32xf32, #tpu.memory_space<vmem>>[vector<16xi32>, vector<16xi32>], vector<16xf32>,
      %mul3A_703 = arith.mulf %gather3A_702, %select_n3A : vector<16xf32>
      tpu.vector_store_idx %arg21[%add3A_399, %broadcast_in_dim3A_701], %mul3A_703 : memref<32x32xf32, #tpu.memory_space<vmem>>[vector<16xi32>, vector<16xi32>], vector<16xf32>,
      %broadcast_in_dim3A_704 = arith.constant 27 : i32
      %broadcast_in_dim3A_705 = vector.broadcast %broadcast_in_dim3A_704 : i32 to vector<16xi32>
      %gather3A_706 = tpu.vector_load_idx %arg21[%add3A_399, %broadcast_in_dim3A_705] : memref<32x32xf32, #tpu.memory_space<vmem>>[vector<16xi32>, vector<16xi32>], vector<16xf32>,
      %mul3A_707 = arith.mulf %gather3A_706, %select_n3A : vector<16xf32>
      tpu.vector_store_idx %arg21[%add3A_399, %broadcast_in_dim3A_705], %mul3A_707 : memref<32x32xf32, #tpu.memory_space<vmem>>[vector<16xi32>, vector<16xi32>], vector<16xf32>,
      %broadcast_in_dim3A_708 = arith.constant 28 : i32
      %broadcast_in_dim3A_709 = vector.broadcast %broadcast_in_dim3A_708 : i32 to vector<16xi32>
      %gather3A_710 = tpu.vector_load_idx %arg21[%add3A_399, %broadcast_in_dim3A_709] : memref<32x32xf32, #tpu.memory_space<vmem>>[vector<16xi32>, vector<16xi32>], vector<16xf32>,
      %mul3A_711 = arith.mulf %gather3A_710, %select_n3A : vector<16xf32>
      tpu.vector_store_idx %arg21[%add3A_399, %broadcast_in_dim3A_709], %mul3A_711 : memref<32x32xf32, #tpu.memory_space<vmem>>[vector<16xi32>, vector<16xi32>], vector<16xf32>,
      %broadcast_in_dim3A_712 = arith.constant 29 : i32
      %broadcast_in_dim3A_713 = vector.broadcast %broadcast_in_dim3A_712 : i32 to vector<16xi32>
      %gather3A_714 = tpu.vector_load_idx %arg21[%add3A_399, %broadcast_in_dim3A_713] : memref<32x32xf32, #tpu.memory_space<vmem>>[vector<16xi32>, vector<16xi32>], vector<16xf32>,
      %mul3A_715 = arith.mulf %gather3A_714, %select_n3A : vector<16xf32>
      tpu.vector_store_idx %arg21[%add3A_399, %broadcast_in_dim3A_713], %mul3A_715 : memref<32x32xf32, #tpu.memory_space<vmem>>[vector<16xi32>, vector<16xi32>], vector<16xf32>,
      %broadcast_in_dim3A_716 = arith.constant 30 : i32
      %broadcast_in_dim3A_717 = vector.broadcast %broadcast_in_dim3A_716 : i32 to vector<16xi32>
      %gather3A_718 = tpu.vector_load_idx %arg21[%add3A_399, %broadcast_in_dim3A_717] : memref<32x32xf32, #tpu.memory_space<vmem>>[vector<16xi32>, vector<16xi32>], vector<16xf32>,
      %mul3A_719 = arith.mulf %gather3A_718, %select_n3A : vector<16xf32>
      tpu.vector_store_idx %arg21[%add3A_399, %broadcast_in_dim3A_717], %mul3A_719 : memref<32x32xf32, #tpu.memory_space<vmem>>[vector<16xi32>, vector<16xi32>], vector<16xf32>,
      %broadcast_in_dim3A_720 = arith.constant 31 : i32
      %broadcast_in_dim3A_721 = vector.broadcast %broadcast_in_dim3A_720 : i32 to vector<16xi32>
      %gather3A_722 = tpu.vector_load_idx %arg21[%add3A_399, %broadcast_in_dim3A_721] : memref<32x32xf32, #tpu.memory_space<vmem>>[vector<16xi32>, vector<16xi32>], vector<16xf32>,
      %mul3A_723 = arith.mulf %gather3A_722, %select_n3A : vector<16xf32>
      tpu.vector_store_idx %arg21[%add3A_399, %broadcast_in_dim3A_721], %mul3A_723 : memref<32x32xf32, #tpu.memory_space<vmem>>[vector<16xi32>, vector<16xi32>], vector<16xf32>,
    }
    %scan3A_237 = arith.constant 2 : i32
    %iota3A_238 = tpu.iota {dimensions = array<i32: 0>} : vector<16xi32>
    %scan3A_239 = arith.constant 0 : i32
    %scan3A_240 = arith.constant 0 : i32
    %scan3A_241 = arith.constant 8 : i32
    %scan3A_242 = arith.addi %scan3A_240, %scan3A_241 : i32
    %scan3A_243 = arith.constant 1 : i32
    scf.for %scan3A_395 = %scan3A_240 to %scan3A_242 step %scan3A_243  : i32 {
      %mul3A_396 = arith.constant 16 : i32
      %mul3A_397 = arith.muli %scan3A_395, %mul3A_396 : i32
      %add3A_398 = vector.broadcast %mul3A_397 : i32 to vector<16xi32>
      %add3A_399 = arith.addi %add3A_398, %iota3A_238 : vector<16xi32>
      %broadcast_in_dim3A_400 = arith.constant 0.000000e+00 : f32
      %broadcast_in_dim3A_401 = vector.broadcast %broadcast_in_dim3A_400 : f32 to vector<16xf32>
      %broadcast_in_dim3A_402 = arith.constant 0 : i32
      %broadcast_in_dim3A_403 = vector.broadcast %broadcast_in_dim3A_402 : i32 to vector<16xi32>
      %gather3A = tpu.vector_load_idx %arg22[%add3A_399, %broadcast_in_dim3A_403] : memref<128x32xf32, #tpu.memory_space<vmem>>[vector<16xi32>, vector<16xi32>], vector<16xf32>,
      %mul3A_404 = arith.mulf %gather3A, %gather3A : vector<16xf32>
      %add3A_405 = arith.addf %broadcast_in_dim3A_401, %mul3A_404 : vector<16xf32>
      %broadcast_in_dim3A_406 = arith.constant 1 : i32
      %broadcast_in_dim3A_407 = vector.broadcast %broadcast_in_dim3A_406 : i32 to vector<16xi32>
      %gather3A_408 = tpu.vector_load_idx %arg22[%add3A_399, %broadcast_in_dim3A_407] : memref<128x32xf32, #tpu.memory_space<vmem>>[vector<16xi32>, vector<16xi32>], vector<16xf32>,
      %mul3A_409 = arith.mulf %gather3A_408, %gather3A_408 : vector<16xf32>
      %add3A_410 = arith.addf %add3A_405, %mul3A_409 : vector<16xf32>
      %broadcast_in_dim3A_411 = arith.constant 2 : i32
      %broadcast_in_dim3A_412 = vector.broadcast %broadcast_in_dim3A_411 : i32 to vector<16xi32>
      %gather3A_413 = tpu.vector_load_idx %arg22[%add3A_399, %broadcast_in_dim3A_412] : memref<128x32xf32, #tpu.memory_space<vmem>>[vector<16xi32>, vector<16xi32>], vector<16xf32>,
      %mul3A_414 = arith.mulf %gather3A_413, %gather3A_413 : vector<16xf32>
      %add3A_415 = arith.addf %add3A_410, %mul3A_414 : vector<16xf32>
      %broadcast_in_dim3A_416 = arith.constant 3 : i32
      %broadcast_in_dim3A_417 = vector.broadcast %broadcast_in_dim3A_416 : i32 to vector<16xi32>
      %gather3A_418 = tpu.vector_load_idx %arg22[%add3A_399, %broadcast_in_dim3A_417] : memref<128x32xf32, #tpu.memory_space<vmem>>[vector<16xi32>, vector<16xi32>], vector<16xf32>,
      %mul3A_419 = arith.mulf %gather3A_418, %gather3A_418 : vector<16xf32>
      %add3A_420 = arith.addf %add3A_415, %mul3A_419 : vector<16xf32>
      %broadcast_in_dim3A_421 = arith.constant 4 : i32
      %broadcast_in_dim3A_422 = vector.broadcast %broadcast_in_dim3A_421 : i32 to vector<16xi32>
      %gather3A_423 = tpu.vector_load_idx %arg22[%add3A_399, %broadcast_in_dim3A_422] : memref<128x32xf32, #tpu.memory_space<vmem>>[vector<16xi32>, vector<16xi32>], vector<16xf32>,
      %mul3A_424 = arith.mulf %gather3A_423, %gather3A_423 : vector<16xf32>
      %add3A_425 = arith.addf %add3A_420, %mul3A_424 : vector<16xf32>
      %broadcast_in_dim3A_426 = arith.constant 5 : i32
      %broadcast_in_dim3A_427 = vector.broadcast %broadcast_in_dim3A_426 : i32 to vector<16xi32>
      %gather3A_428 = tpu.vector_load_idx %arg22[%add3A_399, %broadcast_in_dim3A_427] : memref<128x32xf32, #tpu.memory_space<vmem>>[vector<16xi32>, vector<16xi32>], vector<16xf32>,
      %mul3A_429 = arith.mulf %gather3A_428, %gather3A_428 : vector<16xf32>
      %add3A_430 = arith.addf %add3A_425, %mul3A_429 : vector<16xf32>
      %broadcast_in_dim3A_431 = arith.constant 6 : i32
      %broadcast_in_dim3A_432 = vector.broadcast %broadcast_in_dim3A_431 : i32 to vector<16xi32>
      %gather3A_433 = tpu.vector_load_idx %arg22[%add3A_399, %broadcast_in_dim3A_432] : memref<128x32xf32, #tpu.memory_space<vmem>>[vector<16xi32>, vector<16xi32>], vector<16xf32>,
      %mul3A_434 = arith.mulf %gather3A_433, %gather3A_433 : vector<16xf32>
      %add3A_435 = arith.addf %add3A_430, %mul3A_434 : vector<16xf32>
      %broadcast_in_dim3A_436 = arith.constant 7 : i32
      %broadcast_in_dim3A_437 = vector.broadcast %broadcast_in_dim3A_436 : i32 to vector<16xi32>
      %gather3A_438 = tpu.vector_load_idx %arg22[%add3A_399, %broadcast_in_dim3A_437] : memref<128x32xf32, #tpu.memory_space<vmem>>[vector<16xi32>, vector<16xi32>], vector<16xf32>,
      %mul3A_439 = arith.mulf %gather3A_438, %gather3A_438 : vector<16xf32>
      %add3A_440 = arith.addf %add3A_435, %mul3A_439 : vector<16xf32>
      %broadcast_in_dim3A_441 = arith.constant 8 : i32
      %broadcast_in_dim3A_442 = vector.broadcast %broadcast_in_dim3A_441 : i32 to vector<16xi32>
      %gather3A_443 = tpu.vector_load_idx %arg22[%add3A_399, %broadcast_in_dim3A_442] : memref<128x32xf32, #tpu.memory_space<vmem>>[vector<16xi32>, vector<16xi32>], vector<16xf32>,
      %mul3A_444 = arith.mulf %gather3A_443, %gather3A_443 : vector<16xf32>
      %add3A_445 = arith.addf %add3A_440, %mul3A_444 : vector<16xf32>
      %broadcast_in_dim3A_446 = arith.constant 9 : i32
      %broadcast_in_dim3A_447 = vector.broadcast %broadcast_in_dim3A_446 : i32 to vector<16xi32>
      %gather3A_448 = tpu.vector_load_idx %arg22[%add3A_399, %broadcast_in_dim3A_447] : memref<128x32xf32, #tpu.memory_space<vmem>>[vector<16xi32>, vector<16xi32>], vector<16xf32>,
      %mul3A_449 = arith.mulf %gather3A_448, %gather3A_448 : vector<16xf32>
      %add3A_450 = arith.addf %add3A_445, %mul3A_449 : vector<16xf32>
      %broadcast_in_dim3A_451 = arith.constant 10 : i32
      %broadcast_in_dim3A_452 = vector.broadcast %broadcast_in_dim3A_451 : i32 to vector<16xi32>
      %gather3A_453 = tpu.vector_load_idx %arg22[%add3A_399, %broadcast_in_dim3A_452] : memref<128x32xf32, #tpu.memory_space<vmem>>[vector<16xi32>, vector<16xi32>], vector<16xf32>,
      %mul3A_454 = arith.mulf %gather3A_453, %gather3A_453 : vector<16xf32>
      %add3A_455 = arith.addf %add3A_450, %mul3A_454 : vector<16xf32>
      %broadcast_in_dim3A_456 = arith.constant 11 : i32
      %broadcast_in_dim3A_457 = vector.broadcast %broadcast_in_dim3A_456 : i32 to vector<16xi32>
      %gather3A_458 = tpu.vector_load_idx %arg22[%add3A_399, %broadcast_in_dim3A_457] : memref<128x32xf32, #tpu.memory_space<vmem>>[vector<16xi32>, vector<16xi32>], vector<16xf32>,
      %mul3A_459 = arith.mulf %gather3A_458, %gather3A_458 : vector<16xf32>
      %add3A_460 = arith.addf %add3A_455, %mul3A_459 : vector<16xf32>
      %broadcast_in_dim3A_461 = arith.constant 12 : i32
      %broadcast_in_dim3A_462 = vector.broadcast %broadcast_in_dim3A_461 : i32 to vector<16xi32>
      %gather3A_463 = tpu.vector_load_idx %arg22[%add3A_399, %broadcast_in_dim3A_462] : memref<128x32xf32, #tpu.memory_space<vmem>>[vector<16xi32>, vector<16xi32>], vector<16xf32>,
      %mul3A_464 = arith.mulf %gather3A_463, %gather3A_463 : vector<16xf32>
      %add3A_465 = arith.addf %add3A_460, %mul3A_464 : vector<16xf32>
      %broadcast_in_dim3A_466 = arith.constant 13 : i32
      %broadcast_in_dim3A_467 = vector.broadcast %broadcast_in_dim3A_466 : i32 to vector<16xi32>
      %gather3A_468 = tpu.vector_load_idx %arg22[%add3A_399, %broadcast_in_dim3A_467] : memref<128x32xf32, #tpu.memory_space<vmem>>[vector<16xi32>, vector<16xi32>], vector<16xf32>,
      %mul3A_469 = arith.mulf %gather3A_468, %gather3A_468 : vector<16xf32>
      %add3A_470 = arith.addf %add3A_465, %mul3A_469 : vector<16xf32>
      %broadcast_in_dim3A_471 = arith.constant 14 : i32
      %broadcast_in_dim3A_472 = vector.broadcast %broadcast_in_dim3A_471 : i32 to vector<16xi32>
      %gather3A_473 = tpu.vector_load_idx %arg22[%add3A_399, %broadcast_in_dim3A_472] : memref<128x32xf32, #tpu.memory_space<vmem>>[vector<16xi32>, vector<16xi32>], vector<16xf32>,
      %mul3A_474 = arith.mulf %gather3A_473, %gather3A_473 : vector<16xf32>
      %add3A_475 = arith.addf %add3A_470, %mul3A_474 : vector<16xf32>
      %broadcast_in_dim3A_476 = arith.constant 15 : i32
      %broadcast_in_dim3A_477 = vector.broadcast %broadcast_in_dim3A_476 : i32 to vector<16xi32>
      %gather3A_478 = tpu.vector_load_idx %arg22[%add3A_399, %broadcast_in_dim3A_477] : memref<128x32xf32, #tpu.memory_space<vmem>>[vector<16xi32>, vector<16xi32>], vector<16xf32>,
      %mul3A_479 = arith.mulf %gather3A_478, %gather3A_478 : vector<16xf32>
      %add3A_480 = arith.addf %add3A_475, %mul3A_479 : vector<16xf32>
      %broadcast_in_dim3A_481 = arith.constant 16 : i32
      %broadcast_in_dim3A_482 = vector.broadcast %broadcast_in_dim3A_481 : i32 to vector<16xi32>
      %gather3A_483 = tpu.vector_load_idx %arg22[%add3A_399, %broadcast_in_dim3A_482] : memref<128x32xf32, #tpu.memory_space<vmem>>[vector<16xi32>, vector<16xi32>], vector<16xf32>,
      %mul3A_484 = arith.mulf %gather3A_483, %gather3A_483 : vector<16xf32>
      %add3A_485 = arith.addf %add3A_480, %mul3A_484 : vector<16xf32>
      %broadcast_in_dim3A_486 = arith.constant 17 : i32
      %broadcast_in_dim3A_487 = vector.broadcast %broadcast_in_dim3A_486 : i32 to vector<16xi32>
      %gather3A_488 = tpu.vector_load_idx %arg22[%add3A_399, %broadcast_in_dim3A_487] : memref<128x32xf32, #tpu.memory_space<vmem>>[vector<16xi32>, vector<16xi32>], vector<16xf32>,
      %mul3A_489 = arith.mulf %gather3A_488, %gather3A_488 : vector<16xf32>
      %add3A_490 = arith.addf %add3A_485, %mul3A_489 : vector<16xf32>
      %broadcast_in_dim3A_491 = arith.constant 18 : i32
      %broadcast_in_dim3A_492 = vector.broadcast %broadcast_in_dim3A_491 : i32 to vector<16xi32>
      %gather3A_493 = tpu.vector_load_idx %arg22[%add3A_399, %broadcast_in_dim3A_492] : memref<128x32xf32, #tpu.memory_space<vmem>>[vector<16xi32>, vector<16xi32>], vector<16xf32>,
      %mul3A_494 = arith.mulf %gather3A_493, %gather3A_493 : vector<16xf32>
      %add3A_495 = arith.addf %add3A_490, %mul3A_494 : vector<16xf32>
      %broadcast_in_dim3A_496 = arith.constant 19 : i32
      %broadcast_in_dim3A_497 = vector.broadcast %broadcast_in_dim3A_496 : i32 to vector<16xi32>
      %gather3A_498 = tpu.vector_load_idx %arg22[%add3A_399, %broadcast_in_dim3A_497] : memref<128x32xf32, #tpu.memory_space<vmem>>[vector<16xi32>, vector<16xi32>], vector<16xf32>,
      %mul3A_499 = arith.mulf %gather3A_498, %gather3A_498 : vector<16xf32>
      %add3A_500 = arith.addf %add3A_495, %mul3A_499 : vector<16xf32>
      %broadcast_in_dim3A_501 = arith.constant 20 : i32
      %broadcast_in_dim3A_502 = vector.broadcast %broadcast_in_dim3A_501 : i32 to vector<16xi32>
      %gather3A_503 = tpu.vector_load_idx %arg22[%add3A_399, %broadcast_in_dim3A_502] : memref<128x32xf32, #tpu.memory_space<vmem>>[vector<16xi32>, vector<16xi32>], vector<16xf32>,
      %mul3A_504 = arith.mulf %gather3A_503, %gather3A_503 : vector<16xf32>
      %add3A_505 = arith.addf %add3A_500, %mul3A_504 : vector<16xf32>
      %broadcast_in_dim3A_506 = arith.constant 21 : i32
      %broadcast_in_dim3A_507 = vector.broadcast %broadcast_in_dim3A_506 : i32 to vector<16xi32>
      %gather3A_508 = tpu.vector_load_idx %arg22[%add3A_399, %broadcast_in_dim3A_507] : memref<128x32xf32, #tpu.memory_space<vmem>>[vector<16xi32>, vector<16xi32>], vector<16xf32>,
      %mul3A_509 = arith.mulf %gather3A_508, %gather3A_508 : vector<16xf32>
      %add3A_510 = arith.addf %add3A_505, %mul3A_509 : vector<16xf32>
      %broadcast_in_dim3A_511 = arith.constant 22 : i32
      %broadcast_in_dim3A_512 = vector.broadcast %broadcast_in_dim3A_511 : i32 to vector<16xi32>
      %gather3A_513 = tpu.vector_load_idx %arg22[%add3A_399, %broadcast_in_dim3A_512] : memref<128x32xf32, #tpu.memory_space<vmem>>[vector<16xi32>, vector<16xi32>], vector<16xf32>,
      %mul3A_514 = arith.mulf %gather3A_513, %gather3A_513 : vector<16xf32>
      %add3A_515 = arith.addf %add3A_510, %mul3A_514 : vector<16xf32>
      %broadcast_in_dim3A_516 = arith.constant 23 : i32
      %broadcast_in_dim3A_517 = vector.broadcast %broadcast_in_dim3A_516 : i32 to vector<16xi32>
      %gather3A_518 = tpu.vector_load_idx %arg22[%add3A_399, %broadcast_in_dim3A_517] : memref<128x32xf32, #tpu.memory_space<vmem>>[vector<16xi32>, vector<16xi32>], vector<16xf32>,
      %mul3A_519 = arith.mulf %gather3A_518, %gather3A_518 : vector<16xf32>
      %add3A_520 = arith.addf %add3A_515, %mul3A_519 : vector<16xf32>
      %broadcast_in_dim3A_521 = arith.constant 24 : i32
      %broadcast_in_dim3A_522 = vector.broadcast %broadcast_in_dim3A_521 : i32 to vector<16xi32>
      %gather3A_523 = tpu.vector_load_idx %arg22[%add3A_399, %broadcast_in_dim3A_522] : memref<128x32xf32, #tpu.memory_space<vmem>>[vector<16xi32>, vector<16xi32>], vector<16xf32>,
      %mul3A_524 = arith.mulf %gather3A_523, %gather3A_523 : vector<16xf32>
      %add3A_525 = arith.addf %add3A_520, %mul3A_524 : vector<16xf32>
      %broadcast_in_dim3A_526 = arith.constant 25 : i32
      %broadcast_in_dim3A_527 = vector.broadcast %broadcast_in_dim3A_526 : i32 to vector<16xi32>
      %gather3A_528 = tpu.vector_load_idx %arg22[%add3A_399, %broadcast_in_dim3A_527] : memref<128x32xf32, #tpu.memory_space<vmem>>[vector<16xi32>, vector<16xi32>], vector<16xf32>,
      %mul3A_529 = arith.mulf %gather3A_528, %gather3A_528 : vector<16xf32>
      %add3A_530 = arith.addf %add3A_525, %mul3A_529 : vector<16xf32>
      %broadcast_in_dim3A_531 = arith.constant 26 : i32
      %broadcast_in_dim3A_532 = vector.broadcast %broadcast_in_dim3A_531 : i32 to vector<16xi32>
      %gather3A_533 = tpu.vector_load_idx %arg22[%add3A_399, %broadcast_in_dim3A_532] : memref<128x32xf32, #tpu.memory_space<vmem>>[vector<16xi32>, vector<16xi32>], vector<16xf32>,
      %mul3A_534 = arith.mulf %gather3A_533, %gather3A_533 : vector<16xf32>
      %add3A_535 = arith.addf %add3A_530, %mul3A_534 : vector<16xf32>
      %broadcast_in_dim3A_536 = arith.constant 27 : i32
      %broadcast_in_dim3A_537 = vector.broadcast %broadcast_in_dim3A_536 : i32 to vector<16xi32>
      %gather3A_538 = tpu.vector_load_idx %arg22[%add3A_399, %broadcast_in_dim3A_537] : memref<128x32xf32, #tpu.memory_space<vmem>>[vector<16xi32>, vector<16xi32>], vector<16xf32>,
      %mul3A_539 = arith.mulf %gather3A_538, %gather3A_538 : vector<16xf32>
      %add3A_540 = arith.addf %add3A_535, %mul3A_539 : vector<16xf32>
      %broadcast_in_dim3A_541 = arith.constant 28 : i32
      %broadcast_in_dim3A_542 = vector.broadcast %broadcast_in_dim3A_541 : i32 to vector<16xi32>
      %gather3A_543 = tpu.vector_load_idx %arg22[%add3A_399, %broadcast_in_dim3A_542] : memref<128x32xf32, #tpu.memory_space<vmem>>[vector<16xi32>, vector<16xi32>], vector<16xf32>,
      %mul3A_544 = arith.mulf %gather3A_543, %gather3A_543 : vector<16xf32>
      %add3A_545 = arith.addf %add3A_540, %mul3A_544 : vector<16xf32>
      %broadcast_in_dim3A_546 = arith.constant 29 : i32
      %broadcast_in_dim3A_547 = vector.broadcast %broadcast_in_dim3A_546 : i32 to vector<16xi32>
      %gather3A_548 = tpu.vector_load_idx %arg22[%add3A_399, %broadcast_in_dim3A_547] : memref<128x32xf32, #tpu.memory_space<vmem>>[vector<16xi32>, vector<16xi32>], vector<16xf32>,
      %mul3A_549 = arith.mulf %gather3A_548, %gather3A_548 : vector<16xf32>
      %add3A_550 = arith.addf %add3A_545, %mul3A_549 : vector<16xf32>
      %broadcast_in_dim3A_551 = arith.constant 30 : i32
      %broadcast_in_dim3A_552 = vector.broadcast %broadcast_in_dim3A_551 : i32 to vector<16xi32>
      %gather3A_553 = tpu.vector_load_idx %arg22[%add3A_399, %broadcast_in_dim3A_552] : memref<128x32xf32, #tpu.memory_space<vmem>>[vector<16xi32>, vector<16xi32>], vector<16xf32>,
      %mul3A_554 = arith.mulf %gather3A_553, %gather3A_553 : vector<16xf32>
      %add3A_555 = arith.addf %add3A_550, %mul3A_554 : vector<16xf32>
      %broadcast_in_dim3A_556 = arith.constant 31 : i32
      %broadcast_in_dim3A_557 = vector.broadcast %broadcast_in_dim3A_556 : i32 to vector<16xi32>
      %gather3A_558 = tpu.vector_load_idx %arg22[%add3A_399, %broadcast_in_dim3A_557] : memref<128x32xf32, #tpu.memory_space<vmem>>[vector<16xi32>, vector<16xi32>], vector<16xf32>,
      %mul3A_559 = arith.mulf %gather3A_558, %gather3A_558 : vector<16xf32>
      %add3A_560 = arith.addf %add3A_555, %mul3A_559 : vector<16xf32>
      %gt3A = arith.constant 1.000000e-16 : f32
      %gt3A_561 = vector.broadcast %gt3A : f32 to vector<16xf32>
      %gt3A_562 = arith.cmpf ogt, %add3A_560, %gt3A_561 : vector<16xf32>
      %bitcast3A = vector.bitcast %add3A_560 : vector<16xf32> to vector<16xi32>
      %shift_right_arithmetic3A = arith.constant 1 : i32
      %shift_right_arithmetic3A_563 = vector.broadcast %shift_right_arithmetic3A : i32 to vector<16xi32>
      %shift_right_arithmetic3A_564 = arith.shrsi %bitcast3A, %shift_right_arithmetic3A_563 : vector<16xi32>
      %sub3A = arith.constant 1597463007 : i32
      %sub3A_565 = vector.broadcast %sub3A : i32 to vector<16xi32>
      %sub3A_566 = arith.subi %sub3A_565, %shift_right_arithmetic3A_564 : vector<16xi32>
      %bitcast3A_567 = vector.bitcast %sub3A_566 : vector<16xi32> to vector<16xf32>
      %mul3A_568 = arith.constant 5.000000e-01 : f32
      %mul3A_569 = vector.broadcast %mul3A_568 : f32 to vector<16xf32>
      %mul3A_570 = arith.mulf %mul3A_569, %add3A_560 : vector<16xf32>
      %mul3A_571 = arith.mulf %mul3A_570, %bitcast3A_567 : vector<16xf32>
      %mul3A_572 = arith.mulf %mul3A_571, %bitcast3A_567 : vector<16xf32>
      %sub3A_573 = arith.constant 1.500000e+00 : f32
      %sub3A_574 = vector.broadcast %sub3A_573 : f32 to vector<16xf32>
      %sub3A_575 = arith.subf %sub3A_574, %mul3A_572 : vector<16xf32>
      %mul3A_576 = arith.mulf %bitcast3A_567, %sub3A_575 : vector<16xf32>
      %mul3A_577 = arith.constant 5.000000e-01 : f32
      %mul3A_578 = vector.broadcast %mul3A_577 : f32 to vector<16xf32>
      %mul3A_579 = arith.mulf %mul3A_578, %add3A_560 : vector<16xf32>
      %mul3A_580 = arith.mulf %mul3A_579, %mul3A_576 : vector<16xf32>
      %mul3A_581 = arith.mulf %mul3A_580, %mul3A_576 : vector<16xf32>
      %sub3A_582 = arith.constant 1.500000e+00 : f32
      %sub3A_583 = vector.broadcast %sub3A_582 : f32 to vector<16xf32>
      %sub3A_584 = arith.subf %sub3A_583, %mul3A_581 : vector<16xf32>
      %mul3A_585 = arith.mulf %mul3A_576, %sub3A_584 : vector<16xf32>
      %mul3A_586 = arith.constant 5.000000e-01 : f32
      %mul3A_587 = vector.broadcast %mul3A_586 : f32 to vector<16xf32>
      %mul3A_588 = arith.mulf %mul3A_587, %add3A_560 : vector<16xf32>
      %mul3A_589 = arith.mulf %mul3A_588, %mul3A_585 : vector<16xf32>
      %mul3A_590 = arith.mulf %mul3A_589, %mul3A_585 : vector<16xf32>
      %sub3A_591 = arith.constant 1.500000e+00 : f32
      %sub3A_592 = vector.broadcast %sub3A_591 : f32 to vector<16xf32>
      %sub3A_593 = arith.subf %sub3A_592, %mul3A_590 : vector<16xf32>
      %mul3A_594 = arith.mulf %mul3A_585, %sub3A_593 : vector<16xf32>
      %jit3A = arith.constant 1.000000e+08 : f32
      %broadcast_in_dim3A_595 = vector.broadcast %jit3A : f32 to vector<16xf32>
      %select_n3A = arith.select %gt3A_562, %mul3A_594, %broadcast_in_dim3A_595 : vector<16xi1>, vector<16xf32>
      %broadcast_in_dim3A_596 = arith.constant 0 : i32
      %broadcast_in_dim3A_597 = vector.broadcast %broadcast_in_dim3A_596 : i32 to vector<16xi32>
      %gather3A_598 = tpu.vector_load_idx %arg22[%add3A_399, %broadcast_in_dim3A_597] : memref<128x32xf32, #tpu.memory_space<vmem>>[vector<16xi32>, vector<16xi32>], vector<16xf32>,
      %mul3A_599 = arith.mulf %gather3A_598, %select_n3A : vector<16xf32>
      tpu.vector_store_idx %arg22[%add3A_399, %broadcast_in_dim3A_597], %mul3A_599 : memref<128x32xf32, #tpu.memory_space<vmem>>[vector<16xi32>, vector<16xi32>], vector<16xf32>,
      %broadcast_in_dim3A_600 = arith.constant 1 : i32
      %broadcast_in_dim3A_601 = vector.broadcast %broadcast_in_dim3A_600 : i32 to vector<16xi32>
      %gather3A_602 = tpu.vector_load_idx %arg22[%add3A_399, %broadcast_in_dim3A_601] : memref<128x32xf32, #tpu.memory_space<vmem>>[vector<16xi32>, vector<16xi32>], vector<16xf32>,
      %mul3A_603 = arith.mulf %gather3A_602, %select_n3A : vector<16xf32>
      tpu.vector_store_idx %arg22[%add3A_399, %broadcast_in_dim3A_601], %mul3A_603 : memref<128x32xf32, #tpu.memory_space<vmem>>[vector<16xi32>, vector<16xi32>], vector<16xf32>,
      %broadcast_in_dim3A_604 = arith.constant 2 : i32
      %broadcast_in_dim3A_605 = vector.broadcast %broadcast_in_dim3A_604 : i32 to vector<16xi32>
      %gather3A_606 = tpu.vector_load_idx %arg22[%add3A_399, %broadcast_in_dim3A_605] : memref<128x32xf32, #tpu.memory_space<vmem>>[vector<16xi32>, vector<16xi32>], vector<16xf32>,
      %mul3A_607 = arith.mulf %gather3A_606, %select_n3A : vector<16xf32>
      tpu.vector_store_idx %arg22[%add3A_399, %broadcast_in_dim3A_605], %mul3A_607 : memref<128x32xf32, #tpu.memory_space<vmem>>[vector<16xi32>, vector<16xi32>], vector<16xf32>,
      %broadcast_in_dim3A_608 = arith.constant 3 : i32
      %broadcast_in_dim3A_609 = vector.broadcast %broadcast_in_dim3A_608 : i32 to vector<16xi32>
      %gather3A_610 = tpu.vector_load_idx %arg22[%add3A_399, %broadcast_in_dim3A_609] : memref<128x32xf32, #tpu.memory_space<vmem>>[vector<16xi32>, vector<16xi32>], vector<16xf32>,
      %mul3A_611 = arith.mulf %gather3A_610, %select_n3A : vector<16xf32>
      tpu.vector_store_idx %arg22[%add3A_399, %broadcast_in_dim3A_609], %mul3A_611 : memref<128x32xf32, #tpu.memory_space<vmem>>[vector<16xi32>, vector<16xi32>], vector<16xf32>,
      %broadcast_in_dim3A_612 = arith.constant 4 : i32
      %broadcast_in_dim3A_613 = vector.broadcast %broadcast_in_dim3A_612 : i32 to vector<16xi32>
      %gather3A_614 = tpu.vector_load_idx %arg22[%add3A_399, %broadcast_in_dim3A_613] : memref<128x32xf32, #tpu.memory_space<vmem>>[vector<16xi32>, vector<16xi32>], vector<16xf32>,
      %mul3A_615 = arith.mulf %gather3A_614, %select_n3A : vector<16xf32>
      tpu.vector_store_idx %arg22[%add3A_399, %broadcast_in_dim3A_613], %mul3A_615 : memref<128x32xf32, #tpu.memory_space<vmem>>[vector<16xi32>, vector<16xi32>], vector<16xf32>,
      %broadcast_in_dim3A_616 = arith.constant 5 : i32
      %broadcast_in_dim3A_617 = vector.broadcast %broadcast_in_dim3A_616 : i32 to vector<16xi32>
      %gather3A_618 = tpu.vector_load_idx %arg22[%add3A_399, %broadcast_in_dim3A_617] : memref<128x32xf32, #tpu.memory_space<vmem>>[vector<16xi32>, vector<16xi32>], vector<16xf32>,
      %mul3A_619 = arith.mulf %gather3A_618, %select_n3A : vector<16xf32>
      tpu.vector_store_idx %arg22[%add3A_399, %broadcast_in_dim3A_617], %mul3A_619 : memref<128x32xf32, #tpu.memory_space<vmem>>[vector<16xi32>, vector<16xi32>], vector<16xf32>,
      %broadcast_in_dim3A_620 = arith.constant 6 : i32
      %broadcast_in_dim3A_621 = vector.broadcast %broadcast_in_dim3A_620 : i32 to vector<16xi32>
      %gather3A_622 = tpu.vector_load_idx %arg22[%add3A_399, %broadcast_in_dim3A_621] : memref<128x32xf32, #tpu.memory_space<vmem>>[vector<16xi32>, vector<16xi32>], vector<16xf32>,
      %mul3A_623 = arith.mulf %gather3A_622, %select_n3A : vector<16xf32>
      tpu.vector_store_idx %arg22[%add3A_399, %broadcast_in_dim3A_621], %mul3A_623 : memref<128x32xf32, #tpu.memory_space<vmem>>[vector<16xi32>, vector<16xi32>], vector<16xf32>,
      %broadcast_in_dim3A_624 = arith.constant 7 : i32
      %broadcast_in_dim3A_625 = vector.broadcast %broadcast_in_dim3A_624 : i32 to vector<16xi32>
      %gather3A_626 = tpu.vector_load_idx %arg22[%add3A_399, %broadcast_in_dim3A_625] : memref<128x32xf32, #tpu.memory_space<vmem>>[vector<16xi32>, vector<16xi32>], vector<16xf32>,
      %mul3A_627 = arith.mulf %gather3A_626, %select_n3A : vector<16xf32>
      tpu.vector_store_idx %arg22[%add3A_399, %broadcast_in_dim3A_625], %mul3A_627 : memref<128x32xf32, #tpu.memory_space<vmem>>[vector<16xi32>, vector<16xi32>], vector<16xf32>,
      %broadcast_in_dim3A_628 = arith.constant 8 : i32
      %broadcast_in_dim3A_629 = vector.broadcast %broadcast_in_dim3A_628 : i32 to vector<16xi32>
      %gather3A_630 = tpu.vector_load_idx %arg22[%add3A_399, %broadcast_in_dim3A_629] : memref<128x32xf32, #tpu.memory_space<vmem>>[vector<16xi32>, vector<16xi32>], vector<16xf32>,
      %mul3A_631 = arith.mulf %gather3A_630, %select_n3A : vector<16xf32>
      tpu.vector_store_idx %arg22[%add3A_399, %broadcast_in_dim3A_629], %mul3A_631 : memref<128x32xf32, #tpu.memory_space<vmem>>[vector<16xi32>, vector<16xi32>], vector<16xf32>,
      %broadcast_in_dim3A_632 = arith.constant 9 : i32
      %broadcast_in_dim3A_633 = vector.broadcast %broadcast_in_dim3A_632 : i32 to vector<16xi32>
      %gather3A_634 = tpu.vector_load_idx %arg22[%add3A_399, %broadcast_in_dim3A_633] : memref<128x32xf32, #tpu.memory_space<vmem>>[vector<16xi32>, vector<16xi32>], vector<16xf32>,
      %mul3A_635 = arith.mulf %gather3A_634, %select_n3A : vector<16xf32>
      tpu.vector_store_idx %arg22[%add3A_399, %broadcast_in_dim3A_633], %mul3A_635 : memref<128x32xf32, #tpu.memory_space<vmem>>[vector<16xi32>, vector<16xi32>], vector<16xf32>,
      %broadcast_in_dim3A_636 = arith.constant 10 : i32
      %broadcast_in_dim3A_637 = vector.broadcast %broadcast_in_dim3A_636 : i32 to vector<16xi32>
      %gather3A_638 = tpu.vector_load_idx %arg22[%add3A_399, %broadcast_in_dim3A_637] : memref<128x32xf32, #tpu.memory_space<vmem>>[vector<16xi32>, vector<16xi32>], vector<16xf32>,
      %mul3A_639 = arith.mulf %gather3A_638, %select_n3A : vector<16xf32>
      tpu.vector_store_idx %arg22[%add3A_399, %broadcast_in_dim3A_637], %mul3A_639 : memref<128x32xf32, #tpu.memory_space<vmem>>[vector<16xi32>, vector<16xi32>], vector<16xf32>,
      %broadcast_in_dim3A_640 = arith.constant 11 : i32
      %broadcast_in_dim3A_641 = vector.broadcast %broadcast_in_dim3A_640 : i32 to vector<16xi32>
      %gather3A_642 = tpu.vector_load_idx %arg22[%add3A_399, %broadcast_in_dim3A_641] : memref<128x32xf32, #tpu.memory_space<vmem>>[vector<16xi32>, vector<16xi32>], vector<16xf32>,
      %mul3A_643 = arith.mulf %gather3A_642, %select_n3A : vector<16xf32>
      tpu.vector_store_idx %arg22[%add3A_399, %broadcast_in_dim3A_641], %mul3A_643 : memref<128x32xf32, #tpu.memory_space<vmem>>[vector<16xi32>, vector<16xi32>], vector<16xf32>,
      %broadcast_in_dim3A_644 = arith.constant 12 : i32
      %broadcast_in_dim3A_645 = vector.broadcast %broadcast_in_dim3A_644 : i32 to vector<16xi32>
      %gather3A_646 = tpu.vector_load_idx %arg22[%add3A_399, %broadcast_in_dim3A_645] : memref<128x32xf32, #tpu.memory_space<vmem>>[vector<16xi32>, vector<16xi32>], vector<16xf32>,
      %mul3A_647 = arith.mulf %gather3A_646, %select_n3A : vector<16xf32>
      tpu.vector_store_idx %arg22[%add3A_399, %broadcast_in_dim3A_645], %mul3A_647 : memref<128x32xf32, #tpu.memory_space<vmem>>[vector<16xi32>, vector<16xi32>], vector<16xf32>,
      %broadcast_in_dim3A_648 = arith.constant 13 : i32
      %broadcast_in_dim3A_649 = vector.broadcast %broadcast_in_dim3A_648 : i32 to vector<16xi32>
      %gather3A_650 = tpu.vector_load_idx %arg22[%add3A_399, %broadcast_in_dim3A_649] : memref<128x32xf32, #tpu.memory_space<vmem>>[vector<16xi32>, vector<16xi32>], vector<16xf32>,
      %mul3A_651 = arith.mulf %gather3A_650, %select_n3A : vector<16xf32>
      tpu.vector_store_idx %arg22[%add3A_399, %broadcast_in_dim3A_649], %mul3A_651 : memref<128x32xf32, #tpu.memory_space<vmem>>[vector<16xi32>, vector<16xi32>], vector<16xf32>,
      %broadcast_in_dim3A_652 = arith.constant 14 : i32
      %broadcast_in_dim3A_653 = vector.broadcast %broadcast_in_dim3A_652 : i32 to vector<16xi32>
      %gather3A_654 = tpu.vector_load_idx %arg22[%add3A_399, %broadcast_in_dim3A_653] : memref<128x32xf32, #tpu.memory_space<vmem>>[vector<16xi32>, vector<16xi32>], vector<16xf32>,
      %mul3A_655 = arith.mulf %gather3A_654, %select_n3A : vector<16xf32>
      tpu.vector_store_idx %arg22[%add3A_399, %broadcast_in_dim3A_653], %mul3A_655 : memref<128x32xf32, #tpu.memory_space<vmem>>[vector<16xi32>, vector<16xi32>], vector<16xf32>,
      %broadcast_in_dim3A_656 = arith.constant 15 : i32
      %broadcast_in_dim3A_657 = vector.broadcast %broadcast_in_dim3A_656 : i32 to vector<16xi32>
      %gather3A_658 = tpu.vector_load_idx %arg22[%add3A_399, %broadcast_in_dim3A_657] : memref<128x32xf32, #tpu.memory_space<vmem>>[vector<16xi32>, vector<16xi32>], vector<16xf32>,
      %mul3A_659 = arith.mulf %gather3A_658, %select_n3A : vector<16xf32>
      tpu.vector_store_idx %arg22[%add3A_399, %broadcast_in_dim3A_657], %mul3A_659 : memref<128x32xf32, #tpu.memory_space<vmem>>[vector<16xi32>, vector<16xi32>], vector<16xf32>,
      %broadcast_in_dim3A_660 = arith.constant 16 : i32
      %broadcast_in_dim3A_661 = vector.broadcast %broadcast_in_dim3A_660 : i32 to vector<16xi32>
      %gather3A_662 = tpu.vector_load_idx %arg22[%add3A_399, %broadcast_in_dim3A_661] : memref<128x32xf32, #tpu.memory_space<vmem>>[vector<16xi32>, vector<16xi32>], vector<16xf32>,
      %mul3A_663 = arith.mulf %gather3A_662, %select_n3A : vector<16xf32>
      tpu.vector_store_idx %arg22[%add3A_399, %broadcast_in_dim3A_661], %mul3A_663 : memref<128x32xf32, #tpu.memory_space<vmem>>[vector<16xi32>, vector<16xi32>], vector<16xf32>,
      %broadcast_in_dim3A_664 = arith.constant 17 : i32
      %broadcast_in_dim3A_665 = vector.broadcast %broadcast_in_dim3A_664 : i32 to vector<16xi32>
      %gather3A_666 = tpu.vector_load_idx %arg22[%add3A_399, %broadcast_in_dim3A_665] : memref<128x32xf32, #tpu.memory_space<vmem>>[vector<16xi32>, vector<16xi32>], vector<16xf32>,
      %mul3A_667 = arith.mulf %gather3A_666, %select_n3A : vector<16xf32>
      tpu.vector_store_idx %arg22[%add3A_399, %broadcast_in_dim3A_665], %mul3A_667 : memref<128x32xf32, #tpu.memory_space<vmem>>[vector<16xi32>, vector<16xi32>], vector<16xf32>,
      %broadcast_in_dim3A_668 = arith.constant 18 : i32
      %broadcast_in_dim3A_669 = vector.broadcast %broadcast_in_dim3A_668 : i32 to vector<16xi32>
      %gather3A_670 = tpu.vector_load_idx %arg22[%add3A_399, %broadcast_in_dim3A_669] : memref<128x32xf32, #tpu.memory_space<vmem>>[vector<16xi32>, vector<16xi32>], vector<16xf32>,
      %mul3A_671 = arith.mulf %gather3A_670, %select_n3A : vector<16xf32>
      tpu.vector_store_idx %arg22[%add3A_399, %broadcast_in_dim3A_669], %mul3A_671 : memref<128x32xf32, #tpu.memory_space<vmem>>[vector<16xi32>, vector<16xi32>], vector<16xf32>,
      %broadcast_in_dim3A_672 = arith.constant 19 : i32
      %broadcast_in_dim3A_673 = vector.broadcast %broadcast_in_dim3A_672 : i32 to vector<16xi32>
      %gather3A_674 = tpu.vector_load_idx %arg22[%add3A_399, %broadcast_in_dim3A_673] : memref<128x32xf32, #tpu.memory_space<vmem>>[vector<16xi32>, vector<16xi32>], vector<16xf32>,
      %mul3A_675 = arith.mulf %gather3A_674, %select_n3A : vector<16xf32>
      tpu.vector_store_idx %arg22[%add3A_399, %broadcast_in_dim3A_673], %mul3A_675 : memref<128x32xf32, #tpu.memory_space<vmem>>[vector<16xi32>, vector<16xi32>], vector<16xf32>,
      %broadcast_in_dim3A_676 = arith.constant 20 : i32
      %broadcast_in_dim3A_677 = vector.broadcast %broadcast_in_dim3A_676 : i32 to vector<16xi32>
      %gather3A_678 = tpu.vector_load_idx %arg22[%add3A_399, %broadcast_in_dim3A_677] : memref<128x32xf32, #tpu.memory_space<vmem>>[vector<16xi32>, vector<16xi32>], vector<16xf32>,
      %mul3A_679 = arith.mulf %gather3A_678, %select_n3A : vector<16xf32>
      tpu.vector_store_idx %arg22[%add3A_399, %broadcast_in_dim3A_677], %mul3A_679 : memref<128x32xf32, #tpu.memory_space<vmem>>[vector<16xi32>, vector<16xi32>], vector<16xf32>,
      %broadcast_in_dim3A_680 = arith.constant 21 : i32
      %broadcast_in_dim3A_681 = vector.broadcast %broadcast_in_dim3A_680 : i32 to vector<16xi32>
      %gather3A_682 = tpu.vector_load_idx %arg22[%add3A_399, %broadcast_in_dim3A_681] : memref<128x32xf32, #tpu.memory_space<vmem>>[vector<16xi32>, vector<16xi32>], vector<16xf32>,
      %mul3A_683 = arith.mulf %gather3A_682, %select_n3A : vector<16xf32>
      tpu.vector_store_idx %arg22[%add3A_399, %broadcast_in_dim3A_681], %mul3A_683 : memref<128x32xf32, #tpu.memory_space<vmem>>[vector<16xi32>, vector<16xi32>], vector<16xf32>,
      %broadcast_in_dim3A_684 = arith.constant 22 : i32
      %broadcast_in_dim3A_685 = vector.broadcast %broadcast_in_dim3A_684 : i32 to vector<16xi32>
      %gather3A_686 = tpu.vector_load_idx %arg22[%add3A_399, %broadcast_in_dim3A_685] : memref<128x32xf32, #tpu.memory_space<vmem>>[vector<16xi32>, vector<16xi32>], vector<16xf32>,
      %mul3A_687 = arith.mulf %gather3A_686, %select_n3A : vector<16xf32>
      tpu.vector_store_idx %arg22[%add3A_399, %broadcast_in_dim3A_685], %mul3A_687 : memref<128x32xf32, #tpu.memory_space<vmem>>[vector<16xi32>, vector<16xi32>], vector<16xf32>,
      %broadcast_in_dim3A_688 = arith.constant 23 : i32
      %broadcast_in_dim3A_689 = vector.broadcast %broadcast_in_dim3A_688 : i32 to vector<16xi32>
      %gather3A_690 = tpu.vector_load_idx %arg22[%add3A_399, %broadcast_in_dim3A_689] : memref<128x32xf32, #tpu.memory_space<vmem>>[vector<16xi32>, vector<16xi32>], vector<16xf32>,
      %mul3A_691 = arith.mulf %gather3A_690, %select_n3A : vector<16xf32>
      tpu.vector_store_idx %arg22[%add3A_399, %broadcast_in_dim3A_689], %mul3A_691 : memref<128x32xf32, #tpu.memory_space<vmem>>[vector<16xi32>, vector<16xi32>], vector<16xf32>,
      %broadcast_in_dim3A_692 = arith.constant 24 : i32
      %broadcast_in_dim3A_693 = vector.broadcast %broadcast_in_dim3A_692 : i32 to vector<16xi32>
      %gather3A_694 = tpu.vector_load_idx %arg22[%add3A_399, %broadcast_in_dim3A_693] : memref<128x32xf32, #tpu.memory_space<vmem>>[vector<16xi32>, vector<16xi32>], vector<16xf32>,
      %mul3A_695 = arith.mulf %gather3A_694, %select_n3A : vector<16xf32>
      tpu.vector_store_idx %arg22[%add3A_399, %broadcast_in_dim3A_693], %mul3A_695 : memref<128x32xf32, #tpu.memory_space<vmem>>[vector<16xi32>, vector<16xi32>], vector<16xf32>,
      %broadcast_in_dim3A_696 = arith.constant 25 : i32
      %broadcast_in_dim3A_697 = vector.broadcast %broadcast_in_dim3A_696 : i32 to vector<16xi32>
      %gather3A_698 = tpu.vector_load_idx %arg22[%add3A_399, %broadcast_in_dim3A_697] : memref<128x32xf32, #tpu.memory_space<vmem>>[vector<16xi32>, vector<16xi32>], vector<16xf32>,
      %mul3A_699 = arith.mulf %gather3A_698, %select_n3A : vector<16xf32>
      tpu.vector_store_idx %arg22[%add3A_399, %broadcast_in_dim3A_697], %mul3A_699 : memref<128x32xf32, #tpu.memory_space<vmem>>[vector<16xi32>, vector<16xi32>], vector<16xf32>,
      %broadcast_in_dim3A_700 = arith.constant 26 : i32
      %broadcast_in_dim3A_701 = vector.broadcast %broadcast_in_dim3A_700 : i32 to vector<16xi32>
      %gather3A_702 = tpu.vector_load_idx %arg22[%add3A_399, %broadcast_in_dim3A_701] : memref<128x32xf32, #tpu.memory_space<vmem>>[vector<16xi32>, vector<16xi32>], vector<16xf32>,
      %mul3A_703 = arith.mulf %gather3A_702, %select_n3A : vector<16xf32>
      tpu.vector_store_idx %arg22[%add3A_399, %broadcast_in_dim3A_701], %mul3A_703 : memref<128x32xf32, #tpu.memory_space<vmem>>[vector<16xi32>, vector<16xi32>], vector<16xf32>,
      %broadcast_in_dim3A_704 = arith.constant 27 : i32
      %broadcast_in_dim3A_705 = vector.broadcast %broadcast_in_dim3A_704 : i32 to vector<16xi32>
      %gather3A_706 = tpu.vector_load_idx %arg22[%add3A_399, %broadcast_in_dim3A_705] : memref<128x32xf32, #tpu.memory_space<vmem>>[vector<16xi32>, vector<16xi32>], vector<16xf32>,
      %mul3A_707 = arith.mulf %gather3A_706, %select_n3A : vector<16xf32>
      tpu.vector_store_idx %arg22[%add3A_399, %broadcast_in_dim3A_705], %mul3A_707 : memref<128x32xf32, #tpu.memory_space<vmem>>[vector<16xi32>, vector<16xi32>], vector<16xf32>,
      %broadcast_in_dim3A_708 = arith.constant 28 : i32
      %broadcast_in_dim3A_709 = vector.broadcast %broadcast_in_dim3A_708 : i32 to vector<16xi32>
      %gather3A_710 = tpu.vector_load_idx %arg22[%add3A_399, %broadcast_in_dim3A_709] : memref<128x32xf32, #tpu.memory_space<vmem>>[vector<16xi32>, vector<16xi32>], vector<16xf32>,
      %mul3A_711 = arith.mulf %gather3A_710, %select_n3A : vector<16xf32>
      tpu.vector_store_idx %arg22[%add3A_399, %broadcast_in_dim3A_709], %mul3A_711 : memref<128x32xf32, #tpu.memory_space<vmem>>[vector<16xi32>, vector<16xi32>], vector<16xf32>,
      %broadcast_in_dim3A_712 = arith.constant 29 : i32
      %broadcast_in_dim3A_713 = vector.broadcast %broadcast_in_dim3A_712 : i32 to vector<16xi32>
      %gather3A_714 = tpu.vector_load_idx %arg22[%add3A_399, %broadcast_in_dim3A_713] : memref<128x32xf32, #tpu.memory_space<vmem>>[vector<16xi32>, vector<16xi32>], vector<16xf32>,
      %mul3A_715 = arith.mulf %gather3A_714, %select_n3A : vector<16xf32>
      tpu.vector_store_idx %arg22[%add3A_399, %broadcast_in_dim3A_713], %mul3A_715 : memref<128x32xf32, #tpu.memory_space<vmem>>[vector<16xi32>, vector<16xi32>], vector<16xf32>,
      %broadcast_in_dim3A_716 = arith.constant 30 : i32
      %broadcast_in_dim3A_717 = vector.broadcast %broadcast_in_dim3A_716 : i32 to vector<16xi32>
      %gather3A_718 = tpu.vector_load_idx %arg22[%add3A_399, %broadcast_in_dim3A_717] : memref<128x32xf32, #tpu.memory_space<vmem>>[vector<16xi32>, vector<16xi32>], vector<16xf32>,
      %mul3A_719 = arith.mulf %gather3A_718, %select_n3A : vector<16xf32>
      tpu.vector_store_idx %arg22[%add3A_399, %broadcast_in_dim3A_717], %mul3A_719 : memref<128x32xf32, #tpu.memory_space<vmem>>[vector<16xi32>, vector<16xi32>], vector<16xf32>,
      %broadcast_in_dim3A_720 = arith.constant 31 : i32
      %broadcast_in_dim3A_721 = vector.broadcast %broadcast_in_dim3A_720 : i32 to vector<16xi32>
      %gather3A_722 = tpu.vector_load_idx %arg22[%add3A_399, %broadcast_in_dim3A_721] : memref<128x32xf32, #tpu.memory_space<vmem>>[vector<16xi32>, vector<16xi32>], vector<16xf32>,
      %mul3A_723 = arith.mulf %gather3A_722, %select_n3A : vector<16xf32>
      tpu.vector_store_idx %arg22[%add3A_399, %broadcast_in_dim3A_721], %mul3A_723 : memref<128x32xf32, #tpu.memory_space<vmem>>[vector<16xi32>, vector<16xi32>], vector<16xf32>,
    }
    %scan3A_244 = arith.constant 8 : i32
    %dma_wait3A = arith.constant 0 : i32
    %dma_wait3A_245 = arith.constant 0 : i32
    %dma_wait3A_246 = arith.constant 0 : i32
    %dma_wait3A_247 = tpu.memref_slice %arg17[%dma_wait3A_245, %dma_wait3A_246] : memref<512x32xf32, #tpu.memory_space<vmem>> -> memref<128x32xf32, #tpu.memory_space<vmem>>
    %dma_wait3A_248 = arith.constant 0 : i32
    %dma_wait3A_249 = tpu.memref_slice %arg13[%dma_wait3A, %dma_wait3A_248] : memref<4x128xi32, #tpu.memory_space<vmem>> -> memref<1x128xi32, #tpu.memory_space<vmem>>
    %dma_wait3A_250 = tpu.memref_squeeze %dma_wait3A_249 : memref<1x128xi32, #tpu.memory_space<vmem>> -> memref<128xi32, #tpu.memory_space<vmem>>
    %dma_wait3A_251 = arith.constant 0 : i32
    %dma_wait3A_252 = arith.constant 0 : i32
    %dma_wait3A_253 = tpu.memref_slice %arg6[%dma_wait3A_251, %dma_wait3A_252] : memref<1000000x32xf32, #tpu.memory_space<hbm>> -> memref<1000000x32xf32, #tpu.memory_space<hbm>>
    tpu.wait_indirect_dma semaphore(%arg24 : memref<!tpu.dma_semaphore, #tpu.memory_space<semaphore_mem>>) src(%dma_wait3A_253 : memref<1000000x32xf32, #tpu.memory_space<hbm>>) dst(%dma_wait3A_247 : memref<128x32xf32, #tpu.memory_space<vmem>>)
    %dma_wait3A_254 = arith.constant 0 : i32
    %dma_wait3A_255 = arith.constant 0 : i32
    %dma_wait3A_256 = arith.constant 0 : i32
    %dma_wait3A_257 = tpu.memref_slice %arg18[%dma_wait3A_255, %dma_wait3A_256] : memref<512x32xf32, #tpu.memory_space<vmem>> -> memref<128x32xf32, #tpu.memory_space<vmem>>
    %dma_wait3A_258 = arith.constant 0 : i32
    %dma_wait3A_259 = tpu.memref_slice %arg14[%dma_wait3A_254, %dma_wait3A_258] : memref<4x128xi32, #tpu.memory_space<vmem>> -> memref<1x128xi32, #tpu.memory_space<vmem>>
    %dma_wait3A_260 = tpu.memref_squeeze %dma_wait3A_259 : memref<1x128xi32, #tpu.memory_space<vmem>> -> memref<128xi32, #tpu.memory_space<vmem>>
    %dma_wait3A_261 = arith.constant 0 : i32
    %dma_wait3A_262 = arith.constant 0 : i32
    %dma_wait3A_263 = tpu.memref_slice %arg7[%dma_wait3A_261, %dma_wait3A_262] : memref<100000x32xf32, #tpu.memory_space<hbm>> -> memref<100000x32xf32, #tpu.memory_space<hbm>>
    tpu.wait_indirect_dma semaphore(%arg24 : memref<!tpu.dma_semaphore, #tpu.memory_space<semaphore_mem>>) src(%dma_wait3A_263 : memref<100000x32xf32, #tpu.memory_space<hbm>>) dst(%dma_wait3A_257 : memref<128x32xf32, #tpu.memory_space<vmem>>)
    %dma_wait3A_264 = arith.constant 0 : i32
    %dma_wait3A_265 = arith.constant 0 : i32
    %dma_wait3A_266 = tpu.memref_slice %arg19[%dma_wait3A_265] : memref<512xf32, #tpu.memory_space<vmem>> -> memref<128xf32, #tpu.memory_space<vmem>>
    %dma_wait3A_267 = arith.constant 0 : i32
    %dma_wait3A_268 = tpu.memref_slice %arg13[%dma_wait3A_264, %dma_wait3A_267] : memref<4x128xi32, #tpu.memory_space<vmem>> -> memref<1x128xi32, #tpu.memory_space<vmem>>
    %dma_wait3A_269 = tpu.memref_squeeze %dma_wait3A_268 : memref<1x128xi32, #tpu.memory_space<vmem>> -> memref<128xi32, #tpu.memory_space<vmem>>
    %dma_wait3A_270 = arith.constant 0 : i32
    %dma_wait3A_271 = tpu.memref_slice %arg8[%dma_wait3A_270] : memref<1000000xf32, #tpu.memory_space<hbm>> -> memref<1000000xf32, #tpu.memory_space<hbm>>
    tpu.wait_indirect_dma semaphore(%arg24 : memref<!tpu.dma_semaphore, #tpu.memory_space<semaphore_mem>>) src(%dma_wait3A_271 : memref<1000000xf32, #tpu.memory_space<hbm>>) dst(%dma_wait3A_266 : memref<128xf32, #tpu.memory_space<vmem>>)
    %dma_wait3A_272 = arith.constant 0 : i32
    %dma_wait3A_273 = arith.constant 0 : i32
    %dma_wait3A_274 = tpu.memref_slice %arg20[%dma_wait3A_273] : memref<512xf32, #tpu.memory_space<vmem>> -> memref<128xf32, #tpu.memory_space<vmem>>
    %dma_wait3A_275 = arith.constant 0 : i32
    %dma_wait3A_276 = tpu.memref_slice %arg14[%dma_wait3A_272, %dma_wait3A_275] : memref<4x128xi32, #tpu.memory_space<vmem>> -> memref<1x128xi32, #tpu.memory_space<vmem>>
    %dma_wait3A_277 = tpu.memref_squeeze %dma_wait3A_276 : memref<1x128xi32, #tpu.memory_space<vmem>> -> memref<128xi32, #tpu.memory_space<vmem>>
    %dma_wait3A_278 = arith.constant 0 : i32
    %dma_wait3A_279 = tpu.memref_slice %arg9[%dma_wait3A_278] : memref<100000xf32, #tpu.memory_space<hbm>> -> memref<100000xf32, #tpu.memory_space<hbm>>
    tpu.wait_indirect_dma semaphore(%arg24 : memref<!tpu.dma_semaphore, #tpu.memory_space<semaphore_mem>>) src(%dma_wait3A_279 : memref<100000xf32, #tpu.memory_space<hbm>>) dst(%dma_wait3A_274 : memref<128xf32, #tpu.memory_space<vmem>>)
    %dma_wait3A_280 = arith.constant 1 : i32
    %dma_wait3A_281 = arith.constant 128 : i32
    %dma_wait3A_282 = arith.constant 0 : i32
    %dma_wait3A_283 = tpu.memref_slice %arg17[%dma_wait3A_281, %dma_wait3A_282] : memref<512x32xf32, #tpu.memory_space<vmem>> -> memref<128x32xf32, #tpu.memory_space<vmem>>
    %dma_wait3A_284 = arith.constant 0 : i32
    %dma_wait3A_285 = tpu.memref_slice %arg13[%dma_wait3A_280, %dma_wait3A_284] : memref<4x128xi32, #tpu.memory_space<vmem>> -> memref<1x128xi32, #tpu.memory_space<vmem>>
    %dma_wait3A_286 = tpu.memref_squeeze %dma_wait3A_285 : memref<1x128xi32, #tpu.memory_space<vmem>> -> memref<128xi32, #tpu.memory_space<vmem>>
    %dma_wait3A_287 = arith.constant 0 : i32
    %dma_wait3A_288 = arith.constant 0 : i32
    %dma_wait3A_289 = tpu.memref_slice %arg6[%dma_wait3A_287, %dma_wait3A_288] : memref<1000000x32xf32, #tpu.memory_space<hbm>> -> memref<1000000x32xf32, #tpu.memory_space<hbm>>
    tpu.wait_indirect_dma semaphore(%arg24 : memref<!tpu.dma_semaphore, #tpu.memory_space<semaphore_mem>>) src(%dma_wait3A_289 : memref<1000000x32xf32, #tpu.memory_space<hbm>>) dst(%dma_wait3A_283 : memref<128x32xf32, #tpu.memory_space<vmem>>)
    %dma_wait3A_290 = arith.constant 1 : i32
    %dma_wait3A_291 = arith.constant 128 : i32
    %dma_wait3A_292 = arith.constant 0 : i32
    %dma_wait3A_293 = tpu.memref_slice %arg18[%dma_wait3A_291, %dma_wait3A_292] : memref<512x32xf32, #tpu.memory_space<vmem>> -> memref<128x32xf32, #tpu.memory_space<vmem>>
    %dma_wait3A_294 = arith.constant 0 : i32
    %dma_wait3A_295 = tpu.memref_slice %arg14[%dma_wait3A_290, %dma_wait3A_294] : memref<4x128xi32, #tpu.memory_space<vmem>> -> memref<1x128xi32, #tpu.memory_space<vmem>>
    %dma_wait3A_296 = tpu.memref_squeeze %dma_wait3A_295 : memref<1x128xi32, #tpu.memory_space<vmem>> -> memref<128xi32, #tpu.memory_space<vmem>>
    %dma_wait3A_297 = arith.constant 0 : i32
    %dma_wait3A_298 = arith.constant 0 : i32
    %dma_wait3A_299 = tpu.memref_slice %arg7[%dma_wait3A_297, %dma_wait3A_298] : memref<100000x32xf32, #tpu.memory_space<hbm>> -> memref<100000x32xf32, #tpu.memory_space<hbm>>
    tpu.wait_indirect_dma semaphore(%arg24 : memref<!tpu.dma_semaphore, #tpu.memory_space<semaphore_mem>>) src(%dma_wait3A_299 : memref<100000x32xf32, #tpu.memory_space<hbm>>) dst(%dma_wait3A_293 : memref<128x32xf32, #tpu.memory_space<vmem>>)
    %dma_wait3A_300 = arith.constant 1 : i32
    %dma_wait3A_301 = arith.constant 128 : i32
    %dma_wait3A_302 = tpu.memref_slice %arg19[%dma_wait3A_301] : memref<512xf32, #tpu.memory_space<vmem>> -> memref<128xf32, #tpu.memory_space<vmem>>
    %dma_wait3A_303 = arith.constant 0 : i32
    %dma_wait3A_304 = tpu.memref_slice %arg13[%dma_wait3A_300, %dma_wait3A_303] : memref<4x128xi32, #tpu.memory_space<vmem>> -> memref<1x128xi32, #tpu.memory_space<vmem>>
    %dma_wait3A_305 = tpu.memref_squeeze %dma_wait3A_304 : memref<1x128xi32, #tpu.memory_space<vmem>> -> memref<128xi32, #tpu.memory_space<vmem>>
    %dma_wait3A_306 = arith.constant 0 : i32
    %dma_wait3A_307 = tpu.memref_slice %arg8[%dma_wait3A_306] : memref<1000000xf32, #tpu.memory_space<hbm>> -> memref<1000000xf32, #tpu.memory_space<hbm>>
    tpu.wait_indirect_dma semaphore(%arg24 : memref<!tpu.dma_semaphore, #tpu.memory_space<semaphore_mem>>) src(%dma_wait3A_307 : memref<1000000xf32, #tpu.memory_space<hbm>>) dst(%dma_wait3A_302 : memref<128xf32, #tpu.memory_space<vmem>>)
    %dma_wait3A_308 = arith.constant 1 : i32
    %dma_wait3A_309 = arith.constant 128 : i32
    %dma_wait3A_310 = tpu.memref_slice %arg20[%dma_wait3A_309] : memref<512xf32, #tpu.memory_space<vmem>> -> memref<128xf32, #tpu.memory_space<vmem>>
    %dma_wait3A_311 = arith.constant 0 : i32
    %dma_wait3A_312 = tpu.memref_slice %arg14[%dma_wait3A_308, %dma_wait3A_311] : memref<4x128xi32, #tpu.memory_space<vmem>> -> memref<1x128xi32, #tpu.memory_space<vmem>>
    %dma_wait3A_313 = tpu.memref_squeeze %dma_wait3A_312 : memref<1x128xi32, #tpu.memory_space<vmem>> -> memref<128xi32, #tpu.memory_space<vmem>>
    %dma_wait3A_314 = arith.constant 0 : i32
    %dma_wait3A_315 = tpu.memref_slice %arg9[%dma_wait3A_314] : memref<100000xf32, #tpu.memory_space<hbm>> -> memref<100000xf32, #tpu.memory_space<hbm>>
    tpu.wait_indirect_dma semaphore(%arg24 : memref<!tpu.dma_semaphore, #tpu.memory_space<semaphore_mem>>) src(%dma_wait3A_315 : memref<100000xf32, #tpu.memory_space<hbm>>) dst(%dma_wait3A_310 : memref<128xf32, #tpu.memory_space<vmem>>)
    %dma_wait3A_316 = arith.constant 2 : i32
    %dma_wait3A_317 = arith.constant 256 : i32
    %dma_wait3A_318 = arith.constant 0 : i32
    %dma_wait3A_319 = tpu.memref_slice %arg17[%dma_wait3A_317, %dma_wait3A_318] : memref<512x32xf32, #tpu.memory_space<vmem>> -> memref<128x32xf32, #tpu.memory_space<vmem>>
    %dma_wait3A_320 = arith.constant 0 : i32
    %dma_wait3A_321 = tpu.memref_slice %arg13[%dma_wait3A_316, %dma_wait3A_320] : memref<4x128xi32, #tpu.memory_space<vmem>> -> memref<1x128xi32, #tpu.memory_space<vmem>>
    %dma_wait3A_322 = tpu.memref_squeeze %dma_wait3A_321 : memref<1x128xi32, #tpu.memory_space<vmem>> -> memref<128xi32, #tpu.memory_space<vmem>>
    %dma_wait3A_323 = arith.constant 0 : i32
    %dma_wait3A_324 = arith.constant 0 : i32
    %dma_wait3A_325 = tpu.memref_slice %arg6[%dma_wait3A_323, %dma_wait3A_324] : memref<1000000x32xf32, #tpu.memory_space<hbm>> -> memref<1000000x32xf32, #tpu.memory_space<hbm>>
    tpu.wait_indirect_dma semaphore(%arg24 : memref<!tpu.dma_semaphore, #tpu.memory_space<semaphore_mem>>) src(%dma_wait3A_325 : memref<1000000x32xf32, #tpu.memory_space<hbm>>) dst(%dma_wait3A_319 : memref<128x32xf32, #tpu.memory_space<vmem>>)
    %dma_wait3A_326 = arith.constant 2 : i32
    %dma_wait3A_327 = arith.constant 256 : i32
    %dma_wait3A_328 = arith.constant 0 : i32
    %dma_wait3A_329 = tpu.memref_slice %arg18[%dma_wait3A_327, %dma_wait3A_328] : memref<512x32xf32, #tpu.memory_space<vmem>> -> memref<128x32xf32, #tpu.memory_space<vmem>>
    %dma_wait3A_330 = arith.constant 0 : i32
    %dma_wait3A_331 = tpu.memref_slice %arg14[%dma_wait3A_326, %dma_wait3A_330] : memref<4x128xi32, #tpu.memory_space<vmem>> -> memref<1x128xi32, #tpu.memory_space<vmem>>
    %dma_wait3A_332 = tpu.memref_squeeze %dma_wait3A_331 : memref<1x128xi32, #tpu.memory_space<vmem>> -> memref<128xi32, #tpu.memory_space<vmem>>
    %dma_wait3A_333 = arith.constant 0 : i32
    %dma_wait3A_334 = arith.constant 0 : i32
    %dma_wait3A_335 = tpu.memref_slice %arg7[%dma_wait3A_333, %dma_wait3A_334] : memref<100000x32xf32, #tpu.memory_space<hbm>> -> memref<100000x32xf32, #tpu.memory_space<hbm>>
    tpu.wait_indirect_dma semaphore(%arg24 : memref<!tpu.dma_semaphore, #tpu.memory_space<semaphore_mem>>) src(%dma_wait3A_335 : memref<100000x32xf32, #tpu.memory_space<hbm>>) dst(%dma_wait3A_329 : memref<128x32xf32, #tpu.memory_space<vmem>>)
    %dma_wait3A_336 = arith.constant 2 : i32
    %dma_wait3A_337 = arith.constant 256 : i32
    %dma_wait3A_338 = tpu.memref_slice %arg19[%dma_wait3A_337] : memref<512xf32, #tpu.memory_space<vmem>> -> memref<128xf32, #tpu.memory_space<vmem>>
    %dma_wait3A_339 = arith.constant 0 : i32
    %dma_wait3A_340 = tpu.memref_slice %arg13[%dma_wait3A_336, %dma_wait3A_339] : memref<4x128xi32, #tpu.memory_space<vmem>> -> memref<1x128xi32, #tpu.memory_space<vmem>>
    %dma_wait3A_341 = tpu.memref_squeeze %dma_wait3A_340 : memref<1x128xi32, #tpu.memory_space<vmem>> -> memref<128xi32, #tpu.memory_space<vmem>>
    %dma_wait3A_342 = arith.constant 0 : i32
    %dma_wait3A_343 = tpu.memref_slice %arg8[%dma_wait3A_342] : memref<1000000xf32, #tpu.memory_space<hbm>> -> memref<1000000xf32, #tpu.memory_space<hbm>>
    tpu.wait_indirect_dma semaphore(%arg24 : memref<!tpu.dma_semaphore, #tpu.memory_space<semaphore_mem>>) src(%dma_wait3A_343 : memref<1000000xf32, #tpu.memory_space<hbm>>) dst(%dma_wait3A_338 : memref<128xf32, #tpu.memory_space<vmem>>)
    %dma_wait3A_344 = arith.constant 2 : i32
    %dma_wait3A_345 = arith.constant 256 : i32
    %dma_wait3A_346 = tpu.memref_slice %arg20[%dma_wait3A_345] : memref<512xf32, #tpu.memory_space<vmem>> -> memref<128xf32, #tpu.memory_space<vmem>>
    %dma_wait3A_347 = arith.constant 0 : i32
    %dma_wait3A_348 = tpu.memref_slice %arg14[%dma_wait3A_344, %dma_wait3A_347] : memref<4x128xi32, #tpu.memory_space<vmem>> -> memref<1x128xi32, #tpu.memory_space<vmem>>
    %dma_wait3A_349 = tpu.memref_squeeze %dma_wait3A_348 : memref<1x128xi32, #tpu.memory_space<vmem>> -> memref<128xi32, #tpu.memory_space<vmem>>
    %dma_wait3A_350 = arith.constant 0 : i32
    %dma_wait3A_351 = tpu.memref_slice %arg9[%dma_wait3A_350] : memref<100000xf32, #tpu.memory_space<hbm>> -> memref<100000xf32, #tpu.memory_space<hbm>>
    tpu.wait_indirect_dma semaphore(%arg24 : memref<!tpu.dma_semaphore, #tpu.memory_space<semaphore_mem>>) src(%dma_wait3A_351 : memref<100000xf32, #tpu.memory_space<hbm>>) dst(%dma_wait3A_346 : memref<128xf32, #tpu.memory_space<vmem>>)
    %dma_wait3A_352 = arith.constant 3 : i32
    %dma_wait3A_353 = arith.constant 384 : i32
    %dma_wait3A_354 = arith.constant 0 : i32
    %dma_wait3A_355 = tpu.memref_slice %arg17[%dma_wait3A_353, %dma_wait3A_354] : memref<512x32xf32, #tpu.memory_space<vmem>> -> memref<128x32xf32, #tpu.memory_space<vmem>>
    %dma_wait3A_356 = arith.constant 0 : i32
    %dma_wait3A_357 = tpu.memref_slice %arg13[%dma_wait3A_352, %dma_wait3A_356] : memref<4x128xi32, #tpu.memory_space<vmem>> -> memref<1x128xi32, #tpu.memory_space<vmem>>
    %dma_wait3A_358 = tpu.memref_squeeze %dma_wait3A_357 : memref<1x128xi32, #tpu.memory_space<vmem>> -> memref<128xi32, #tpu.memory_space<vmem>>
    %dma_wait3A_359 = arith.constant 0 : i32
    %dma_wait3A_360 = arith.constant 0 : i32
    %dma_wait3A_361 = tpu.memref_slice %arg6[%dma_wait3A_359, %dma_wait3A_360] : memref<1000000x32xf32, #tpu.memory_space<hbm>> -> memref<1000000x32xf32, #tpu.memory_space<hbm>>
    tpu.wait_indirect_dma semaphore(%arg24 : memref<!tpu.dma_semaphore, #tpu.memory_space<semaphore_mem>>) src(%dma_wait3A_361 : memref<1000000x32xf32, #tpu.memory_space<hbm>>) dst(%dma_wait3A_355 : memref<128x32xf32, #tpu.memory_space<vmem>>)
    %dma_wait3A_362 = arith.constant 3 : i32
    %dma_wait3A_363 = arith.constant 384 : i32
    %dma_wait3A_364 = arith.constant 0 : i32
    %dma_wait3A_365 = tpu.memref_slice %arg18[%dma_wait3A_363, %dma_wait3A_364] : memref<512x32xf32, #tpu.memory_space<vmem>> -> memref<128x32xf32, #tpu.memory_space<vmem>>
    %dma_wait3A_366 = arith.constant 0 : i32
    %dma_wait3A_367 = tpu.memref_slice %arg14[%dma_wait3A_362, %dma_wait3A_366] : memref<4x128xi32, #tpu.memory_space<vmem>> -> memref<1x128xi32, #tpu.memory_space<vmem>>
    %dma_wait3A_368 = tpu.memref_squeeze %dma_wait3A_367 : memref<1x128xi32, #tpu.memory_space<vmem>> -> memref<128xi32, #tpu.memory_space<vmem>>
    %dma_wait3A_369 = arith.constant 0 : i32
    %dma_wait3A_370 = arith.constant 0 : i32
    %dma_wait3A_371 = tpu.memref_slice %arg7[%dma_wait3A_369, %dma_wait3A_370] : memref<100000x32xf32, #tpu.memory_space<hbm>> -> memref<100000x32xf32, #tpu.memory_space<hbm>>
    tpu.wait_indirect_dma semaphore(%arg24 : memref<!tpu.dma_semaphore, #tpu.memory_space<semaphore_mem>>) src(%dma_wait3A_371 : memref<100000x32xf32, #tpu.memory_space<hbm>>) dst(%dma_wait3A_365 : memref<128x32xf32, #tpu.memory_space<vmem>>)
    %dma_wait3A_372 = arith.constant 3 : i32
    %dma_wait3A_373 = arith.constant 384 : i32
    %dma_wait3A_374 = tpu.memref_slice %arg19[%dma_wait3A_373] : memref<512xf32, #tpu.memory_space<vmem>> -> memref<128xf32, #tpu.memory_space<vmem>>
    %dma_wait3A_375 = arith.constant 0 : i32
    %dma_wait3A_376 = tpu.memref_slice %arg13[%dma_wait3A_372, %dma_wait3A_375] : memref<4x128xi32, #tpu.memory_space<vmem>> -> memref<1x128xi32, #tpu.memory_space<vmem>>
    %dma_wait3A_377 = tpu.memref_squeeze %dma_wait3A_376 : memref<1x128xi32, #tpu.memory_space<vmem>> -> memref<128xi32, #tpu.memory_space<vmem>>
    %dma_wait3A_378 = arith.constant 0 : i32
    %dma_wait3A_379 = tpu.memref_slice %arg8[%dma_wait3A_378] : memref<1000000xf32, #tpu.memory_space<hbm>> -> memref<1000000xf32, #tpu.memory_space<hbm>>
    tpu.wait_indirect_dma semaphore(%arg24 : memref<!tpu.dma_semaphore, #tpu.memory_space<semaphore_mem>>) src(%dma_wait3A_379 : memref<1000000xf32, #tpu.memory_space<hbm>>) dst(%dma_wait3A_374 : memref<128xf32, #tpu.memory_space<vmem>>)
    %dma_wait3A_380 = arith.constant 3 : i32
    %dma_wait3A_381 = arith.constant 384 : i32
    %dma_wait3A_382 = tpu.memref_slice %arg20[%dma_wait3A_381] : memref<512xf32, #tpu.memory_space<vmem>> -> memref<128xf32, #tpu.memory_space<vmem>>
    %dma_wait3A_383 = arith.constant 0 : i32
    %dma_wait3A_384 = tpu.memref_slice %arg14[%dma_wait3A_380, %dma_wait3A_383] : memref<4x128xi32, #tpu.memory_space<vmem>> -> memref<1x128xi32, #tpu.memory_space<vmem>>
    %dma_wait3A_385 = tpu.memref_squeeze %dma_wait3A_384 : memref<1x128xi32, #tpu.memory_space<vmem>> -> memref<128xi32, #tpu.memory_space<vmem>>
    %dma_wait3A_386 = arith.constant 0 : i32
    %dma_wait3A_387 = tpu.memref_slice %arg9[%dma_wait3A_386] : memref<100000xf32, #tpu.memory_space<hbm>> -> memref<100000xf32, #tpu.memory_space<hbm>>
    tpu.wait_indirect_dma semaphore(%arg24 : memref<!tpu.dma_semaphore, #tpu.memory_space<semaphore_mem>>) src(%dma_wait3A_387 : memref<100000xf32, #tpu.memory_space<hbm>>) dst(%dma_wait3A_382 : memref<128xf32, #tpu.memory_space<vmem>>)
    %iota3A_388 = tpu.iota {dimensions = array<i32: 0>} : vector<16xi32>
    %scan3A_389 = arith.constant 0 : i32
    %scan3A_390 = arith.constant 0 : i32
    %scan3A_391 = arith.constant 32 : i32
    %scan3A_392 = arith.addi %scan3A_390, %scan3A_391 : i32
    %scan3A_393 = arith.constant 1 : i32
    scf.for %scan3A_395 = %scan3A_390 to %scan3A_392 step %scan3A_393  : i32 {
      %mul3A_396 = arith.constant 16 : i32
      %mul3A_397 = arith.muli %scan3A_395, %mul3A_396 : i32
      %add3A_398 = vector.broadcast %mul3A_397 : i32 to vector<16xi32>
      %add3A_399 = arith.addi %add3A_398, %iota3A_388 : vector<16xi32>
      %get3A = arith.index_cast %mul3A_397 : i32 to index
      %get3A_400 = tpu.vector_load %arg15[%get3A] {strides = array<i32>} : memref<512xi32, #tpu.memory_space<vmem>>, vector<16xi32>,
      %get3A_401 = arith.index_cast %mul3A_397 : i32 to index
      %get3A_402 = tpu.vector_load %arg16[%get3A_401] {strides = array<i32>} : memref<512xi32, #tpu.memory_space<vmem>>, vector<16xi32>,
      %broadcast_in_dim3A_403 = arith.constant 0.000000e+00 : f32
      %broadcast_in_dim3A_404 = vector.broadcast %broadcast_in_dim3A_403 : f32 to vector<16xf32>
      %broadcast_in_dim3A_405 = arith.constant 0.000000e+00 : f32
      %broadcast_in_dim3A_406 = vector.broadcast %broadcast_in_dim3A_405 : f32 to vector<16xf32>
      %broadcast_in_dim3A_407 = arith.constant 0.000000e+00 : f32
      %broadcast_in_dim3A_408 = vector.broadcast %broadcast_in_dim3A_407 : f32 to vector<16xf32>
      %broadcast_in_dim3A_409 = arith.constant 0.000000e+00 : f32
      %broadcast_in_dim3A_410 = vector.broadcast %broadcast_in_dim3A_409 : f32 to vector<16xf32>
      %broadcast_in_dim3A_411 = arith.constant 0.000000e+00 : f32
      %broadcast_in_dim3A_412 = vector.broadcast %broadcast_in_dim3A_411 : f32 to vector<16xf32>
      %broadcast_in_dim3A_413 = arith.constant 0 : i32
      %broadcast_in_dim3A_414 = vector.broadcast %broadcast_in_dim3A_413 : i32 to vector<16xi32>
      %gather3A = tpu.vector_load_idx %arg17[%add3A_399, %broadcast_in_dim3A_414] : memref<512x32xf32, #tpu.memory_space<vmem>>[vector<16xi32>, vector<16xi32>], vector<16xf32>,
      %gather3A_415 = tpu.vector_load_idx %arg18[%add3A_399, %broadcast_in_dim3A_414] : memref<512x32xf32, #tpu.memory_space<vmem>>[vector<16xi32>, vector<16xi32>], vector<16xf32>,
      %gather3A_416 = tpu.vector_load_idx %arg21[%get3A_400, %broadcast_in_dim3A_414] : memref<32x32xf32, #tpu.memory_space<vmem>>[vector<16xi32>, vector<16xi32>], vector<16xf32>,
      %gather3A_417 = tpu.vector_load_idx %arg22[%get3A_402, %broadcast_in_dim3A_414] : memref<128x32xf32, #tpu.memory_space<vmem>>[vector<16xi32>, vector<16xi32>], vector<16xf32>,
      %mul3A_418 = arith.mulf %gather3A, %gather3A_415 : vector<16xf32>
      %add3A_419 = arith.addf %broadcast_in_dim3A_404, %mul3A_418 : vector<16xf32>
      %mul3A_420 = arith.mulf %gather3A, %gather3A_416 : vector<16xf32>
      %add3A_421 = arith.addf %broadcast_in_dim3A_406, %mul3A_420 : vector<16xf32>
      %mul3A_422 = arith.mulf %gather3A, %gather3A_417 : vector<16xf32>
      %add3A_423 = arith.addf %broadcast_in_dim3A_408, %mul3A_422 : vector<16xf32>
      %mul3A_424 = arith.mulf %gather3A, %gather3A : vector<16xf32>
      %add3A_425 = arith.addf %broadcast_in_dim3A_410, %mul3A_424 : vector<16xf32>
      %mul3A_426 = arith.mulf %gather3A_415, %gather3A_415 : vector<16xf32>
      %add3A_427 = arith.addf %broadcast_in_dim3A_412, %mul3A_426 : vector<16xf32>
      %broadcast_in_dim3A_428 = arith.constant 1 : i32
      %broadcast_in_dim3A_429 = vector.broadcast %broadcast_in_dim3A_428 : i32 to vector<16xi32>
      %gather3A_430 = tpu.vector_load_idx %arg17[%add3A_399, %broadcast_in_dim3A_429] : memref<512x32xf32, #tpu.memory_space<vmem>>[vector<16xi32>, vector<16xi32>], vector<16xf32>,
      %gather3A_431 = tpu.vector_load_idx %arg18[%add3A_399, %broadcast_in_dim3A_429] : memref<512x32xf32, #tpu.memory_space<vmem>>[vector<16xi32>, vector<16xi32>], vector<16xf32>,
      %gather3A_432 = tpu.vector_load_idx %arg21[%get3A_400, %broadcast_in_dim3A_429] : memref<32x32xf32, #tpu.memory_space<vmem>>[vector<16xi32>, vector<16xi32>], vector<16xf32>,
      %gather3A_433 = tpu.vector_load_idx %arg22[%get3A_402, %broadcast_in_dim3A_429] : memref<128x32xf32, #tpu.memory_space<vmem>>[vector<16xi32>, vector<16xi32>], vector<16xf32>,
      %mul3A_434 = arith.mulf %gather3A_430, %gather3A_431 : vector<16xf32>
      %add3A_435 = arith.addf %add3A_419, %mul3A_434 : vector<16xf32>
      %mul3A_436 = arith.mulf %gather3A_430, %gather3A_432 : vector<16xf32>
      %add3A_437 = arith.addf %add3A_421, %mul3A_436 : vector<16xf32>
      %mul3A_438 = arith.mulf %gather3A_430, %gather3A_433 : vector<16xf32>
      %add3A_439 = arith.addf %add3A_423, %mul3A_438 : vector<16xf32>
      %mul3A_440 = arith.mulf %gather3A_430, %gather3A_430 : vector<16xf32>
      %add3A_441 = arith.addf %add3A_425, %mul3A_440 : vector<16xf32>
      %mul3A_442 = arith.mulf %gather3A_431, %gather3A_431 : vector<16xf32>
      %add3A_443 = arith.addf %add3A_427, %mul3A_442 : vector<16xf32>
      %broadcast_in_dim3A_444 = arith.constant 2 : i32
      %broadcast_in_dim3A_445 = vector.broadcast %broadcast_in_dim3A_444 : i32 to vector<16xi32>
      %gather3A_446 = tpu.vector_load_idx %arg17[%add3A_399, %broadcast_in_dim3A_445] : memref<512x32xf32, #tpu.memory_space<vmem>>[vector<16xi32>, vector<16xi32>], vector<16xf32>,
      %gather3A_447 = tpu.vector_load_idx %arg18[%add3A_399, %broadcast_in_dim3A_445] : memref<512x32xf32, #tpu.memory_space<vmem>>[vector<16xi32>, vector<16xi32>], vector<16xf32>,
      %gather3A_448 = tpu.vector_load_idx %arg21[%get3A_400, %broadcast_in_dim3A_445] : memref<32x32xf32, #tpu.memory_space<vmem>>[vector<16xi32>, vector<16xi32>], vector<16xf32>,
      %gather3A_449 = tpu.vector_load_idx %arg22[%get3A_402, %broadcast_in_dim3A_445] : memref<128x32xf32, #tpu.memory_space<vmem>>[vector<16xi32>, vector<16xi32>], vector<16xf32>,
      %mul3A_450 = arith.mulf %gather3A_446, %gather3A_447 : vector<16xf32>
      %add3A_451 = arith.addf %add3A_435, %mul3A_450 : vector<16xf32>
      %mul3A_452 = arith.mulf %gather3A_446, %gather3A_448 : vector<16xf32>
      %add3A_453 = arith.addf %add3A_437, %mul3A_452 : vector<16xf32>
      %mul3A_454 = arith.mulf %gather3A_446, %gather3A_449 : vector<16xf32>
      %add3A_455 = arith.addf %add3A_439, %mul3A_454 : vector<16xf32>
      %mul3A_456 = arith.mulf %gather3A_446, %gather3A_446 : vector<16xf32>
      %add3A_457 = arith.addf %add3A_441, %mul3A_456 : vector<16xf32>
      %mul3A_458 = arith.mulf %gather3A_447, %gather3A_447 : vector<16xf32>
      %add3A_459 = arith.addf %add3A_443, %mul3A_458 : vector<16xf32>
      %broadcast_in_dim3A_460 = arith.constant 3 : i32
      %broadcast_in_dim3A_461 = vector.broadcast %broadcast_in_dim3A_460 : i32 to vector<16xi32>
      %gather3A_462 = tpu.vector_load_idx %arg17[%add3A_399, %broadcast_in_dim3A_461] : memref<512x32xf32, #tpu.memory_space<vmem>>[vector<16xi32>, vector<16xi32>], vector<16xf32>,
      %gather3A_463 = tpu.vector_load_idx %arg18[%add3A_399, %broadcast_in_dim3A_461] : memref<512x32xf32, #tpu.memory_space<vmem>>[vector<16xi32>, vector<16xi32>], vector<16xf32>,
      %gather3A_464 = tpu.vector_load_idx %arg21[%get3A_400, %broadcast_in_dim3A_461] : memref<32x32xf32, #tpu.memory_space<vmem>>[vector<16xi32>, vector<16xi32>], vector<16xf32>,
      %gather3A_465 = tpu.vector_load_idx %arg22[%get3A_402, %broadcast_in_dim3A_461] : memref<128x32xf32, #tpu.memory_space<vmem>>[vector<16xi32>, vector<16xi32>], vector<16xf32>,
      %mul3A_466 = arith.mulf %gather3A_462, %gather3A_463 : vector<16xf32>
      %add3A_467 = arith.addf %add3A_451, %mul3A_466 : vector<16xf32>
      %mul3A_468 = arith.mulf %gather3A_462, %gather3A_464 : vector<16xf32>
      %add3A_469 = arith.addf %add3A_453, %mul3A_468 : vector<16xf32>
      %mul3A_470 = arith.mulf %gather3A_462, %gather3A_465 : vector<16xf32>
      %add3A_471 = arith.addf %add3A_455, %mul3A_470 : vector<16xf32>
      %mul3A_472 = arith.mulf %gather3A_462, %gather3A_462 : vector<16xf32>
      %add3A_473 = arith.addf %add3A_457, %mul3A_472 : vector<16xf32>
      %mul3A_474 = arith.mulf %gather3A_463, %gather3A_463 : vector<16xf32>
      %add3A_475 = arith.addf %add3A_459, %mul3A_474 : vector<16xf32>
      %broadcast_in_dim3A_476 = arith.constant 4 : i32
      %broadcast_in_dim3A_477 = vector.broadcast %broadcast_in_dim3A_476 : i32 to vector<16xi32>
      %gather3A_478 = tpu.vector_load_idx %arg17[%add3A_399, %broadcast_in_dim3A_477] : memref<512x32xf32, #tpu.memory_space<vmem>>[vector<16xi32>, vector<16xi32>], vector<16xf32>,
      %gather3A_479 = tpu.vector_load_idx %arg18[%add3A_399, %broadcast_in_dim3A_477] : memref<512x32xf32, #tpu.memory_space<vmem>>[vector<16xi32>, vector<16xi32>], vector<16xf32>,
      %gather3A_480 = tpu.vector_load_idx %arg21[%get3A_400, %broadcast_in_dim3A_477] : memref<32x32xf32, #tpu.memory_space<vmem>>[vector<16xi32>, vector<16xi32>], vector<16xf32>,
      %gather3A_481 = tpu.vector_load_idx %arg22[%get3A_402, %broadcast_in_dim3A_477] : memref<128x32xf32, #tpu.memory_space<vmem>>[vector<16xi32>, vector<16xi32>], vector<16xf32>,
      %mul3A_482 = arith.mulf %gather3A_478, %gather3A_479 : vector<16xf32>
      %add3A_483 = arith.addf %add3A_467, %mul3A_482 : vector<16xf32>
      %mul3A_484 = arith.mulf %gather3A_478, %gather3A_480 : vector<16xf32>
      %add3A_485 = arith.addf %add3A_469, %mul3A_484 : vector<16xf32>
      %mul3A_486 = arith.mulf %gather3A_478, %gather3A_481 : vector<16xf32>
      %add3A_487 = arith.addf %add3A_471, %mul3A_486 : vector<16xf32>
      %mul3A_488 = arith.mulf %gather3A_478, %gather3A_478 : vector<16xf32>
      %add3A_489 = arith.addf %add3A_473, %mul3A_488 : vector<16xf32>
      %mul3A_490 = arith.mulf %gather3A_479, %gather3A_479 : vector<16xf32>
      %add3A_491 = arith.addf %add3A_475, %mul3A_490 : vector<16xf32>
      %broadcast_in_dim3A_492 = arith.constant 5 : i32
      %broadcast_in_dim3A_493 = vector.broadcast %broadcast_in_dim3A_492 : i32 to vector<16xi32>
      %gather3A_494 = tpu.vector_load_idx %arg17[%add3A_399, %broadcast_in_dim3A_493] : memref<512x32xf32, #tpu.memory_space<vmem>>[vector<16xi32>, vector<16xi32>], vector<16xf32>,
      %gather3A_495 = tpu.vector_load_idx %arg18[%add3A_399, %broadcast_in_dim3A_493] : memref<512x32xf32, #tpu.memory_space<vmem>>[vector<16xi32>, vector<16xi32>], vector<16xf32>,
      %gather3A_496 = tpu.vector_load_idx %arg21[%get3A_400, %broadcast_in_dim3A_493] : memref<32x32xf32, #tpu.memory_space<vmem>>[vector<16xi32>, vector<16xi32>], vector<16xf32>,
      %gather3A_497 = tpu.vector_load_idx %arg22[%get3A_402, %broadcast_in_dim3A_493] : memref<128x32xf32, #tpu.memory_space<vmem>>[vector<16xi32>, vector<16xi32>], vector<16xf32>,
      %mul3A_498 = arith.mulf %gather3A_494, %gather3A_495 : vector<16xf32>
      %add3A_499 = arith.addf %add3A_483, %mul3A_498 : vector<16xf32>
      %mul3A_500 = arith.mulf %gather3A_494, %gather3A_496 : vector<16xf32>
      %add3A_501 = arith.addf %add3A_485, %mul3A_500 : vector<16xf32>
      %mul3A_502 = arith.mulf %gather3A_494, %gather3A_497 : vector<16xf32>
      %add3A_503 = arith.addf %add3A_487, %mul3A_502 : vector<16xf32>
      %mul3A_504 = arith.mulf %gather3A_494, %gather3A_494 : vector<16xf32>
      %add3A_505 = arith.addf %add3A_489, %mul3A_504 : vector<16xf32>
      %mul3A_506 = arith.mulf %gather3A_495, %gather3A_495 : vector<16xf32>
      %add3A_507 = arith.addf %add3A_491, %mul3A_506 : vector<16xf32>
      %broadcast_in_dim3A_508 = arith.constant 6 : i32
      %broadcast_in_dim3A_509 = vector.broadcast %broadcast_in_dim3A_508 : i32 to vector<16xi32>
      %gather3A_510 = tpu.vector_load_idx %arg17[%add3A_399, %broadcast_in_dim3A_509] : memref<512x32xf32, #tpu.memory_space<vmem>>[vector<16xi32>, vector<16xi32>], vector<16xf32>,
      %gather3A_511 = tpu.vector_load_idx %arg18[%add3A_399, %broadcast_in_dim3A_509] : memref<512x32xf32, #tpu.memory_space<vmem>>[vector<16xi32>, vector<16xi32>], vector<16xf32>,
      %gather3A_512 = tpu.vector_load_idx %arg21[%get3A_400, %broadcast_in_dim3A_509] : memref<32x32xf32, #tpu.memory_space<vmem>>[vector<16xi32>, vector<16xi32>], vector<16xf32>,
      %gather3A_513 = tpu.vector_load_idx %arg22[%get3A_402, %broadcast_in_dim3A_509] : memref<128x32xf32, #tpu.memory_space<vmem>>[vector<16xi32>, vector<16xi32>], vector<16xf32>,
      %mul3A_514 = arith.mulf %gather3A_510, %gather3A_511 : vector<16xf32>
      %add3A_515 = arith.addf %add3A_499, %mul3A_514 : vector<16xf32>
      %mul3A_516 = arith.mulf %gather3A_510, %gather3A_512 : vector<16xf32>
      %add3A_517 = arith.addf %add3A_501, %mul3A_516 : vector<16xf32>
      %mul3A_518 = arith.mulf %gather3A_510, %gather3A_513 : vector<16xf32>
      %add3A_519 = arith.addf %add3A_503, %mul3A_518 : vector<16xf32>
      %mul3A_520 = arith.mulf %gather3A_510, %gather3A_510 : vector<16xf32>
      %add3A_521 = arith.addf %add3A_505, %mul3A_520 : vector<16xf32>
      %mul3A_522 = arith.mulf %gather3A_511, %gather3A_511 : vector<16xf32>
      %add3A_523 = arith.addf %add3A_507, %mul3A_522 : vector<16xf32>
      %broadcast_in_dim3A_524 = arith.constant 7 : i32
      %broadcast_in_dim3A_525 = vector.broadcast %broadcast_in_dim3A_524 : i32 to vector<16xi32>
      %gather3A_526 = tpu.vector_load_idx %arg17[%add3A_399, %broadcast_in_dim3A_525] : memref<512x32xf32, #tpu.memory_space<vmem>>[vector<16xi32>, vector<16xi32>], vector<16xf32>,
      %gather3A_527 = tpu.vector_load_idx %arg18[%add3A_399, %broadcast_in_dim3A_525] : memref<512x32xf32, #tpu.memory_space<vmem>>[vector<16xi32>, vector<16xi32>], vector<16xf32>,
      %gather3A_528 = tpu.vector_load_idx %arg21[%get3A_400, %broadcast_in_dim3A_525] : memref<32x32xf32, #tpu.memory_space<vmem>>[vector<16xi32>, vector<16xi32>], vector<16xf32>,
      %gather3A_529 = tpu.vector_load_idx %arg22[%get3A_402, %broadcast_in_dim3A_525] : memref<128x32xf32, #tpu.memory_space<vmem>>[vector<16xi32>, vector<16xi32>], vector<16xf32>,
      %mul3A_530 = arith.mulf %gather3A_526, %gather3A_527 : vector<16xf32>
      %add3A_531 = arith.addf %add3A_515, %mul3A_530 : vector<16xf32>
      %mul3A_532 = arith.mulf %gather3A_526, %gather3A_528 : vector<16xf32>
      %add3A_533 = arith.addf %add3A_517, %mul3A_532 : vector<16xf32>
      %mul3A_534 = arith.mulf %gather3A_526, %gather3A_529 : vector<16xf32>
      %add3A_535 = arith.addf %add3A_519, %mul3A_534 : vector<16xf32>
      %mul3A_536 = arith.mulf %gather3A_526, %gather3A_526 : vector<16xf32>
      %add3A_537 = arith.addf %add3A_521, %mul3A_536 : vector<16xf32>
      %mul3A_538 = arith.mulf %gather3A_527, %gather3A_527 : vector<16xf32>
      %add3A_539 = arith.addf %add3A_523, %mul3A_538 : vector<16xf32>
      %broadcast_in_dim3A_540 = arith.constant 8 : i32
      %broadcast_in_dim3A_541 = vector.broadcast %broadcast_in_dim3A_540 : i32 to vector<16xi32>
      %gather3A_542 = tpu.vector_load_idx %arg17[%add3A_399, %broadcast_in_dim3A_541] : memref<512x32xf32, #tpu.memory_space<vmem>>[vector<16xi32>, vector<16xi32>], vector<16xf32>,
      %gather3A_543 = tpu.vector_load_idx %arg18[%add3A_399, %broadcast_in_dim3A_541] : memref<512x32xf32, #tpu.memory_space<vmem>>[vector<16xi32>, vector<16xi32>], vector<16xf32>,
      %gather3A_544 = tpu.vector_load_idx %arg21[%get3A_400, %broadcast_in_dim3A_541] : memref<32x32xf32, #tpu.memory_space<vmem>>[vector<16xi32>, vector<16xi32>], vector<16xf32>,
      %gather3A_545 = tpu.vector_load_idx %arg22[%get3A_402, %broadcast_in_dim3A_541] : memref<128x32xf32, #tpu.memory_space<vmem>>[vector<16xi32>, vector<16xi32>], vector<16xf32>,
      %mul3A_546 = arith.mulf %gather3A_542, %gather3A_543 : vector<16xf32>
      %add3A_547 = arith.addf %add3A_531, %mul3A_546 : vector<16xf32>
      %mul3A_548 = arith.mulf %gather3A_542, %gather3A_544 : vector<16xf32>
      %add3A_549 = arith.addf %add3A_533, %mul3A_548 : vector<16xf32>
      %mul3A_550 = arith.mulf %gather3A_542, %gather3A_545 : vector<16xf32>
      %add3A_551 = arith.addf %add3A_535, %mul3A_550 : vector<16xf32>
      %mul3A_552 = arith.mulf %gather3A_542, %gather3A_542 : vector<16xf32>
      %add3A_553 = arith.addf %add3A_537, %mul3A_552 : vector<16xf32>
      %mul3A_554 = arith.mulf %gather3A_543, %gather3A_543 : vector<16xf32>
      %add3A_555 = arith.addf %add3A_539, %mul3A_554 : vector<16xf32>
      %broadcast_in_dim3A_556 = arith.constant 9 : i32
      %broadcast_in_dim3A_557 = vector.broadcast %broadcast_in_dim3A_556 : i32 to vector<16xi32>
      %gather3A_558 = tpu.vector_load_idx %arg17[%add3A_399, %broadcast_in_dim3A_557] : memref<512x32xf32, #tpu.memory_space<vmem>>[vector<16xi32>, vector<16xi32>], vector<16xf32>,
      %gather3A_559 = tpu.vector_load_idx %arg18[%add3A_399, %broadcast_in_dim3A_557] : memref<512x32xf32, #tpu.memory_space<vmem>>[vector<16xi32>, vector<16xi32>], vector<16xf32>,
      %gather3A_560 = tpu.vector_load_idx %arg21[%get3A_400, %broadcast_in_dim3A_557] : memref<32x32xf32, #tpu.memory_space<vmem>>[vector<16xi32>, vector<16xi32>], vector<16xf32>,
      %gather3A_561 = tpu.vector_load_idx %arg22[%get3A_402, %broadcast_in_dim3A_557] : memref<128x32xf32, #tpu.memory_space<vmem>>[vector<16xi32>, vector<16xi32>], vector<16xf32>,
      %mul3A_562 = arith.mulf %gather3A_558, %gather3A_559 : vector<16xf32>
      %add3A_563 = arith.addf %add3A_547, %mul3A_562 : vector<16xf32>
      %mul3A_564 = arith.mulf %gather3A_558, %gather3A_560 : vector<16xf32>
      %add3A_565 = arith.addf %add3A_549, %mul3A_564 : vector<16xf32>
      %mul3A_566 = arith.mulf %gather3A_558, %gather3A_561 : vector<16xf32>
      %add3A_567 = arith.addf %add3A_551, %mul3A_566 : vector<16xf32>
      %mul3A_568 = arith.mulf %gather3A_558, %gather3A_558 : vector<16xf32>
      %add3A_569 = arith.addf %add3A_553, %mul3A_568 : vector<16xf32>
      %mul3A_570 = arith.mulf %gather3A_559, %gather3A_559 : vector<16xf32>
      %add3A_571 = arith.addf %add3A_555, %mul3A_570 : vector<16xf32>
      %broadcast_in_dim3A_572 = arith.constant 10 : i32
      %broadcast_in_dim3A_573 = vector.broadcast %broadcast_in_dim3A_572 : i32 to vector<16xi32>
      %gather3A_574 = tpu.vector_load_idx %arg17[%add3A_399, %broadcast_in_dim3A_573] : memref<512x32xf32, #tpu.memory_space<vmem>>[vector<16xi32>, vector<16xi32>], vector<16xf32>,
      %gather3A_575 = tpu.vector_load_idx %arg18[%add3A_399, %broadcast_in_dim3A_573] : memref<512x32xf32, #tpu.memory_space<vmem>>[vector<16xi32>, vector<16xi32>], vector<16xf32>,
      %gather3A_576 = tpu.vector_load_idx %arg21[%get3A_400, %broadcast_in_dim3A_573] : memref<32x32xf32, #tpu.memory_space<vmem>>[vector<16xi32>, vector<16xi32>], vector<16xf32>,
      %gather3A_577 = tpu.vector_load_idx %arg22[%get3A_402, %broadcast_in_dim3A_573] : memref<128x32xf32, #tpu.memory_space<vmem>>[vector<16xi32>, vector<16xi32>], vector<16xf32>,
      %mul3A_578 = arith.mulf %gather3A_574, %gather3A_575 : vector<16xf32>
      %add3A_579 = arith.addf %add3A_563, %mul3A_578 : vector<16xf32>
      %mul3A_580 = arith.mulf %gather3A_574, %gather3A_576 : vector<16xf32>
      %add3A_581 = arith.addf %add3A_565, %mul3A_580 : vector<16xf32>
      %mul3A_582 = arith.mulf %gather3A_574, %gather3A_577 : vector<16xf32>
      %add3A_583 = arith.addf %add3A_567, %mul3A_582 : vector<16xf32>
      %mul3A_584 = arith.mulf %gather3A_574, %gather3A_574 : vector<16xf32>
      %add3A_585 = arith.addf %add3A_569, %mul3A_584 : vector<16xf32>
      %mul3A_586 = arith.mulf %gather3A_575, %gather3A_575 : vector<16xf32>
      %add3A_587 = arith.addf %add3A_571, %mul3A_586 : vector<16xf32>
      %broadcast_in_dim3A_588 = arith.constant 11 : i32
      %broadcast_in_dim3A_589 = vector.broadcast %broadcast_in_dim3A_588 : i32 to vector<16xi32>
      %gather3A_590 = tpu.vector_load_idx %arg17[%add3A_399, %broadcast_in_dim3A_589] : memref<512x32xf32, #tpu.memory_space<vmem>>[vector<16xi32>, vector<16xi32>], vector<16xf32>,
      %gather3A_591 = tpu.vector_load_idx %arg18[%add3A_399, %broadcast_in_dim3A_589] : memref<512x32xf32, #tpu.memory_space<vmem>>[vector<16xi32>, vector<16xi32>], vector<16xf32>,
      %gather3A_592 = tpu.vector_load_idx %arg21[%get3A_400, %broadcast_in_dim3A_589] : memref<32x32xf32, #tpu.memory_space<vmem>>[vector<16xi32>, vector<16xi32>], vector<16xf32>,
      %gather3A_593 = tpu.vector_load_idx %arg22[%get3A_402, %broadcast_in_dim3A_589] : memref<128x32xf32, #tpu.memory_space<vmem>>[vector<16xi32>, vector<16xi32>], vector<16xf32>,
      %mul3A_594 = arith.mulf %gather3A_590, %gather3A_591 : vector<16xf32>
      %add3A_595 = arith.addf %add3A_579, %mul3A_594 : vector<16xf32>
      %mul3A_596 = arith.mulf %gather3A_590, %gather3A_592 : vector<16xf32>
      %add3A_597 = arith.addf %add3A_581, %mul3A_596 : vector<16xf32>
      %mul3A_598 = arith.mulf %gather3A_590, %gather3A_593 : vector<16xf32>
      %add3A_599 = arith.addf %add3A_583, %mul3A_598 : vector<16xf32>
      %mul3A_600 = arith.mulf %gather3A_590, %gather3A_590 : vector<16xf32>
      %add3A_601 = arith.addf %add3A_585, %mul3A_600 : vector<16xf32>
      %mul3A_602 = arith.mulf %gather3A_591, %gather3A_591 : vector<16xf32>
      %add3A_603 = arith.addf %add3A_587, %mul3A_602 : vector<16xf32>
      %broadcast_in_dim3A_604 = arith.constant 12 : i32
      %broadcast_in_dim3A_605 = vector.broadcast %broadcast_in_dim3A_604 : i32 to vector<16xi32>
      %gather3A_606 = tpu.vector_load_idx %arg17[%add3A_399, %broadcast_in_dim3A_605] : memref<512x32xf32, #tpu.memory_space<vmem>>[vector<16xi32>, vector<16xi32>], vector<16xf32>,
      %gather3A_607 = tpu.vector_load_idx %arg18[%add3A_399, %broadcast_in_dim3A_605] : memref<512x32xf32, #tpu.memory_space<vmem>>[vector<16xi32>, vector<16xi32>], vector<16xf32>,
      %gather3A_608 = tpu.vector_load_idx %arg21[%get3A_400, %broadcast_in_dim3A_605] : memref<32x32xf32, #tpu.memory_space<vmem>>[vector<16xi32>, vector<16xi32>], vector<16xf32>,
      %gather3A_609 = tpu.vector_load_idx %arg22[%get3A_402, %broadcast_in_dim3A_605] : memref<128x32xf32, #tpu.memory_space<vmem>>[vector<16xi32>, vector<16xi32>], vector<16xf32>,
      %mul3A_610 = arith.mulf %gather3A_606, %gather3A_607 : vector<16xf32>
      %add3A_611 = arith.addf %add3A_595, %mul3A_610 : vector<16xf32>
      %mul3A_612 = arith.mulf %gather3A_606, %gather3A_608 : vector<16xf32>
      %add3A_613 = arith.addf %add3A_597, %mul3A_612 : vector<16xf32>
      %mul3A_614 = arith.mulf %gather3A_606, %gather3A_609 : vector<16xf32>
      %add3A_615 = arith.addf %add3A_599, %mul3A_614 : vector<16xf32>
      %mul3A_616 = arith.mulf %gather3A_606, %gather3A_606 : vector<16xf32>
      %add3A_617 = arith.addf %add3A_601, %mul3A_616 : vector<16xf32>
      %mul3A_618 = arith.mulf %gather3A_607, %gather3A_607 : vector<16xf32>
      %add3A_619 = arith.addf %add3A_603, %mul3A_618 : vector<16xf32>
      %broadcast_in_dim3A_620 = arith.constant 13 : i32
      %broadcast_in_dim3A_621 = vector.broadcast %broadcast_in_dim3A_620 : i32 to vector<16xi32>
      %gather3A_622 = tpu.vector_load_idx %arg17[%add3A_399, %broadcast_in_dim3A_621] : memref<512x32xf32, #tpu.memory_space<vmem>>[vector<16xi32>, vector<16xi32>], vector<16xf32>,
      %gather3A_623 = tpu.vector_load_idx %arg18[%add3A_399, %broadcast_in_dim3A_621] : memref<512x32xf32, #tpu.memory_space<vmem>>[vector<16xi32>, vector<16xi32>], vector<16xf32>,
      %gather3A_624 = tpu.vector_load_idx %arg21[%get3A_400, %broadcast_in_dim3A_621] : memref<32x32xf32, #tpu.memory_space<vmem>>[vector<16xi32>, vector<16xi32>], vector<16xf32>,
      %gather3A_625 = tpu.vector_load_idx %arg22[%get3A_402, %broadcast_in_dim3A_621] : memref<128x32xf32, #tpu.memory_space<vmem>>[vector<16xi32>, vector<16xi32>], vector<16xf32>,
      %mul3A_626 = arith.mulf %gather3A_622, %gather3A_623 : vector<16xf32>
      %add3A_627 = arith.addf %add3A_611, %mul3A_626 : vector<16xf32>
      %mul3A_628 = arith.mulf %gather3A_622, %gather3A_624 : vector<16xf32>
      %add3A_629 = arith.addf %add3A_613, %mul3A_628 : vector<16xf32>
      %mul3A_630 = arith.mulf %gather3A_622, %gather3A_625 : vector<16xf32>
      %add3A_631 = arith.addf %add3A_615, %mul3A_630 : vector<16xf32>
      %mul3A_632 = arith.mulf %gather3A_622, %gather3A_622 : vector<16xf32>
      %add3A_633 = arith.addf %add3A_617, %mul3A_632 : vector<16xf32>
      %mul3A_634 = arith.mulf %gather3A_623, %gather3A_623 : vector<16xf32>
      %add3A_635 = arith.addf %add3A_619, %mul3A_634 : vector<16xf32>
      %broadcast_in_dim3A_636 = arith.constant 14 : i32
      %broadcast_in_dim3A_637 = vector.broadcast %broadcast_in_dim3A_636 : i32 to vector<16xi32>
      %gather3A_638 = tpu.vector_load_idx %arg17[%add3A_399, %broadcast_in_dim3A_637] : memref<512x32xf32, #tpu.memory_space<vmem>>[vector<16xi32>, vector<16xi32>], vector<16xf32>,
      %gather3A_639 = tpu.vector_load_idx %arg18[%add3A_399, %broadcast_in_dim3A_637] : memref<512x32xf32, #tpu.memory_space<vmem>>[vector<16xi32>, vector<16xi32>], vector<16xf32>,
      %gather3A_640 = tpu.vector_load_idx %arg21[%get3A_400, %broadcast_in_dim3A_637] : memref<32x32xf32, #tpu.memory_space<vmem>>[vector<16xi32>, vector<16xi32>], vector<16xf32>,
      %gather3A_641 = tpu.vector_load_idx %arg22[%get3A_402, %broadcast_in_dim3A_637] : memref<128x32xf32, #tpu.memory_space<vmem>>[vector<16xi32>, vector<16xi32>], vector<16xf32>,
      %mul3A_642 = arith.mulf %gather3A_638, %gather3A_639 : vector<16xf32>
      %add3A_643 = arith.addf %add3A_627, %mul3A_642 : vector<16xf32>
      %mul3A_644 = arith.mulf %gather3A_638, %gather3A_640 : vector<16xf32>
      %add3A_645 = arith.addf %add3A_629, %mul3A_644 : vector<16xf32>
      %mul3A_646 = arith.mulf %gather3A_638, %gather3A_641 : vector<16xf32>
      %add3A_647 = arith.addf %add3A_631, %mul3A_646 : vector<16xf32>
      %mul3A_648 = arith.mulf %gather3A_638, %gather3A_638 : vector<16xf32>
      %add3A_649 = arith.addf %add3A_633, %mul3A_648 : vector<16xf32>
      %mul3A_650 = arith.mulf %gather3A_639, %gather3A_639 : vector<16xf32>
      %add3A_651 = arith.addf %add3A_635, %mul3A_650 : vector<16xf32>
      %broadcast_in_dim3A_652 = arith.constant 15 : i32
      %broadcast_in_dim3A_653 = vector.broadcast %broadcast_in_dim3A_652 : i32 to vector<16xi32>
      %gather3A_654 = tpu.vector_load_idx %arg17[%add3A_399, %broadcast_in_dim3A_653] : memref<512x32xf32, #tpu.memory_space<vmem>>[vector<16xi32>, vector<16xi32>], vector<16xf32>,
      %gather3A_655 = tpu.vector_load_idx %arg18[%add3A_399, %broadcast_in_dim3A_653] : memref<512x32xf32, #tpu.memory_space<vmem>>[vector<16xi32>, vector<16xi32>], vector<16xf32>,
      %gather3A_656 = tpu.vector_load_idx %arg21[%get3A_400, %broadcast_in_dim3A_653] : memref<32x32xf32, #tpu.memory_space<vmem>>[vector<16xi32>, vector<16xi32>], vector<16xf32>,
      %gather3A_657 = tpu.vector_load_idx %arg22[%get3A_402, %broadcast_in_dim3A_653] : memref<128x32xf32, #tpu.memory_space<vmem>>[vector<16xi32>, vector<16xi32>], vector<16xf32>,
      %mul3A_658 = arith.mulf %gather3A_654, %gather3A_655 : vector<16xf32>
      %add3A_659 = arith.addf %add3A_643, %mul3A_658 : vector<16xf32>
      %mul3A_660 = arith.mulf %gather3A_654, %gather3A_656 : vector<16xf32>
      %add3A_661 = arith.addf %add3A_645, %mul3A_660 : vector<16xf32>
      %mul3A_662 = arith.mulf %gather3A_654, %gather3A_657 : vector<16xf32>
      %add3A_663 = arith.addf %add3A_647, %mul3A_662 : vector<16xf32>
      %mul3A_664 = arith.mulf %gather3A_654, %gather3A_654 : vector<16xf32>
      %add3A_665 = arith.addf %add3A_649, %mul3A_664 : vector<16xf32>
      %mul3A_666 = arith.mulf %gather3A_655, %gather3A_655 : vector<16xf32>
      %add3A_667 = arith.addf %add3A_651, %mul3A_666 : vector<16xf32>
      %broadcast_in_dim3A_668 = arith.constant 16 : i32
      %broadcast_in_dim3A_669 = vector.broadcast %broadcast_in_dim3A_668 : i32 to vector<16xi32>
      %gather3A_670 = tpu.vector_load_idx %arg17[%add3A_399, %broadcast_in_dim3A_669] : memref<512x32xf32, #tpu.memory_space<vmem>>[vector<16xi32>, vector<16xi32>], vector<16xf32>,
      %gather3A_671 = tpu.vector_load_idx %arg18[%add3A_399, %broadcast_in_dim3A_669] : memref<512x32xf32, #tpu.memory_space<vmem>>[vector<16xi32>, vector<16xi32>], vector<16xf32>,
      %gather3A_672 = tpu.vector_load_idx %arg21[%get3A_400, %broadcast_in_dim3A_669] : memref<32x32xf32, #tpu.memory_space<vmem>>[vector<16xi32>, vector<16xi32>], vector<16xf32>,
      %gather3A_673 = tpu.vector_load_idx %arg22[%get3A_402, %broadcast_in_dim3A_669] : memref<128x32xf32, #tpu.memory_space<vmem>>[vector<16xi32>, vector<16xi32>], vector<16xf32>,
      %mul3A_674 = arith.mulf %gather3A_670, %gather3A_671 : vector<16xf32>
      %add3A_675 = arith.addf %add3A_659, %mul3A_674 : vector<16xf32>
      %mul3A_676 = arith.mulf %gather3A_670, %gather3A_672 : vector<16xf32>
      %add3A_677 = arith.addf %add3A_661, %mul3A_676 : vector<16xf32>
      %mul3A_678 = arith.mulf %gather3A_670, %gather3A_673 : vector<16xf32>
      %add3A_679 = arith.addf %add3A_663, %mul3A_678 : vector<16xf32>
      %mul3A_680 = arith.mulf %gather3A_670, %gather3A_670 : vector<16xf32>
      %add3A_681 = arith.addf %add3A_665, %mul3A_680 : vector<16xf32>
      %mul3A_682 = arith.mulf %gather3A_671, %gather3A_671 : vector<16xf32>
      %add3A_683 = arith.addf %add3A_667, %mul3A_682 : vector<16xf32>
      %broadcast_in_dim3A_684 = arith.constant 17 : i32
      %broadcast_in_dim3A_685 = vector.broadcast %broadcast_in_dim3A_684 : i32 to vector<16xi32>
      %gather3A_686 = tpu.vector_load_idx %arg17[%add3A_399, %broadcast_in_dim3A_685] : memref<512x32xf32, #tpu.memory_space<vmem>>[vector<16xi32>, vector<16xi32>], vector<16xf32>,
      %gather3A_687 = tpu.vector_load_idx %arg18[%add3A_399, %broadcast_in_dim3A_685] : memref<512x32xf32, #tpu.memory_space<vmem>>[vector<16xi32>, vector<16xi32>], vector<16xf32>,
      %gather3A_688 = tpu.vector_load_idx %arg21[%get3A_400, %broadcast_in_dim3A_685] : memref<32x32xf32, #tpu.memory_space<vmem>>[vector<16xi32>, vector<16xi32>], vector<16xf32>,
      %gather3A_689 = tpu.vector_load_idx %arg22[%get3A_402, %broadcast_in_dim3A_685] : memref<128x32xf32, #tpu.memory_space<vmem>>[vector<16xi32>, vector<16xi32>], vector<16xf32>,
      %mul3A_690 = arith.mulf %gather3A_686, %gather3A_687 : vector<16xf32>
      %add3A_691 = arith.addf %add3A_675, %mul3A_690 : vector<16xf32>
      %mul3A_692 = arith.mulf %gather3A_686, %gather3A_688 : vector<16xf32>
      %add3A_693 = arith.addf %add3A_677, %mul3A_692 : vector<16xf32>
      %mul3A_694 = arith.mulf %gather3A_686, %gather3A_689 : vector<16xf32>
      %add3A_695 = arith.addf %add3A_679, %mul3A_694 : vector<16xf32>
      %mul3A_696 = arith.mulf %gather3A_686, %gather3A_686 : vector<16xf32>
      %add3A_697 = arith.addf %add3A_681, %mul3A_696 : vector<16xf32>
      %mul3A_698 = arith.mulf %gather3A_687, %gather3A_687 : vector<16xf32>
      %add3A_699 = arith.addf %add3A_683, %mul3A_698 : vector<16xf32>
      %broadcast_in_dim3A_700 = arith.constant 18 : i32
      %broadcast_in_dim3A_701 = vector.broadcast %broadcast_in_dim3A_700 : i32 to vector<16xi32>
      %gather3A_702 = tpu.vector_load_idx %arg17[%add3A_399, %broadcast_in_dim3A_701] : memref<512x32xf32, #tpu.memory_space<vmem>>[vector<16xi32>, vector<16xi32>], vector<16xf32>,
      %gather3A_703 = tpu.vector_load_idx %arg18[%add3A_399, %broadcast_in_dim3A_701] : memref<512x32xf32, #tpu.memory_space<vmem>>[vector<16xi32>, vector<16xi32>], vector<16xf32>,
      %gather3A_704 = tpu.vector_load_idx %arg21[%get3A_400, %broadcast_in_dim3A_701] : memref<32x32xf32, #tpu.memory_space<vmem>>[vector<16xi32>, vector<16xi32>], vector<16xf32>,
      %gather3A_705 = tpu.vector_load_idx %arg22[%get3A_402, %broadcast_in_dim3A_701] : memref<128x32xf32, #tpu.memory_space<vmem>>[vector<16xi32>, vector<16xi32>], vector<16xf32>,
      %mul3A_706 = arith.mulf %gather3A_702, %gather3A_703 : vector<16xf32>
      %add3A_707 = arith.addf %add3A_691, %mul3A_706 : vector<16xf32>
      %mul3A_708 = arith.mulf %gather3A_702, %gather3A_704 : vector<16xf32>
      %add3A_709 = arith.addf %add3A_693, %mul3A_708 : vector<16xf32>
      %mul3A_710 = arith.mulf %gather3A_702, %gather3A_705 : vector<16xf32>
      %add3A_711 = arith.addf %add3A_695, %mul3A_710 : vector<16xf32>
      %mul3A_712 = arith.mulf %gather3A_702, %gather3A_702 : vector<16xf32>
      %add3A_713 = arith.addf %add3A_697, %mul3A_712 : vector<16xf32>
      %mul3A_714 = arith.mulf %gather3A_703, %gather3A_703 : vector<16xf32>
      %add3A_715 = arith.addf %add3A_699, %mul3A_714 : vector<16xf32>
      %broadcast_in_dim3A_716 = arith.constant 19 : i32
      %broadcast_in_dim3A_717 = vector.broadcast %broadcast_in_dim3A_716 : i32 to vector<16xi32>
      %gather3A_718 = tpu.vector_load_idx %arg17[%add3A_399, %broadcast_in_dim3A_717] : memref<512x32xf32, #tpu.memory_space<vmem>>[vector<16xi32>, vector<16xi32>], vector<16xf32>,
      %gather3A_719 = tpu.vector_load_idx %arg18[%add3A_399, %broadcast_in_dim3A_717] : memref<512x32xf32, #tpu.memory_space<vmem>>[vector<16xi32>, vector<16xi32>], vector<16xf32>,
      %gather3A_720 = tpu.vector_load_idx %arg21[%get3A_400, %broadcast_in_dim3A_717] : memref<32x32xf32, #tpu.memory_space<vmem>>[vector<16xi32>, vector<16xi32>], vector<16xf32>,
      %gather3A_721 = tpu.vector_load_idx %arg22[%get3A_402, %broadcast_in_dim3A_717] : memref<128x32xf32, #tpu.memory_space<vmem>>[vector<16xi32>, vector<16xi32>], vector<16xf32>,
      %mul3A_722 = arith.mulf %gather3A_718, %gather3A_719 : vector<16xf32>
      %add3A_723 = arith.addf %add3A_707, %mul3A_722 : vector<16xf32>
      %mul3A_724 = arith.mulf %gather3A_718, %gather3A_720 : vector<16xf32>
      %add3A_725 = arith.addf %add3A_709, %mul3A_724 : vector<16xf32>
      %mul3A_726 = arith.mulf %gather3A_718, %gather3A_721 : vector<16xf32>
      %add3A_727 = arith.addf %add3A_711, %mul3A_726 : vector<16xf32>
      %mul3A_728 = arith.mulf %gather3A_718, %gather3A_718 : vector<16xf32>
      %add3A_729 = arith.addf %add3A_713, %mul3A_728 : vector<16xf32>
      %mul3A_730 = arith.mulf %gather3A_719, %gather3A_719 : vector<16xf32>
      %add3A_731 = arith.addf %add3A_715, %mul3A_730 : vector<16xf32>
      %broadcast_in_dim3A_732 = arith.constant 20 : i32
      %broadcast_in_dim3A_733 = vector.broadcast %broadcast_in_dim3A_732 : i32 to vector<16xi32>
      %gather3A_734 = tpu.vector_load_idx %arg17[%add3A_399, %broadcast_in_dim3A_733] : memref<512x32xf32, #tpu.memory_space<vmem>>[vector<16xi32>, vector<16xi32>], vector<16xf32>,
      %gather3A_735 = tpu.vector_load_idx %arg18[%add3A_399, %broadcast_in_dim3A_733] : memref<512x32xf32, #tpu.memory_space<vmem>>[vector<16xi32>, vector<16xi32>], vector<16xf32>,
      %gather3A_736 = tpu.vector_load_idx %arg21[%get3A_400, %broadcast_in_dim3A_733] : memref<32x32xf32, #tpu.memory_space<vmem>>[vector<16xi32>, vector<16xi32>], vector<16xf32>,
      %gather3A_737 = tpu.vector_load_idx %arg22[%get3A_402, %broadcast_in_dim3A_733] : memref<128x32xf32, #tpu.memory_space<vmem>>[vector<16xi32>, vector<16xi32>], vector<16xf32>,
      %mul3A_738 = arith.mulf %gather3A_734, %gather3A_735 : vector<16xf32>
      %add3A_739 = arith.addf %add3A_723, %mul3A_738 : vector<16xf32>
      %mul3A_740 = arith.mulf %gather3A_734, %gather3A_736 : vector<16xf32>
      %add3A_741 = arith.addf %add3A_725, %mul3A_740 : vector<16xf32>
      %mul3A_742 = arith.mulf %gather3A_734, %gather3A_737 : vector<16xf32>
      %add3A_743 = arith.addf %add3A_727, %mul3A_742 : vector<16xf32>
      %mul3A_744 = arith.mulf %gather3A_734, %gather3A_734 : vector<16xf32>
      %add3A_745 = arith.addf %add3A_729, %mul3A_744 : vector<16xf32>
      %mul3A_746 = arith.mulf %gather3A_735, %gather3A_735 : vector<16xf32>
      %add3A_747 = arith.addf %add3A_731, %mul3A_746 : vector<16xf32>
      %broadcast_in_dim3A_748 = arith.constant 21 : i32
      %broadcast_in_dim3A_749 = vector.broadcast %broadcast_in_dim3A_748 : i32 to vector<16xi32>
      %gather3A_750 = tpu.vector_load_idx %arg17[%add3A_399, %broadcast_in_dim3A_749] : memref<512x32xf32, #tpu.memory_space<vmem>>[vector<16xi32>, vector<16xi32>], vector<16xf32>,
      %gather3A_751 = tpu.vector_load_idx %arg18[%add3A_399, %broadcast_in_dim3A_749] : memref<512x32xf32, #tpu.memory_space<vmem>>[vector<16xi32>, vector<16xi32>], vector<16xf32>,
      %gather3A_752 = tpu.vector_load_idx %arg21[%get3A_400, %broadcast_in_dim3A_749] : memref<32x32xf32, #tpu.memory_space<vmem>>[vector<16xi32>, vector<16xi32>], vector<16xf32>,
      %gather3A_753 = tpu.vector_load_idx %arg22[%get3A_402, %broadcast_in_dim3A_749] : memref<128x32xf32, #tpu.memory_space<vmem>>[vector<16xi32>, vector<16xi32>], vector<16xf32>,
      %mul3A_754 = arith.mulf %gather3A_750, %gather3A_751 : vector<16xf32>
      %add3A_755 = arith.addf %add3A_739, %mul3A_754 : vector<16xf32>
      %mul3A_756 = arith.mulf %gather3A_750, %gather3A_752 : vector<16xf32>
      %add3A_757 = arith.addf %add3A_741, %mul3A_756 : vector<16xf32>
      %mul3A_758 = arith.mulf %gather3A_750, %gather3A_753 : vector<16xf32>
      %add3A_759 = arith.addf %add3A_743, %mul3A_758 : vector<16xf32>
      %mul3A_760 = arith.mulf %gather3A_750, %gather3A_750 : vector<16xf32>
      %add3A_761 = arith.addf %add3A_745, %mul3A_760 : vector<16xf32>
      %mul3A_762 = arith.mulf %gather3A_751, %gather3A_751 : vector<16xf32>
      %add3A_763 = arith.addf %add3A_747, %mul3A_762 : vector<16xf32>
      %broadcast_in_dim3A_764 = arith.constant 22 : i32
      %broadcast_in_dim3A_765 = vector.broadcast %broadcast_in_dim3A_764 : i32 to vector<16xi32>
      %gather3A_766 = tpu.vector_load_idx %arg17[%add3A_399, %broadcast_in_dim3A_765] : memref<512x32xf32, #tpu.memory_space<vmem>>[vector<16xi32>, vector<16xi32>], vector<16xf32>,
      %gather3A_767 = tpu.vector_load_idx %arg18[%add3A_399, %broadcast_in_dim3A_765] : memref<512x32xf32, #tpu.memory_space<vmem>>[vector<16xi32>, vector<16xi32>], vector<16xf32>,
      %gather3A_768 = tpu.vector_load_idx %arg21[%get3A_400, %broadcast_in_dim3A_765] : memref<32x32xf32, #tpu.memory_space<vmem>>[vector<16xi32>, vector<16xi32>], vector<16xf32>,
      %gather3A_769 = tpu.vector_load_idx %arg22[%get3A_402, %broadcast_in_dim3A_765] : memref<128x32xf32, #tpu.memory_space<vmem>>[vector<16xi32>, vector<16xi32>], vector<16xf32>,
      %mul3A_770 = arith.mulf %gather3A_766, %gather3A_767 : vector<16xf32>
      %add3A_771 = arith.addf %add3A_755, %mul3A_770 : vector<16xf32>
      %mul3A_772 = arith.mulf %gather3A_766, %gather3A_768 : vector<16xf32>
      %add3A_773 = arith.addf %add3A_757, %mul3A_772 : vector<16xf32>
      %mul3A_774 = arith.mulf %gather3A_766, %gather3A_769 : vector<16xf32>
      %add3A_775 = arith.addf %add3A_759, %mul3A_774 : vector<16xf32>
      %mul3A_776 = arith.mulf %gather3A_766, %gather3A_766 : vector<16xf32>
      %add3A_777 = arith.addf %add3A_761, %mul3A_776 : vector<16xf32>
      %mul3A_778 = arith.mulf %gather3A_767, %gather3A_767 : vector<16xf32>
      %add3A_779 = arith.addf %add3A_763, %mul3A_778 : vector<16xf32>
      %broadcast_in_dim3A_780 = arith.constant 23 : i32
      %broadcast_in_dim3A_781 = vector.broadcast %broadcast_in_dim3A_780 : i32 to vector<16xi32>
      %gather3A_782 = tpu.vector_load_idx %arg17[%add3A_399, %broadcast_in_dim3A_781] : memref<512x32xf32, #tpu.memory_space<vmem>>[vector<16xi32>, vector<16xi32>], vector<16xf32>,
      %gather3A_783 = tpu.vector_load_idx %arg18[%add3A_399, %broadcast_in_dim3A_781] : memref<512x32xf32, #tpu.memory_space<vmem>>[vector<16xi32>, vector<16xi32>], vector<16xf32>,
      %gather3A_784 = tpu.vector_load_idx %arg21[%get3A_400, %broadcast_in_dim3A_781] : memref<32x32xf32, #tpu.memory_space<vmem>>[vector<16xi32>, vector<16xi32>], vector<16xf32>,
      %gather3A_785 = tpu.vector_load_idx %arg22[%get3A_402, %broadcast_in_dim3A_781] : memref<128x32xf32, #tpu.memory_space<vmem>>[vector<16xi32>, vector<16xi32>], vector<16xf32>,
      %mul3A_786 = arith.mulf %gather3A_782, %gather3A_783 : vector<16xf32>
      %add3A_787 = arith.addf %add3A_771, %mul3A_786 : vector<16xf32>
      %mul3A_788 = arith.mulf %gather3A_782, %gather3A_784 : vector<16xf32>
      %add3A_789 = arith.addf %add3A_773, %mul3A_788 : vector<16xf32>
      %mul3A_790 = arith.mulf %gather3A_782, %gather3A_785 : vector<16xf32>
      %add3A_791 = arith.addf %add3A_775, %mul3A_790 : vector<16xf32>
      %mul3A_792 = arith.mulf %gather3A_782, %gather3A_782 : vector<16xf32>
      %add3A_793 = arith.addf %add3A_777, %mul3A_792 : vector<16xf32>
      %mul3A_794 = arith.mulf %gather3A_783, %gather3A_783 : vector<16xf32>
      %add3A_795 = arith.addf %add3A_779, %mul3A_794 : vector<16xf32>
      %broadcast_in_dim3A_796 = arith.constant 24 : i32
      %broadcast_in_dim3A_797 = vector.broadcast %broadcast_in_dim3A_796 : i32 to vector<16xi32>
      %gather3A_798 = tpu.vector_load_idx %arg17[%add3A_399, %broadcast_in_dim3A_797] : memref<512x32xf32, #tpu.memory_space<vmem>>[vector<16xi32>, vector<16xi32>], vector<16xf32>,
      %gather3A_799 = tpu.vector_load_idx %arg18[%add3A_399, %broadcast_in_dim3A_797] : memref<512x32xf32, #tpu.memory_space<vmem>>[vector<16xi32>, vector<16xi32>], vector<16xf32>,
      %gather3A_800 = tpu.vector_load_idx %arg21[%get3A_400, %broadcast_in_dim3A_797] : memref<32x32xf32, #tpu.memory_space<vmem>>[vector<16xi32>, vector<16xi32>], vector<16xf32>,
      %gather3A_801 = tpu.vector_load_idx %arg22[%get3A_402, %broadcast_in_dim3A_797] : memref<128x32xf32, #tpu.memory_space<vmem>>[vector<16xi32>, vector<16xi32>], vector<16xf32>,
      %mul3A_802 = arith.mulf %gather3A_798, %gather3A_799 : vector<16xf32>
      %add3A_803 = arith.addf %add3A_787, %mul3A_802 : vector<16xf32>
      %mul3A_804 = arith.mulf %gather3A_798, %gather3A_800 : vector<16xf32>
      %add3A_805 = arith.addf %add3A_789, %mul3A_804 : vector<16xf32>
      %mul3A_806 = arith.mulf %gather3A_798, %gather3A_801 : vector<16xf32>
      %add3A_807 = arith.addf %add3A_791, %mul3A_806 : vector<16xf32>
      %mul3A_808 = arith.mulf %gather3A_798, %gather3A_798 : vector<16xf32>
      %add3A_809 = arith.addf %add3A_793, %mul3A_808 : vector<16xf32>
      %mul3A_810 = arith.mulf %gather3A_799, %gather3A_799 : vector<16xf32>
      %add3A_811 = arith.addf %add3A_795, %mul3A_810 : vector<16xf32>
      %broadcast_in_dim3A_812 = arith.constant 25 : i32
      %broadcast_in_dim3A_813 = vector.broadcast %broadcast_in_dim3A_812 : i32 to vector<16xi32>
      %gather3A_814 = tpu.vector_load_idx %arg17[%add3A_399, %broadcast_in_dim3A_813] : memref<512x32xf32, #tpu.memory_space<vmem>>[vector<16xi32>, vector<16xi32>], vector<16xf32>,
      %gather3A_815 = tpu.vector_load_idx %arg18[%add3A_399, %broadcast_in_dim3A_813] : memref<512x32xf32, #tpu.memory_space<vmem>>[vector<16xi32>, vector<16xi32>], vector<16xf32>,
      %gather3A_816 = tpu.vector_load_idx %arg21[%get3A_400, %broadcast_in_dim3A_813] : memref<32x32xf32, #tpu.memory_space<vmem>>[vector<16xi32>, vector<16xi32>], vector<16xf32>,
      %gather3A_817 = tpu.vector_load_idx %arg22[%get3A_402, %broadcast_in_dim3A_813] : memref<128x32xf32, #tpu.memory_space<vmem>>[vector<16xi32>, vector<16xi32>], vector<16xf32>,
      %mul3A_818 = arith.mulf %gather3A_814, %gather3A_815 : vector<16xf32>
      %add3A_819 = arith.addf %add3A_803, %mul3A_818 : vector<16xf32>
      %mul3A_820 = arith.mulf %gather3A_814, %gather3A_816 : vector<16xf32>
      %add3A_821 = arith.addf %add3A_805, %mul3A_820 : vector<16xf32>
      %mul3A_822 = arith.mulf %gather3A_814, %gather3A_817 : vector<16xf32>
      %add3A_823 = arith.addf %add3A_807, %mul3A_822 : vector<16xf32>
      %mul3A_824 = arith.mulf %gather3A_814, %gather3A_814 : vector<16xf32>
      %add3A_825 = arith.addf %add3A_809, %mul3A_824 : vector<16xf32>
      %mul3A_826 = arith.mulf %gather3A_815, %gather3A_815 : vector<16xf32>
      %add3A_827 = arith.addf %add3A_811, %mul3A_826 : vector<16xf32>
      %broadcast_in_dim3A_828 = arith.constant 26 : i32
      %broadcast_in_dim3A_829 = vector.broadcast %broadcast_in_dim3A_828 : i32 to vector<16xi32>
      %gather3A_830 = tpu.vector_load_idx %arg17[%add3A_399, %broadcast_in_dim3A_829] : memref<512x32xf32, #tpu.memory_space<vmem>>[vector<16xi32>, vector<16xi32>], vector<16xf32>,
      %gather3A_831 = tpu.vector_load_idx %arg18[%add3A_399, %broadcast_in_dim3A_829] : memref<512x32xf32, #tpu.memory_space<vmem>>[vector<16xi32>, vector<16xi32>], vector<16xf32>,
      %gather3A_832 = tpu.vector_load_idx %arg21[%get3A_400, %broadcast_in_dim3A_829] : memref<32x32xf32, #tpu.memory_space<vmem>>[vector<16xi32>, vector<16xi32>], vector<16xf32>,
      %gather3A_833 = tpu.vector_load_idx %arg22[%get3A_402, %broadcast_in_dim3A_829] : memref<128x32xf32, #tpu.memory_space<vmem>>[vector<16xi32>, vector<16xi32>], vector<16xf32>,
      %mul3A_834 = arith.mulf %gather3A_830, %gather3A_831 : vector<16xf32>
      %add3A_835 = arith.addf %add3A_819, %mul3A_834 : vector<16xf32>
      %mul3A_836 = arith.mulf %gather3A_830, %gather3A_832 : vector<16xf32>
      %add3A_837 = arith.addf %add3A_821, %mul3A_836 : vector<16xf32>
      %mul3A_838 = arith.mulf %gather3A_830, %gather3A_833 : vector<16xf32>
      %add3A_839 = arith.addf %add3A_823, %mul3A_838 : vector<16xf32>
      %mul3A_840 = arith.mulf %gather3A_830, %gather3A_830 : vector<16xf32>
      %add3A_841 = arith.addf %add3A_825, %mul3A_840 : vector<16xf32>
      %mul3A_842 = arith.mulf %gather3A_831, %gather3A_831 : vector<16xf32>
      %add3A_843 = arith.addf %add3A_827, %mul3A_842 : vector<16xf32>
      %broadcast_in_dim3A_844 = arith.constant 27 : i32
      %broadcast_in_dim3A_845 = vector.broadcast %broadcast_in_dim3A_844 : i32 to vector<16xi32>
      %gather3A_846 = tpu.vector_load_idx %arg17[%add3A_399, %broadcast_in_dim3A_845] : memref<512x32xf32, #tpu.memory_space<vmem>>[vector<16xi32>, vector<16xi32>], vector<16xf32>,
      %gather3A_847 = tpu.vector_load_idx %arg18[%add3A_399, %broadcast_in_dim3A_845] : memref<512x32xf32, #tpu.memory_space<vmem>>[vector<16xi32>, vector<16xi32>], vector<16xf32>,
      %gather3A_848 = tpu.vector_load_idx %arg21[%get3A_400, %broadcast_in_dim3A_845] : memref<32x32xf32, #tpu.memory_space<vmem>>[vector<16xi32>, vector<16xi32>], vector<16xf32>,
      %gather3A_849 = tpu.vector_load_idx %arg22[%get3A_402, %broadcast_in_dim3A_845] : memref<128x32xf32, #tpu.memory_space<vmem>>[vector<16xi32>, vector<16xi32>], vector<16xf32>,
      %mul3A_850 = arith.mulf %gather3A_846, %gather3A_847 : vector<16xf32>
      %add3A_851 = arith.addf %add3A_835, %mul3A_850 : vector<16xf32>
      %mul3A_852 = arith.mulf %gather3A_846, %gather3A_848 : vector<16xf32>
      %add3A_853 = arith.addf %add3A_837, %mul3A_852 : vector<16xf32>
      %mul3A_854 = arith.mulf %gather3A_846, %gather3A_849 : vector<16xf32>
      %add3A_855 = arith.addf %add3A_839, %mul3A_854 : vector<16xf32>
      %mul3A_856 = arith.mulf %gather3A_846, %gather3A_846 : vector<16xf32>
      %add3A_857 = arith.addf %add3A_841, %mul3A_856 : vector<16xf32>
      %mul3A_858 = arith.mulf %gather3A_847, %gather3A_847 : vector<16xf32>
      %add3A_859 = arith.addf %add3A_843, %mul3A_858 : vector<16xf32>
      %broadcast_in_dim3A_860 = arith.constant 28 : i32
      %broadcast_in_dim3A_861 = vector.broadcast %broadcast_in_dim3A_860 : i32 to vector<16xi32>
      %gather3A_862 = tpu.vector_load_idx %arg17[%add3A_399, %broadcast_in_dim3A_861] : memref<512x32xf32, #tpu.memory_space<vmem>>[vector<16xi32>, vector<16xi32>], vector<16xf32>,
      %gather3A_863 = tpu.vector_load_idx %arg18[%add3A_399, %broadcast_in_dim3A_861] : memref<512x32xf32, #tpu.memory_space<vmem>>[vector<16xi32>, vector<16xi32>], vector<16xf32>,
      %gather3A_864 = tpu.vector_load_idx %arg21[%get3A_400, %broadcast_in_dim3A_861] : memref<32x32xf32, #tpu.memory_space<vmem>>[vector<16xi32>, vector<16xi32>], vector<16xf32>,
      %gather3A_865 = tpu.vector_load_idx %arg22[%get3A_402, %broadcast_in_dim3A_861] : memref<128x32xf32, #tpu.memory_space<vmem>>[vector<16xi32>, vector<16xi32>], vector<16xf32>,
      %mul3A_866 = arith.mulf %gather3A_862, %gather3A_863 : vector<16xf32>
      %add3A_867 = arith.addf %add3A_851, %mul3A_866 : vector<16xf32>
      %mul3A_868 = arith.mulf %gather3A_862, %gather3A_864 : vector<16xf32>
      %add3A_869 = arith.addf %add3A_853, %mul3A_868 : vector<16xf32>
      %mul3A_870 = arith.mulf %gather3A_862, %gather3A_865 : vector<16xf32>
      %add3A_871 = arith.addf %add3A_855, %mul3A_870 : vector<16xf32>
      %mul3A_872 = arith.mulf %gather3A_862, %gather3A_862 : vector<16xf32>
      %add3A_873 = arith.addf %add3A_857, %mul3A_872 : vector<16xf32>
      %mul3A_874 = arith.mulf %gather3A_863, %gather3A_863 : vector<16xf32>
      %add3A_875 = arith.addf %add3A_859, %mul3A_874 : vector<16xf32>
      %broadcast_in_dim3A_876 = arith.constant 29 : i32
      %broadcast_in_dim3A_877 = vector.broadcast %broadcast_in_dim3A_876 : i32 to vector<16xi32>
      %gather3A_878 = tpu.vector_load_idx %arg17[%add3A_399, %broadcast_in_dim3A_877] : memref<512x32xf32, #tpu.memory_space<vmem>>[vector<16xi32>, vector<16xi32>], vector<16xf32>,
      %gather3A_879 = tpu.vector_load_idx %arg18[%add3A_399, %broadcast_in_dim3A_877] : memref<512x32xf32, #tpu.memory_space<vmem>>[vector<16xi32>, vector<16xi32>], vector<16xf32>,
      %gather3A_880 = tpu.vector_load_idx %arg21[%get3A_400, %broadcast_in_dim3A_877] : memref<32x32xf32, #tpu.memory_space<vmem>>[vector<16xi32>, vector<16xi32>], vector<16xf32>,
      %gather3A_881 = tpu.vector_load_idx %arg22[%get3A_402, %broadcast_in_dim3A_877] : memref<128x32xf32, #tpu.memory_space<vmem>>[vector<16xi32>, vector<16xi32>], vector<16xf32>,
      %mul3A_882 = arith.mulf %gather3A_878, %gather3A_879 : vector<16xf32>
      %add3A_883 = arith.addf %add3A_867, %mul3A_882 : vector<16xf32>
      %mul3A_884 = arith.mulf %gather3A_878, %gather3A_880 : vector<16xf32>
      %add3A_885 = arith.addf %add3A_869, %mul3A_884 : vector<16xf32>
      %mul3A_886 = arith.mulf %gather3A_878, %gather3A_881 : vector<16xf32>
      %add3A_887 = arith.addf %add3A_871, %mul3A_886 : vector<16xf32>
      %mul3A_888 = arith.mulf %gather3A_878, %gather3A_878 : vector<16xf32>
      %add3A_889 = arith.addf %add3A_873, %mul3A_888 : vector<16xf32>
      %mul3A_890 = arith.mulf %gather3A_879, %gather3A_879 : vector<16xf32>
      %add3A_891 = arith.addf %add3A_875, %mul3A_890 : vector<16xf32>
      %broadcast_in_dim3A_892 = arith.constant 30 : i32
      %broadcast_in_dim3A_893 = vector.broadcast %broadcast_in_dim3A_892 : i32 to vector<16xi32>
      %gather3A_894 = tpu.vector_load_idx %arg17[%add3A_399, %broadcast_in_dim3A_893] : memref<512x32xf32, #tpu.memory_space<vmem>>[vector<16xi32>, vector<16xi32>], vector<16xf32>,
      %gather3A_895 = tpu.vector_load_idx %arg18[%add3A_399, %broadcast_in_dim3A_893] : memref<512x32xf32, #tpu.memory_space<vmem>>[vector<16xi32>, vector<16xi32>], vector<16xf32>,
      %gather3A_896 = tpu.vector_load_idx %arg21[%get3A_400, %broadcast_in_dim3A_893] : memref<32x32xf32, #tpu.memory_space<vmem>>[vector<16xi32>, vector<16xi32>], vector<16xf32>,
      %gather3A_897 = tpu.vector_load_idx %arg22[%get3A_402, %broadcast_in_dim3A_893] : memref<128x32xf32, #tpu.memory_space<vmem>>[vector<16xi32>, vector<16xi32>], vector<16xf32>,
      %mul3A_898 = arith.mulf %gather3A_894, %gather3A_895 : vector<16xf32>
      %add3A_899 = arith.addf %add3A_883, %mul3A_898 : vector<16xf32>
      %mul3A_900 = arith.mulf %gather3A_894, %gather3A_896 : vector<16xf32>
      %add3A_901 = arith.addf %add3A_885, %mul3A_900 : vector<16xf32>
      %mul3A_902 = arith.mulf %gather3A_894, %gather3A_897 : vector<16xf32>
      %add3A_903 = arith.addf %add3A_887, %mul3A_902 : vector<16xf32>
      %mul3A_904 = arith.mulf %gather3A_894, %gather3A_894 : vector<16xf32>
      %add3A_905 = arith.addf %add3A_889, %mul3A_904 : vector<16xf32>
      %mul3A_906 = arith.mulf %gather3A_895, %gather3A_895 : vector<16xf32>
      %add3A_907 = arith.addf %add3A_891, %mul3A_906 : vector<16xf32>
      %broadcast_in_dim3A_908 = arith.constant 31 : i32
      %broadcast_in_dim3A_909 = vector.broadcast %broadcast_in_dim3A_908 : i32 to vector<16xi32>
      %gather3A_910 = tpu.vector_load_idx %arg17[%add3A_399, %broadcast_in_dim3A_909] : memref<512x32xf32, #tpu.memory_space<vmem>>[vector<16xi32>, vector<16xi32>], vector<16xf32>,
      %gather3A_911 = tpu.vector_load_idx %arg18[%add3A_399, %broadcast_in_dim3A_909] : memref<512x32xf32, #tpu.memory_space<vmem>>[vector<16xi32>, vector<16xi32>], vector<16xf32>,
      %gather3A_912 = tpu.vector_load_idx %arg21[%get3A_400, %broadcast_in_dim3A_909] : memref<32x32xf32, #tpu.memory_space<vmem>>[vector<16xi32>, vector<16xi32>], vector<16xf32>,
      %gather3A_913 = tpu.vector_load_idx %arg22[%get3A_402, %broadcast_in_dim3A_909] : memref<128x32xf32, #tpu.memory_space<vmem>>[vector<16xi32>, vector<16xi32>], vector<16xf32>,
      %mul3A_914 = arith.mulf %gather3A_910, %gather3A_911 : vector<16xf32>
      %add3A_915 = arith.addf %add3A_899, %mul3A_914 : vector<16xf32>
      %mul3A_916 = arith.mulf %gather3A_910, %gather3A_912 : vector<16xf32>
      %add3A_917 = arith.addf %add3A_901, %mul3A_916 : vector<16xf32>
      %mul3A_918 = arith.mulf %gather3A_910, %gather3A_913 : vector<16xf32>
      %add3A_919 = arith.addf %add3A_903, %mul3A_918 : vector<16xf32>
      %mul3A_920 = arith.mulf %gather3A_910, %gather3A_910 : vector<16xf32>
      %add3A_921 = arith.addf %add3A_905, %mul3A_920 : vector<16xf32>
      %mul3A_922 = arith.mulf %gather3A_911, %gather3A_911 : vector<16xf32>
      %add3A_923 = arith.addf %add3A_907, %mul3A_922 : vector<16xf32>
      %gt3A = arith.constant 1.000000e-16 : f32
      %gt3A_924 = vector.broadcast %gt3A : f32 to vector<16xf32>
      %gt3A_925 = arith.cmpf ogt, %add3A_921, %gt3A_924 : vector<16xf32>
      %bitcast3A = vector.bitcast %add3A_921 : vector<16xf32> to vector<16xi32>
      %shift_right_arithmetic3A = arith.constant 1 : i32
      %shift_right_arithmetic3A_926 = vector.broadcast %shift_right_arithmetic3A : i32 to vector<16xi32>
      %shift_right_arithmetic3A_927 = arith.shrsi %bitcast3A, %shift_right_arithmetic3A_926 : vector<16xi32>
      %sub3A = arith.constant 1597463007 : i32
      %sub3A_928 = vector.broadcast %sub3A : i32 to vector<16xi32>
      %sub3A_929 = arith.subi %sub3A_928, %shift_right_arithmetic3A_927 : vector<16xi32>
      %bitcast3A_930 = vector.bitcast %sub3A_929 : vector<16xi32> to vector<16xf32>
      %mul3A_931 = arith.constant 5.000000e-01 : f32
      %mul3A_932 = vector.broadcast %mul3A_931 : f32 to vector<16xf32>
      %mul3A_933 = arith.mulf %mul3A_932, %add3A_921 : vector<16xf32>
      %mul3A_934 = arith.mulf %mul3A_933, %bitcast3A_930 : vector<16xf32>
      %mul3A_935 = arith.mulf %mul3A_934, %bitcast3A_930 : vector<16xf32>
      %sub3A_936 = arith.constant 1.500000e+00 : f32
      %sub3A_937 = vector.broadcast %sub3A_936 : f32 to vector<16xf32>
      %sub3A_938 = arith.subf %sub3A_937, %mul3A_935 : vector<16xf32>
      %mul3A_939 = arith.mulf %bitcast3A_930, %sub3A_938 : vector<16xf32>
      %mul3A_940 = arith.constant 5.000000e-01 : f32
      %mul3A_941 = vector.broadcast %mul3A_940 : f32 to vector<16xf32>
      %mul3A_942 = arith.mulf %mul3A_941, %add3A_921 : vector<16xf32>
      %mul3A_943 = arith.mulf %mul3A_942, %mul3A_939 : vector<16xf32>
      %mul3A_944 = arith.mulf %mul3A_943, %mul3A_939 : vector<16xf32>
      %sub3A_945 = arith.constant 1.500000e+00 : f32
      %sub3A_946 = vector.broadcast %sub3A_945 : f32 to vector<16xf32>
      %sub3A_947 = arith.subf %sub3A_946, %mul3A_944 : vector<16xf32>
      %mul3A_948 = arith.mulf %mul3A_939, %sub3A_947 : vector<16xf32>
      %mul3A_949 = arith.constant 5.000000e-01 : f32
      %mul3A_950 = vector.broadcast %mul3A_949 : f32 to vector<16xf32>
      %mul3A_951 = arith.mulf %mul3A_950, %add3A_921 : vector<16xf32>
      %mul3A_952 = arith.mulf %mul3A_951, %mul3A_948 : vector<16xf32>
      %mul3A_953 = arith.mulf %mul3A_952, %mul3A_948 : vector<16xf32>
      %sub3A_954 = arith.constant 1.500000e+00 : f32
      %sub3A_955 = vector.broadcast %sub3A_954 : f32 to vector<16xf32>
      %sub3A_956 = arith.subf %sub3A_955, %mul3A_953 : vector<16xf32>
      %mul3A_957 = arith.mulf %mul3A_948, %sub3A_956 : vector<16xf32>
      %jit3A = arith.constant 1.000000e+08 : f32
      %broadcast_in_dim3A_958 = vector.broadcast %jit3A : f32 to vector<16xf32>
      %select_n3A = arith.select %gt3A_925, %mul3A_957, %broadcast_in_dim3A_958 : vector<16xi1>, vector<16xf32>
      %gt3A_959 = arith.constant 1.000000e-16 : f32
      %gt3A_960 = vector.broadcast %gt3A_959 : f32 to vector<16xf32>
      %gt3A_961 = arith.cmpf ogt, %add3A_923, %gt3A_960 : vector<16xf32>
      %bitcast3A_962 = vector.bitcast %add3A_923 : vector<16xf32> to vector<16xi32>
      %shift_right_arithmetic3A_963 = arith.constant 1 : i32
      %shift_right_arithmetic3A_964 = vector.broadcast %shift_right_arithmetic3A_963 : i32 to vector<16xi32>
      %shift_right_arithmetic3A_965 = arith.shrsi %bitcast3A_962, %shift_right_arithmetic3A_964 : vector<16xi32>
      %sub3A_966 = arith.constant 1597463007 : i32
      %sub3A_967 = vector.broadcast %sub3A_966 : i32 to vector<16xi32>
      %sub3A_968 = arith.subi %sub3A_967, %shift_right_arithmetic3A_965 : vector<16xi32>
      %bitcast3A_969 = vector.bitcast %sub3A_968 : vector<16xi32> to vector<16xf32>
      %mul3A_970 = arith.constant 5.000000e-01 : f32
      %mul3A_971 = vector.broadcast %mul3A_970 : f32 to vector<16xf32>
      %mul3A_972 = arith.mulf %mul3A_971, %add3A_923 : vector<16xf32>
      %mul3A_973 = arith.mulf %mul3A_972, %bitcast3A_969 : vector<16xf32>
      %mul3A_974 = arith.mulf %mul3A_973, %bitcast3A_969 : vector<16xf32>
      %sub3A_975 = arith.constant 1.500000e+00 : f32
      %sub3A_976 = vector.broadcast %sub3A_975 : f32 to vector<16xf32>
      %sub3A_977 = arith.subf %sub3A_976, %mul3A_974 : vector<16xf32>
      %mul3A_978 = arith.mulf %bitcast3A_969, %sub3A_977 : vector<16xf32>
      %mul3A_979 = arith.constant 5.000000e-01 : f32
      %mul3A_980 = vector.broadcast %mul3A_979 : f32 to vector<16xf32>
      %mul3A_981 = arith.mulf %mul3A_980, %add3A_923 : vector<16xf32>
      %mul3A_982 = arith.mulf %mul3A_981, %mul3A_978 : vector<16xf32>
      %mul3A_983 = arith.mulf %mul3A_982, %mul3A_978 : vector<16xf32>
      %sub3A_984 = arith.constant 1.500000e+00 : f32
      %sub3A_985 = vector.broadcast %sub3A_984 : f32 to vector<16xf32>
      %sub3A_986 = arith.subf %sub3A_985, %mul3A_983 : vector<16xf32>
      %mul3A_987 = arith.mulf %mul3A_978, %sub3A_986 : vector<16xf32>
      %mul3A_988 = arith.constant 5.000000e-01 : f32
      %mul3A_989 = vector.broadcast %mul3A_988 : f32 to vector<16xf32>
      %mul3A_990 = arith.mulf %mul3A_989, %add3A_923 : vector<16xf32>
      %mul3A_991 = arith.mulf %mul3A_990, %mul3A_987 : vector<16xf32>
      %mul3A_992 = arith.mulf %mul3A_991, %mul3A_987 : vector<16xf32>
      %sub3A_993 = arith.constant 1.500000e+00 : f32
      %sub3A_994 = vector.broadcast %sub3A_993 : f32 to vector<16xf32>
      %sub3A_995 = arith.subf %sub3A_994, %mul3A_992 : vector<16xf32>
      %mul3A_996 = arith.mulf %mul3A_987, %sub3A_995 : vector<16xf32>
      %jit3A_997 = arith.constant 1.000000e+08 : f32
      %broadcast_in_dim3A_998 = vector.broadcast %jit3A_997 : f32 to vector<16xf32>
      %select_n3A_999 = arith.select %gt3A_961, %mul3A_996, %broadcast_in_dim3A_998 : vector<16xi1>, vector<16xf32>
      %get3A_1000 = arith.index_cast %mul3A_397 : i32 to index
      %get3A_1001 = tpu.vector_load %arg19[%get3A_1000] {strides = array<i32>} : memref<512xf32, #tpu.memory_space<vmem>>, vector<16xf32>,
      %get3A_1002 = arith.index_cast %mul3A_397 : i32 to index
      %get3A_1003 = tpu.vector_load %arg20[%get3A_1002] {strides = array<i32>} : memref<512xf32, #tpu.memory_space<vmem>>, vector<16xf32>,
      %mul3A_1004 = arith.mulf %add3A_915, %select_n3A : vector<16xf32>
      %mul3A_1005 = arith.mulf %mul3A_1004, %select_n3A_999 : vector<16xf32>
      %mul3A_1006 = arith.constant 2.500000e+00 : f32
      %mul3A_1007 = vector.broadcast %mul3A_1006 : f32 to vector<16xf32>
      %mul3A_1008 = arith.mulf %mul3A_1005, %mul3A_1007 : vector<16xf32>
      %add3A_1009 = arith.constant 2.750000e+00 : f32
      %add3A_1010 = vector.broadcast %add3A_1009 : f32 to vector<16xf32>
      %add3A_1011 = arith.addf %mul3A_1008, %add3A_1010 : vector<16xf32>
      %add3A_1012 = arith.addf %add3A_1011, %get3A_1001 : vector<16xf32>
      %add3A_1013 = arith.addf %add3A_1012, %get3A_1003 : vector<16xf32>
      %add3A_1014 = arith.addf %add3A_917, %add3A_919 : vector<16xf32>
      %mul3A_1015 = arith.mulf %add3A_1014, %select_n3A : vector<16xf32>
      %add3A_1016 = arith.addf %add3A_1013, %mul3A_1015 : vector<16xf32>
      %swap3A_1017 = arith.index_cast %mul3A_397 : i32 to index
      %swap3A_1018 = tpu.vector_load %arg23[%swap3A_1017] {strides = array<i32>} : memref<512xf32, #tpu.memory_space<vmem>>, vector<16xf32>,
      tpu.vector_store %arg23[%swap3A_1017], %add3A_1016 {strides = array<i32>} : memref<512xf32, #tpu.memory_space<vmem>>, vector<16xf32>,
    }
    %scan3A_394 = arith.constant 32 : i32
    "tpu.region"() ({
      %run_scoped3A_395 = tpu.sem_alloc : memref<!tpu.dma_semaphore, #tpu.memory_space<semaphore_mem>>
      %dma_start3A_396 = tpu.memref_slice %arg12[%mul3A_2] : memref<16384xf32, #tpu.memory_space<hbm>> -> memref<512xf32, #tpu.memory_space<hbm>>
      %dma_start3A_397 = tpu.memref_slice %arg12[%mul3A_2] : memref<16384xf32, #tpu.memory_space<hbm>> -> memref<512xf32, #tpu.memory_space<hbm>>
      tpu.enqueue_dma source(%arg23 : memref<512xf32, #tpu.memory_space<vmem>>) target(%dma_start3A_397 : memref<512xf32, #tpu.memory_space<hbm>>) target_semaphore(%run_scoped3A_395 : memref<!tpu.dma_semaphore, #tpu.memory_space<semaphore_mem>>)
      %dma_wait3A_398 = tpu.memref_slice %arg12[%mul3A_2] : memref<16384xf32, #tpu.memory_space<hbm>> -> memref<512xf32, #tpu.memory_space<hbm>>
      %dma_wait3A_399 = tpu.memref_slice %arg12[%mul3A_2] : memref<16384xf32, #tpu.memory_space<hbm>> -> memref<512xf32, #tpu.memory_space<hbm>>
      tpu.wait_dma2 semaphore(%run_scoped3A_395 : memref<!tpu.dma_semaphore, #tpu.memory_space<semaphore_mem>>) src(%arg23 : memref<512xf32, #tpu.memory_space<vmem>>) dst(%dma_wait3A_399 : memref<512xf32, #tpu.memory_space<hbm>>)
      tpu.yield
    }) : () -> ()
    return
  }
}

</mosaic_0001>

<sc_bundles>
// kernel: mf_side_features_bias_sc.3.cloned.1.call-start
scs
__scs_entry_jumppad:
0x0: {  	(pc) =	sbr.rel $0x88, $3  }
0x1: {  	(tag) =	ssettag $0x0;
	lr =	simm.s32 $0x1  }
0x2: {  	[smem:$0x3F97] =	sst lr;
	_ =	strace $0xD0000000  }
0x3: {  	_ = 	snop  }
0x4: {  	_ = 	snop  }
0x5: {  	_ = 	snop  }
0x6: {  	_ = 	snop  }
0x7: {  	_ = 	snop  }
__scs_overlays_trampoline_lowered:
0x8: {  	[smem:$0x3FA6] =	sst s0  }
0x9: {  	[smem:$0x3FA7] =	sst s1  }
0xa: {  	[smem:$0x3FA8] =	sst s2  }
0xb: {  	[smem:$0x3FA9] =	sst s3  }
0xc: {  	[smem:$0x3FAA] =	sst s4  }
0xd: {  	[smem:$0x3FAB] =	sst s5  }
0xe: {  	[smem:$0x3FAC] =	sst s6  }
0xf: {  	[smem:$0x3FAD] =	sst s7  }
0x10: {  	[smem:$0x3FAE] =	sst s8  }
0x11: {  	[smem:$0x3FAF] =	sst s9;
	s0 =	simm.s32 @!p0 $0x0  }
0x12: {  	s1 =	sld [smem:$0x3F95];
	s0 =	simm.s32 @p0 $0x1  }
0x13: {  	[smem:$0x3FB0] =	sst s0;
	s0 =	simm.s32 @!p1 $0x0  }
0x14: {  	s2 =	sld [smem:$0x3F94];
	s0 =	simm.s32 @p1 $0x1  }
0x15: {  	[smem:$0x3FB1] =	sst s0;
	s0 =	simm.s32 @!p2 $0x0  }
0x16: {  	s3 =	sld [smem:$0x3FDB];
	s0 =	simm.s32 @p2 $0x1  }
0x17: {  	s4 =	simm.s32 $0x1BF5;
	[smem:$0x3FB3] =	sst s0  }
0x18: {  	s0 =	sld [smem:$0x3F96];
	_ =	swait.ge [sflag:s4], $0x0  }
0x19: {  	s7 =	sld [smem:$0x3F97]  }
0x1a: {  	s8 =	sadd.s32 $0xFFFFE003, lr  }
0x1b: {  	s9 =	sadd.s32 $0xFFFFFEF7, lr;
	s5 =	simm.s32 $0xFFFFFFFF;
	p2 =	slt.u32 s8, $0xFFFFF086  }
0x1c: {  	p1 =	slt.u32 s9, $0xF7A;
	s5 =	simm.s32 @!p2 $0x0  }
0x1d: {  	s5 =	simm.s32 @p1 $0x1;
	p0 =	seq.s32 s7, s2  }
0x1e: {  	s7 =	smul.u32 @!p0 $0xF7A, s2;
	p2 =	seq.s32 @!p0 s5, $0x0  }
0x1f: {  	s9 =	smul.u32 $0xF7A, s1;
	s8 =	simm.s32 @!p0 $0x1BF5;
	p2 =	por !p2, p0  }
0x20: {  	[sflag:s8] =	ssyncset.s32 @!p0 $0xFFFFF086;
	s6 =	sadd.s32 @!p0 s3, s7;
	s7 =	simm.s32 @!p0 $0x108  }
0x21: {  	s3 =	sadd.s32 s3, s9;
	s6 =	sadd.s32 @!p0 $0x88, s6;
	s7 =	simm.s32 @p2 $0x1082  }
0x22: {  	[simem:s7], [sflag:s8] =	dma.local @!p0 [hbm:s6], $0xF7A  }
0x23: {  	s9 =	sor.u32 $0xD0000000, s2;
	s6 =	simm.s32 $0x108;
	_ =	swait.ge @!p0 [sflag:s8], $0x0  }
0x24: {  	s3 =	sadd.s32 $0x88, s3;
	s6 =	simm.s32 @!p1 $0x1082;
	[sflag:s4] =	ssyncset.s32 $0xFFFFF086  }
0x25: {  	[simem:s6], [sflag:s4] =	dma.local [hbm:s3], $0xF7A  }
0x26: {  	[smem:$0x3F97] =	sst s1;
	(tag) =	ssettag s2;
	_ =	strace s9  }
0x27: {  	s1 =	sld [smem:$0x3FA7]  }
0x28: {  	s2 =	sld [smem:$0x3FA8]  }
0x29: {  	s4 =	sld [smem:$0x3FAA]  }
0x2a: {  	p0 =	seq.s32 s5, $0x0;
	s5 =	sld [smem:$0x3FAB]  }
0x2b: {  	s6 =	sld [smem:$0x3FAC]  }
0x2c: {  	s7 =	sld [smem:$0x3FAD]  }
0x2d: {  	s3 =	simm.s32 $0x108;
	s8 =	sld [smem:$0x3FAE]  }
0x2e: {  	s3 =	simm.s32 @!p0 $0x1082;
	s9 =	sld [smem:$0x3FAF]  }
0x2f: {  	lr =	sadd.s32 s0, s3;
	s0 =	sld [smem:$0x3FA6]  }
0x30: {  	s3 =	sld [smem:$0x3FA9]  }
0x31: {  	[smem:$0x3FB2] =	sst s10  }
0x32: {  	s10 =	sld [smem:$0x3FB0];
	_ =	sdelay $0x3  }
0x33: {  	p0 =	seq.s32 s10, $0x1;
	s10 =	sld [smem:$0x3FB2];
	_ =	sdelay $0x3  }
0x34: {  	[smem:$0x3FB2] =	sst s10  }
0x35: {  	s10 =	sld [smem:$0x3FB1];
	_ =	sdelay $0x3  }
0x36: {  	p1 =	seq.s32 s10, $0x1;
	s10 =	sld [smem:$0x3FB2];
	_ =	sdelay $0x3  }
0x37: {  	[smem:$0x3FB2] =	sst s10  }
0x38: {  	s10 =	sld [smem:$0x3FB3]  }
0x39: {  	_ = 	snop;
	(pc) =	sbr.ind lr, $3  }
0x3a: {  	_ = 	snop  }
0x3b: {  	_ = 	snop  }
0x3c: {  	p2 =	seq.s32 s10, $0x1;
	s10 =	sld [smem:$0x3FB2]  }
0x3d: {  	_ =	shalt  }
0x3e: {  	_ =	shalt  }
0x3f: {  	_ =	shalt  }
0x40: {  	_ =	shalt  }
0x41: {  	_ =	shalt  }
0x42: {  	_ =	shalt  }
0x43: {  	_ =	shalt  }
0x44: {  	_ =	shalt  }
0x45: {  	_ =	shalt  }
0x46: {  	_ =	shalt  }
0x47: {  	_ =	shalt  }
0x48: {  	_ =	shalt  }
0x49: {  	_ =	shalt  }
0x4a: {  	_ =	shalt  }
0x4b: {  	_ =	shalt  }
0x4c: {  	_ =	shalt  }
0x4d: {  	_ =	shalt  }
0x4e: {  	_ =	shalt  }
0x4f: {  	_ =	shalt  }
0x50: {  	_ =	shalt  }
0x51: {  	_ =	shalt  }
0x52: {  	_ =	shalt  }
0x53: {  	_ =	shalt  }
0x54: {  	_ =	shalt  }
0x55: {  	_ =	shalt  }
0x56: {  	_ =	shalt  }
0x57: {  	_ =	shalt  }
0x58: {  	_ =	shalt  }
0x59: {  	_ =	shalt  }
0x5a: {  	_ =	shalt  }
0x5b: {  	_ =	shalt  }
0x5c: {  	_ =	shalt  }
0x5d: {  	_ =	shalt  }
0x5e: {  	_ =	shalt  }
0x5f: {  	_ =	shalt  }
0x60: {  	_ =	shalt  }
0x61: {  	_ =	shalt  }
0x62: {  	_ =	shalt  }
0x63: {  	_ =	shalt  }
0x64: {  	_ =	shalt  }
0x65: {  	_ =	shalt  }
0x66: {  	_ =	shalt  }
0x67: {  	_ =	shalt  }
0x68: {  	_ =	shalt  }
0x69: {  	_ =	shalt  }
0x6a: {  	_ =	shalt  }
0x6b: {  	_ =	shalt  }
0x6c: {  	_ =	shalt  }
0x6d: {  	_ =	shalt  }
0x6e: {  	_ =	shalt  }
0x6f: {  	_ =	shalt  }
0x70: {  	_ =	shalt  }
0x71: {  	_ =	shalt  }
0x72: {  	_ =	shalt  }
0x73: {  	_ =	shalt  }
0x74: {  	_ =	shalt  }
0x75: {  	_ =	shalt  }
0x76: {  	_ =	shalt  }
0x77: {  	_ =	shalt  }
0x78: {  	_ =	shalt  }
0x79: {  	_ =	shalt  }
0x7a: {  	_ =	shalt  }
0x7b: {  	_ =	shalt  }
0x7c: {  	_ =	shalt  }
0x7d: {  	_ =	shalt  }
0x7e: {  	_ =	shalt  }
0x7f: {  	_ =	shalt  }
0x80: {  	_ =	shalt  }
0x81: {  	_ =	shalt  }
0x82: {  	_ =	shalt  }
0x83: {  	_ =	shalt  }
0x84: {  	_ =	shalt  }
0x85: {  	_ =	shalt  }
0x86: {  	_ =	shalt  }
0x87: {  	_ =	shalt  }
.Lfunc_end0:
.L_simem_size_0:
called_computation_lowered:
.L_overlay_start_0:
0x88: {  	s2 =	sld [smem:$0x3FD9]  }
0x89: {  	s3 =	sld [smem:$0x3FFE];
	_ =	sdelay $0x1  }
0x8a: {  	s1 =	srdreg.scid  }
0x8b: {  	s0 =	sand.u32 $0x1, s1  }
0x8c: {  	s17 =	sshll.u32 s0, $0xA;
	s2 =	sadd.s32 s3, s2  }
0x8d: {  	s2 =	sadd.s32 s2, s17  }
0x8e: {  	[smem:$0x3FBE] =	sst s2  }
0x8f: {  	_ = 	snop  }
0x90: {  	s2 =	sld [smem:$0x3FC9]  }
0x91: {  	s18 =	sld [smem:$0x3FC8]  }
0x92: {  	s4 =	sld [smem:$0x3FC7]  }
0x93: {  	s5 =	sld [smem:$0x3FC6]  }
0x94: {  	s6 =	sld [smem:$0x3FD0];
	(tm) =	ssettm $0x1  }
0x95: {  	s7 =	sld [smem:$0x3FFB];
	_ =	sdelay $0x3  }
0x96: {  	_ =	strace s7  }
0x97: {  	s7 =	sld [smem:$0x3FFC];
	_ =	sdelay $0x3  }
0x98: {  	_ =	strace s7  }
0x99: {  	s7 =	sld [smem:$0x3FFD];
	_ =	sdelay $0x3  }
0x9a: {  	_ =	strace s7  }
0x9b: {  	_ =	strace $0x8FFFFFFF  }
0x9c: {  	s19 =	sld [smem:$0x3FDB];
	_ =	sdelay $0x1  }
0x9d: {  	s8 =	simm.s32 $_scs_section_size  }
0x9e: {  	s9 =	simm.s32 $_size__tile_overlayer_lowered;
	s10 =	simm.s32 $_tile_overlayer_lowered  }
0x9f: {  	s22 =	simm.s32 $0x1BFF;
	s21 =	sshll.u32 s10, $0x1;
	s7 =	sadd.s32 s8, s19  }
0xa0: {  	s11 =	simm.s32 $0x0;
	s20 =	sshll.u32 s9, $0x1;
	s9 =	sadd.s32 s21, s7  }
0xa1: {  	[timem:s11], [sflag:s22] =	dma.local [hbm:s9], s20  }
0xa2: {  	_ =	swait.ge [sflag:s22], s20  }
0xa3: {  	s8 =	ssub.s32 $0x0, s20;
	[sflag:s22] =	ssyncset.done $0x0  }
0xa4: {  	[sflag:s22] =	ssyncadd.s32 s8;
	_ =	sdelay $0x1  }
0xa5: {  	s23 =	simm.s32 $0x1B8B  }
0xa6: {  	_ =	swait.ge [sflag:s23], $0x1  }
0xa7: {  	[sflag:s23] =	ssyncset.done $0x0  }
0xa8: {  	s25 =	simm.s32 $0x1B8E;
	s24 =	sld [smem:$0x3FFE];
	[sflag:s23] =	ssyncadd.s32 $0xFFFFFFFF  }
0xa9: {  	s26 =	simm.s32 $execute0_lowered;
	[smem:$0x3FD2] =	sst s25  }
0xaa: {  	s9 =	sshll.u32 s26, $0x1;
	_ =	strace $0x80000046;
	[dreg:$0x1] =	wrdreg $0xFFFFFFFF  }
0xab: {  	s28 =	simm.s32 $_size_execute0_lowered;
	s7 =	sadd.s32 s7, s9;
	[dreg:$0x0] =	wrdreg $0x0  }
0xac: {  	s9 =	sshll.u32 s28, $0x1;
	[dreg:$0x2] =	wrdreg s7  }
0xad: {  	[dreg:$0x3] =	wrdreg s9  }
0xae: {  	[dreg:$0x4] =	wrdreg $0xC0  }
0xaf: {  	_ =	task [dreg:s11], $0x5FFFF  }
0xb0: {  	[dreg:$0x1] =	wrdreg $0xFFFFFFFF  }
0xb1: {  	[dreg:$0x0] =	wrdreg $0x60  }
0xb2: {  	[dreg:$0x2] =	wrdreg s2  }
0xb3: {  	[dreg:$0x3] =	wrdreg s18  }
0xb4: {  	[dreg:$0x4] =	wrdreg s4  }
0xb5: {  	[dreg:$0x5] =	wrdreg s5  }
0xb6: {  	[dreg:$0x6] =	wrdreg s24  }
0xb7: {  	[dreg:$0x7] =	wrdreg s6  }
0xb8: {  	[dreg:$0x8] =	wrdreg $0x9  }
0xb9: {  	_ =	task.clear_ibuf [dreg:s11], $0x9FFFF;
	_ =	strace $0x90000046  }
0xba: {  	s29 =	simm.s32 $0x9;
	_ =	strace $0x80000048  }
0xbb: {  	_ =	swait.ge [sflag:s29], $0x1  }
0xbc: {  	[sflag:s29] =	ssyncadd.s32 $0xFFFFFFFF  }
0xbd: {  	_ =	strace $0x90000048  }
0xbe: {  	_ =	sfence  }
0xbf: {  	s30 =	sld [smem:$0x0];
	_ =	sdelay $0x2  }
0xc0: {  	s31 =	sshll.u32 s1, $0xD;
	s1 =	sshrl.u32 s1, $0x2  }
0xc1: {  	s3 =	sand.u32 $0x4000, s31;
	s1 =	sadd.s32 s1, s30  }
0xc2: {  	s0 =	sor.u32 s3, s0;
	s1 =	sshll.u32 s1, $0x11  }
0xc3: {  	s0 =	sor.u32 s1, s0  }
0xc4: {  	s0 =	sadd.s32 $0x8F2B, s0  }
0xc5: {  	[sflag:s0] =	ssyncadd.remote.s32 $0x1  }
0xc6: {  	_ =	sfence.sel $0xFFFF  }
0xc7: {  	[dreg:$0x0] =	wrdreg $0xFFFFFFFF;
	(pc) =	sbr.abs _section_cstart, $3  }
0xc8: {  	[dreg:$0x1] =	wrdreg $0xFFFFFFFF  }
0xc9: {  	_ =	task.clear_ibuf [dreg:s11], $0x2FFFF;
	_ =	strace $0x9FFFFFFF  }
0xca: {  	(tm) =	ssettm $0x7FFFFFFF  }
0xcb: {  	_ =	shalt  }
tec
execute0_lowered:
.L_overlay_start_1:
0x0: {  	(tag) =	ssettag $0x1  }
0x1: {  	s0 =	rddreg [dreg:$0x0]  }
0x2: {  	s3 =	rddreg [dreg:$0x1]  }
0x3: {  	s7 =	rddreg [dreg:$0x2]  }
0x4: {  	s8 =	rddreg [dreg:$0x3]  }
0x5: {  	s9 =	rddreg [dreg:$0x4]  }
0x6: {  	s10 =	rddreg [dreg:$0x5];
	s1 =	simm.s32 $0x0  }
0x7: {  	s11 =	srdreg.scid;
	s28 =	simm.s32 $0x180;
	s29 =	simm.s32 $0x380  }
0x8: {  	s30 =	simm.s32 $0x8C00;
	s31 =	simm.s32 $0x9000;
	[smem:$0x7FF] =	sst s1  }
0x9: {  	s13 =	stileid.u32;
	s2 =	sadd.s32 $0xF42800, s9;
	s4 =	sadd.s32 $0x186E00, s9  }
0xa: {  	s5 =	sadd.s32 $0x400, s9;
	s6 =	sadd.s32 $0x1EE00, s9;
	s11 =	sand.u32 $0x1, s11  }
0xb: {  	s13 =	sshll.u32 s13, $0x7;
	s14 =	sadd.s32 $0x22200, s9;
	s9 =	sadd.s32 $0x22000, s9  }
0xc: {  	_ =	strace $0x80000047;
	s12 =	ssub.s32 $0x2, s11;
	s11 =	sshll.u32 s11, $0x6  }
0xd: {  	[dreg:$0x7] =	wrdreg s14;
	s19 =	sshrl.u32 s12, $0x1;
	s11 =	sor.u32 s11, s13  }
0xe: {  	[dreg:$0x8] =	wrdreg s9;
	s20 =	ssub.s32 s12, s19;
	s21 =	sor.u32 $0x10, s11  }
0xf: {  	s13 =	sadd.s32 s0, s11;
	s22 =	sadd.s32 s3, s11;
	s24 =	sor.u32 $0x20, s11  }
0x10: {  	s25 =	sor.u32 $0x30, s11;
	s17 =	sadd.s32 s7, s11;
	s18 =	sadd.s32 s8, s11  }
0x11: {  	s19 =	sadd.s32 s10, s11;
	s7 =	simm.s32 $0x1;
	[dreg:$0x9] =	wrdreg s13  }
0x12: {  	s8 =	simm.s32 $0x0;
	[dreg:$0xa] =	wrdreg s22;
	s23 =	sadd.s32 s0, s21  }
0x13: {  	s12 =	sadd.s32 s3, s21;
	s26 =	sadd.s32 s0, s24;
	s15 =	sadd.s32 s0, s25  }
0x14: {  	s16 =	sadd.s32 s3, s25;
	s20 =	smax.u32 s20, $0x1;
	[dreg:$0xb] =	wrdreg s23  }
0x15: {  	s21 =	simm.s32 $0x2;
	s22 =	simm.s32 $0x200;
	[dreg:$0xc] =	wrdreg s12  }
0x16: {  	s25 =	simm.s32 $0x100;
	s0 =	simm.s32 $0x800;
	[dreg:$0xd] =	wrdreg s26  }
0x17: {  	v1 =	vlaneseq.u32;
	s12 =	sadd.s32 s3, s24;
	s23 =	simm.s32 $0x80;
	s24 =	simm.s32 $0x280  }
0x18: {  	v0 =	vimm.f32 $0.0e+00;
	v1 =	vmul.u32 $0x20, v1;
	s26 =	simm.s32 $0x300;
	s3 =	simm.s32 $0x4800;
	[dreg:$0xe] =	wrdreg s12  }
.LBB2_1:
0x19: {  	s9 =	rddreg [dreg:$0x9]  }
0x1a: {  	[tilespmem:s1], [sflag:$0x2] =	stream.linear.gather [hbm4b:s9+s1], $0x80, $0x38;
	[tilespmem:$0xA200] =	vst v63  }
0x1b: {  	_ =	swait.ge [sflag:s21], $0x80  }
0x1c: {  	[sflag:s21] =	ssyncset.done $0x0  }
0x1d: {  	s12 =	rddreg [dreg:$0xa];
	[sflag:s21] =	ssyncadd.s32 $0xFFFFFF80  }
0x1e: {  	[tilespmem:s22], [sflag:$0x2] =	stream.linear.gather [hbm4b:s12+s1], $0x80, $0x38;
	[tilespmem:$0xA200] =	vst v63  }
0x1f: {  	_ =	swait.ge [sflag:s21], $0x80  }
0x20: {  	[sflag:s21] =	ssyncset.done $0x0  }
0x21: {  	s13 =	rddreg [dreg:$0xb];
	[sflag:s21] =	ssyncadd.s32 $0xFFFFFF80  }
0x22: {  	[tilespmem:s23], [sflag:$0x2] =	stream.linear.gather [hbm4b:s13+s1], $0x80, $0x38;
	[tilespmem:$0xA200] =	vst v63  }
0x23: {  	_ =	swait.ge [sflag:s21], $0x80  }
0x24: {  	[sflag:s21] =	ssyncset.done $0x0  }
0x25: {  	s14 =	rddreg [dreg:$0xc];
	[sflag:s21] =	ssyncadd.s32 $0xFFFFFF80  }
0x26: {  	[tilespmem:s24], [sflag:$0x2] =	stream.linear.gather [hbm4b:s14+s1], $0x80, $0x38;
	[tilespmem:$0xA200] =	vst v63  }
0x27: {  	_ =	swait.ge [sflag:s21], $0x80  }
0x28: {  	[sflag:s21] =	ssyncset.done $0x0  }
0x29: {  	s10 =	rddreg [dreg:$0xd];
	[sflag:s21] =	ssyncadd.s32 $0xFFFFFF80  }
0x2a: {  	[tilespmem:s25], [sflag:$0x2] =	stream.linear.gather [hbm4b:s10+s1], $0x80, $0x38;
	[tilespmem:$0xA200] =	vst v63  }
0x2b: {  	_ =	swait.ge [sflag:s21], $0x80  }
0x2c: {  	[sflag:s21] =	ssyncset.done $0x0  }
0x2d: {  	s11 =	rddreg [dreg:$0xe];
	[sflag:s21] =	ssyncadd.s32 $0xFFFFFF80  }
0x2e: {  	[tilespmem:s26], [sflag:$0x2] =	stream.linear.gather [hbm4b:s11+s1], $0x80, $0x38;
	[tilespmem:$0xA200] =	vst v63  }
0x2f: {  	_ =	swait.ge [sflag:s21], $0x80  }
0x30: {  	[sflag:s21] =	ssyncset.done $0x0  }
0x31: {  	[sflag:s21] =	ssyncadd.s32 $0xFFFFFF80  }
0x32: {  	[tilespmem:s28], [sflag:$0x2] =	stream.linear.gather [hbm4b:s15+s1], $0x80, $0x38;
	[tilespmem:$0xA200] =	vst v63  }
0x33: {  	_ =	swait.ge [sflag:s21], $0x80  }
0x34: {  	[sflag:s21] =	ssyncset.done $0x0  }
0x35: {  	[sflag:s21] =	ssyncadd.s32 $0xFFFFFF80  }
0x36: {  	[tilespmem:s29], [sflag:$0x2] =	stream.linear.gather [hbm4b:s16+s1], $0x80, $0x38;
	[tilespmem:$0xA200] =	vst v63  }
0x37: {  	_ =	swait.ge [sflag:s21], $0x80  }
0x38: {  	[sflag:s21] =	ssyncset.done $0x0  }
0x39: {  	s12 =	simm.s32 $0x400;
	[sflag:s21] =	ssyncadd.s32 $0xFFFFFF80  }
0x3a: {  	[tilespmem:s12], [sflag:$0x2] =	stream.linear.gather [hbm4b:s17+s1], $0x200, $0x38;
	[tilespmem:$0xA200] =	vst v63  }
0x3b: {  	_ =	swait.ge [sflag:s21], $0x200  }
0x3c: {  	[sflag:s21] =	ssyncset.done $0x0  }
0x3d: {  	s13 =	simm.s32 $0x600;
	[sflag:s21] =	ssyncadd.s32 $0xFFFFFE00  }
0x3e: {  	[tilespmem:s13], [sflag:$0x2] =	stream.linear.gather [hbm4b:s18+s1], $0x200, $0x38;
	[tilespmem:$0xA200] =	vst v63  }
0x3f: {  	_ =	swait.ge [sflag:s21], $0x200  }
0x40: {  	[sflag:s21] =	ssyncset.done $0x0  }
0x41: {  	[sflag:s21] =	ssyncadd.s32 $0xFFFFFE00  }
0x42: {  	[tilespmem:s0], [sflag:$0x1] =	stream.indirect.gather [hbm4b:s2+s23], $0x20, s1, s23, $0xb8;
	[tilespmem:$0xA200] =	vst v63  }
0x43: {  	_ = 	snop  }
0x44: {  	[tilespmem:s3], [sflag:$0x1] =	stream.indirect.gather [hbm4b:s4+s23], $0x20, s22, s23, $0xb8;
	[tilespmem:$0xA200] =	vst v63  }
0x45: {  	s14 =	simm.s32 $0x8800  }
0x46: {  	[tilespmem:s14], [sflag:$0x1] =	stream.indirect.gather [hbm4b:s5+s23], $0x1, s1, s23, $0xb8;
	[tilespmem:$0xA200] =	vst v63  }
0x47: {  	s10 =	simm.s32 $0x8A00  }
0x48: {  	[tilespmem:s10], [sflag:$0x1] =	stream.indirect.gather [hbm4b:s6+s23], $0x1, s22, s23, $0xb8;
	[tilespmem:$0xA200] =	vst v63  }
0x49: {  	s11 =	simm.s32 $0x1800  }
0x4a: {  	[tilespmem:s11], [sflag:$0x1] =	stream.indirect.gather [hbm4b:s2+s23], $0x20, s23, s23, $0xb8;
	[tilespmem:$0xA200] =	vst v63  }
0x4b: {  	s12 =	simm.s32 $0x5800  }
0x4c: {  	[tilespmem:s12], [sflag:$0x1] =	stream.indirect.gather [hbm4b:s4+s23], $0x20, s24, s23, $0xb8;
	[tilespmem:$0xA200] =	vst v63  }
0x4d: {  	s13 =	simm.s32 $0x8880  }
0x4e: {  	[tilespmem:s13], [sflag:$0x1] =	stream.indirect.gather [hbm4b:s5+s23], $0x1, s23, s23, $0xb8;
	[tilespmem:$0xA200] =	vst v63  }
0x4f: {  	s14 =	simm.s32 $0x8A80  }
0x50: {  	[tilespmem:s14], [sflag:$0x1] =	stream.indirect.gather [hbm4b:s6+s23], $0x1, s24, s23, $0xb8;
	[tilespmem:$0xA200] =	vst v63  }
0x51: {  	s10 =	simm.s32 $0x2800  }
0x52: {  	[tilespmem:s10], [sflag:$0x1] =	stream.indirect.gather [hbm4b:s2+s23], $0x20, s25, s23, $0xb8;
	[tilespmem:$0xA200] =	vst v63  }
0x53: {  	s11 =	simm.s32 $0x6800  }
0x54: {  	[tilespmem:s11], [sflag:$0x1] =	stream.indirect.gather [hbm4b:s4+s23], $0x20, s26, s23, $0xb8;
	[tilespmem:$0xA200] =	vst v63  }
0x55: {  	s12 =	simm.s32 $0x8900  }
0x56: {  	[tilespmem:s12], [sflag:$0x1] =	stream.indirect.gather [hbm4b:s5+s23], $0x1, s25, s23, $0xb8;
	[tilespmem:$0xA200] =	vst v63  }
0x57: {  	s13 =	simm.s32 $0x8B00  }
0x58: {  	[tilespmem:s13], [sflag:$0x1] =	stream.indirect.gather [hbm4b:s6+s23], $0x1, s26, s23, $0xb8;
	[tilespmem:$0xA200] =	vst v63  }
0x59: {  	s14 =	simm.s32 $0x3800  }
0x5a: {  	[tilespmem:s14], [sflag:$0x1] =	stream.indirect.gather [hbm4b:s2+s23], $0x20, s28, s23, $0xb8;
	[tilespmem:$0xA200] =	vst v63  }
0x5b: {  	s10 =	simm.s32 $0x7800  }
0x5c: {  	[tilespmem:s10], [sflag:$0x1] =	stream.indirect.gather [hbm4b:s4+s23], $0x20, s29, s23, $0xb8;
	[tilespmem:$0xA200] =	vst v63  }
0x5d: {  	s11 =	simm.s32 $0x8980  }
0x5e: {  	[tilespmem:s11], [sflag:$0x1] =	stream.indirect.gather [hbm4b:s5+s23], $0x1, s28, s23, $0xb8;
	[tilespmem:$0xA200] =	vst v63  }
0x5f: {  	s12 =	simm.s32 $0x8B80  }
0x60: {  	[tilespmem:s12], [sflag:$0x1] =	stream.indirect.gather [hbm4b:s6+s23], $0x1, s29, s23, $0xb8;
	[tilespmem:$0xA200] =	vst v63  }
0x61: {  	s13 =	rddreg [dreg:$0x7]  }
0x62: {  	[tilespmem:s30], [sflag:$0x2] =	stream.linear.gather [hbm4b:s13+s1], $0x400, $0x38;
	[tilespmem:$0xA200] =	vst v63  }
0x63: {  	_ =	swait.ge [sflag:s21], $0x400  }
0x64: {  	[sflag:s21] =	ssyncset.done $0x0  }
0x65: {  	s14 =	rddreg [dreg:$0x8];
	[sflag:s21] =	ssyncadd.s32 $0xFFFFFC00  }
0x66: {  	[tilespmem:s31], [sflag:$0x2] =	stream.linear.gather [hbm4b:s14+s1], $0xF00, $0x38;
	[tilespmem:$0xA200] =	vst v63  }
0x67: {  	_ =	swait.ge [sflag:s21], $0xF00  }
0x68: {  	[sflag:s21] =	ssyncset.done $0x0  }
0x69: {  	[sflag:s21] =	ssyncadd.s32 $0xFFFFF100  }
0x6a: {  	[tilespmem:$0x9F00] =	vst v0  }
0x6b: {  	[tilespmem:$0x9F10] =	vst v0  }
0x6c: {  	[tilespmem:$0x9F20] =	vst v0  }
0x6d: {  	[tilespmem:$0x9F30] =	vst v0  }
0x6e: {  	[tilespmem:$0x9F40] =	vst v0  }
0x6f: {  	[tilespmem:$0x9F50] =	vst v0  }
0x70: {  	[tilespmem:$0x9F60] =	vst v0  }
0x71: {  	[tilespmem:$0x9F70] =	vst v0  }
0x72: {  	[tilespmem:$0x9F80] =	vst v0  }
0x73: {  	[tilespmem:$0x9F90] =	vst v0  }
0x74: {  	[tilespmem:$0x9FA0] =	vst v0  }
0x75: {  	[tilespmem:$0x9FB0] =	vst v0  }
0x76: {  	[tilespmem:$0x9FC0] =	vst v0  }
0x77: {  	[tilespmem:$0x9FD0] =	vst v0  }
0x78: {  	[tilespmem:$0x9FE0] =	vst v0  }
0x79: {  	p0 =	por $0x1, $0x1;
	s10 =	simm.s32 $0x0;
	[tilespmem:$0x9FF0] =	vst v0  }
.LBB2_2:
0x7a: {  	v2 =	vmov s10  }
0x7b: {  	v2 =	vshll.u32 v2, $0x5  }
0x7c: {  	v13 =	vor.u32 v1, v2  }
0x7d: {  	v10 =	vor.u32 $0x1, v13;
	_ =	sdelay $0x1  }
0x7e: {  	v7 =	vor.u32 $0x2, v13;
	_ =	sdelay $0x1  }
0x7f: {  	v5 =	vor.u32 $0x3, v13;
	v18 =	vld.idx.msk [tilespmem:v13+s30+$0x0], $0xffff  }
0x80: {  	v4 =	vld.idx.msk [tilespmem:v10+s30+$0x0], $0xffff  }
0x81: {  	v3 =	vor.u32 $0x4, v13  }
0x82: {  	v6 =	vld.idx.msk [tilespmem:v7+s30+$0x0], $0xffff  }
0x83: {  	v2 =	vor.u32 $0x5, v13  }
0x84: {  	v8 =	vld.idx.msk [tilespmem:v5+s30+$0x0], $0xffff  }
0x85: {  	v9 =	vmul.f32 v18, v18;
	v11 =	vmul.f32 v4, v4;
	v4 =	vor.u32 $0x6, v13  }
0x86: {  	v12 =	vld.idx.msk [tilespmem:v3+s30+$0x0], $0xffff  }
0x87: {  	v40 =	vmul.f32 v6, v6;
	v6 =	vor.u32 $0x7, v13;
	v9 =	vadd.f32 v11, v9  }
0x88: {  	v14 =	vld.idx.msk [tilespmem:v2+s30+$0x0], $0xffff  }
0x89: {  	v41 =	vmul.f32 v8, v8;
	v8 =	vor.u32 $0x8, v13;
	v9 =	vadd.f32 v40, v9  }
0x8a: {  	v15 =	vld.idx.msk [tilespmem:v4+s30+$0x0], $0xffff  }
0x8b: {  	v12 =	vmul.f32 v12, v12;
	v11 =	vadd.f32 v41, v9;
	v9 =	vor.u32 $0x9, v13  }
0x8c: {  	v16 =	vld.idx.msk [tilespmem:v6+s30+$0x0], $0xffff  }
0x8d: {  	v14 =	vmul.f32 v14, v14;
	v12 =	vadd.f32 v12, v11;
	v11 =	vor.u32 $0xA, v13  }
0x8e: {  	v17 =	vld.idx.msk [tilespmem:v8+s30+$0x0], $0xffff  }
0x8f: {  	v14 =	vadd.f32 v14, v12;
	v15 =	vmul.f32 v15, v15;
	v12 =	vor.u32 $0xB, v13  }
0x90: {  	v19 =	vld.idx.msk [tilespmem:v9+s30+$0x0], $0xffff  }
0x91: {  	v16 =	vmul.f32 v16, v16;
	v15 =	vadd.f32 v15, v14;
	v14 =	vor.u32 $0xC, v13  }
0x92: {  	v20 =	vld.idx.msk [tilespmem:v11+s30+$0x0], $0xffff  }
0x93: {  	v17 =	vmul.f32 v17, v17;
	v16 =	vadd.f32 v16, v15;
	v15 =	vor.u32 $0xD, v13  }
0x94: {  	v21 =	vld.idx.msk [tilespmem:v12+s30+$0x0], $0xffff  }
0x95: {  	v17 =	vadd.f32 v17, v16;
	v19 =	vmul.f32 v19, v19;
	v16 =	vor.u32 $0xE, v13  }
0x96: {  	v22 =	vld.idx.msk [tilespmem:v14+s30+$0x0], $0xffff  }
0x97: {  	v19 =	vadd.f32 v19, v17;
	v20 =	vmul.f32 v20, v20;
	v17 =	vor.u32 $0xF, v13  }
0x98: {  	v23 =	vld.idx.msk [tilespmem:v15+s30+$0x0], $0xffff  }
0x99: {  	v20 =	vadd.f32 v20, v19;
	v21 =	vmul.f32 v21, v21;
	v19 =	vor.u32 $0x10, v13  }
0x9a: {  	v24 =	vld.idx.msk [tilespmem:v16+s30+$0x0], $0xffff  }
0x9b: {  	v21 =	vadd.f32 v21, v20;
	v22 =	vmul.f32 v22, v22;
	v20 =	vor.u32 $0x11, v13  }
0x9c: {  	v25 =	vld.idx.msk [tilespmem:v17+s30+$0x0], $0xffff  }
0x9d: {  	v22 =	vadd.f32 v22, v21;
	v23 =	vmul.f32 v23, v23;
	v21 =	vor.u32 $0x12, v13  }
0x9e: {  	v26 =	vld.idx.msk [tilespmem:v19+s30+$0x0], $0xffff  }
0x9f: {  	v23 =	vadd.f32 v23, v22;
	v24 =	vmul.f32 v24, v24;
	v22 =	vor.u32 $0x13, v13  }
0xa0: {  	v27 =	vld.idx.msk [tilespmem:v20+s30+$0x0], $0xffff  }
0xa1: {  	v24 =	vadd.f32 v24, v23;
	v25 =	vmul.f32 v25, v25;
	v23 =	vor.u32 $0x14, v13  }
0xa2: {  	v28 =	vld.idx.msk [tilespmem:v21+s30+$0x0], $0xffff  }
0xa3: {  	v25 =	vadd.f32 v25, v24;
	v26 =	vmul.f32 v26, v26;
	v24 =	vor.u32 $0x15, v13  }
0xa4: {  	v29 =	vld.idx.msk [tilespmem:v22+s30+$0x0], $0xffff  }
0xa5: {  	v42 =	vor.u32 $0x16, v13;
	v26 =	vadd.f32 v26, v25;
	v27 =	vmul.f32 v27, v27  }
0xa6: {  	v30 =	vld.idx.msk [tilespmem:v23+s30+$0x0], $0xffff  }
0xa7: {  	v43 =	vor.u32 $0x17, v13;
	v27 =	vadd.f32 v27, v26;
	v28 =	vmul.f32 v28, v28  }
0xa8: {  	v31 =	vld.idx.msk [tilespmem:v24+s30+$0x0], $0xffff  }
0xa9: {  	v44 =	vor.u32 $0x18, v13;
	v28 =	vadd.f32 v28, v27;
	v29 =	vmul.f32 v29, v29  }
0xaa: {  	v32 =	vld.idx.msk [tilespmem:v42+s30+$0x0], $0xffff  }
0xab: {  	v45 =	vor.u32 $0x19, v13;
	v29 =	vadd.f32 v29, v28;
	v30 =	vmul.f32 v30, v30  }
0xac: {  	v33 =	vld.idx.msk [tilespmem:v43+s30+$0x0], $0xffff  }
0xad: {  	v46 =	vor.u32 $0x1A, v13;
	v30 =	vadd.f32 v30, v29;
	v31 =	vmul.f32 v31, v31  }
0xae: {  	v34 =	vld.idx.msk [tilespmem:v44+s30+$0x0], $0xffff  }
0xaf: {  	v47 =	vor.u32 $0x1B, v13;
	v32 =	vmul.f32 v32, v32;
	v31 =	vadd.f32 v31, v30  }
0xb0: {  	v35 =	vld.idx.msk [tilespmem:v45+s30+$0x0], $0xffff  }
0xb1: {  	v48 =	vor.u32 $0x1C, v13;
	v33 =	vmul.f32 v33, v33;
	v32 =	vadd.f32 v32, v31  }
0xb2: {  	v36 =	vld.idx.msk [tilespmem:v46+s30+$0x0], $0xffff  }
0xb3: {  	v50 =	vor.u32 $0x1D, v13;
	v49 =	vmul.f32 v34, v34;
	v32 =	vadd.f32 v33, v32  }
0xb4: {  	v37 =	vld.idx.msk [tilespmem:v47+s30+$0x0], $0xffff  }
0xb5: {  	v52 =	vor.u32 $0x1E, v13;
	v51 =	vmul.f32 v35, v35;
	v32 =	vadd.f32 v49, v32  }
0xb6: {  	v38 =	vld.idx.msk [tilespmem:v48+s30+$0x0], $0xffff  }
0xb7: {  	v54 =	vor.u32 $0x1F, v13;
	v53 =	vmul.f32 v36, v36;
	v32 =	vadd.f32 v51, v32  }
0xb8: {  	v39 =	vld.idx.msk [tilespmem:v50+s30+$0x0], $0xffff  }
0xb9: {  	v55 =	vmul.f32 v37, v37;
	v32 =	vadd.f32 v53, v32  }
0xba: {  	v56 =	vld.idx.msk [tilespmem:v52+s30+$0x0], $0xffff  }
0xbb: {  	v57 =	vmul.f32 v38, v38;
	v32 =	vadd.f32 v55, v32  }
0xbc: {  	v58 =	vld.idx.msk [tilespmem:v54+s30+$0x0], $0xffff  }
0xbd: {  	v59 =	vmul.f32 v39, v39;
	v32 =	vadd.f32 v57, v32;
	_ =	sdelay $0x1  }
0xbe: {  	v60 =	vmul.f32 v56, v56;
	v32 =	vadd.f32 v59, v32;
	_ =	sdelay $0x1  }
0xbf: {  	v61 =	vmul.f32 v58, v58;
	v32 =	vadd.f32 v60, v32;
	_ =	sdelay $0x1  }
0xc0: {  	v32 =	vadd.f32 v61, v32;
	_ =	sdelay $0x1  }
0xc1: {  	v33 =	vshra.s32 v32, $0x1;
	v62 =	vmul.f32 $5.000000000e-01, v32  }
0xc2: {  	v33 =	vsub.s32 $0x5F3759DF, v33  }
0xc3: {  	v63 =	vmul.f32 v33, v62;
	_ =	sdelay $0x1  }
0xc4: {  	v38 =	vmul.f32 v33, v63;
	_ =	sdelay $0x1  }
0xc5: {  	v38 =	vsub.f32 $1.500000000e+00, v38;
	_ =	sdelay $0x1  }
0xc6: {  	v33 =	vmul.f32 v33, v38;
	_ =	sdelay $0x1  }
0xc7: {  	v38 =	vmul.f32 v33, v62;
	_ =	sdelay $0x1  }
0xc8: {  	v38 =	vmul.f32 v38, v33;
	_ =	sdelay $0x1  }
0xc9: {  	v38 =	vsub.f32 $1.500000000e+00, v38;
	_ =	sdelay $0x1  }
0xca: {  	v33 =	vmul.f32 v38, v33;
	_ =	sdelay $0x1  }
0xcb: {  	v37 =	vmul.f32 v33, v62;
	_ =	sdelay $0x1  }
0xcc: {  	v37 =	vmul.f32 v37, v33;
	_ =	sdelay $0x1  }
0xcd: {  	v37 =	vsub.f32 $1.500000000e+00, v37;
	_ =	sdelay $0x1  }
0xce: {  	v33 =	vmul.f32 v37, v33  }
0xcf: {  	vm0 =	vgt.f32 v32, $1.000000020e-16  }
0xd0: {  	v32 =	vnsel vm0, $0x4CBEBC20, v33  }
0xd1: {  	v18 =	vmul.f32 v32, v18;
	_ =	sdelay $0x1  }
0xd2: {  	[tilespmem:v13+s30+$0x0] =	vst.idx.msk $0xffff, v18  }
0xd3: {  	v13 =	vld.idx.msk [tilespmem:v10+s30+$0x0], $0xffff;
	_ =	sdelay $0x4  }
0xd4: {  	v13 =	vmul.f32 v32, v13;
	_ =	sdelay $0x1  }
0xd5: {  	[tilespmem:v10+s30+$0x0] =	vst.idx.msk $0xffff, v13  }
0xd6: {  	v10 =	vld.idx.msk [tilespmem:v7+s30+$0x0], $0xffff;
	_ =	sdelay $0x4  }
0xd7: {  	v10 =	vmul.f32 v32, v10;
	_ =	sdelay $0x1  }
0xd8: {  	[tilespmem:v7+s30+$0x0] =	vst.idx.msk $0xffff, v10  }
0xd9: {  	v7 =	vld.idx.msk [tilespmem:v5+s30+$0x0], $0xffff;
	_ =	sdelay $0x4  }
0xda: {  	v7 =	vmul.f32 v32, v7;
	_ =	sdelay $0x1  }
0xdb: {  	[tilespmem:v5+s30+$0x0] =	vst.idx.msk $0xffff, v7  }
0xdc: {  	v5 =	vld.idx.msk [tilespmem:v3+s30+$0x0], $0xffff;
	_ =	sdelay $0x4  }
0xdd: {  	v5 =	vmul.f32 v32, v5;
	_ =	sdelay $0x1  }
0xde: {  	[tilespmem:v3+s30+$0x0] =	vst.idx.msk $0xffff, v5  }
0xdf: {  	v3 =	vld.idx.msk [tilespmem:v2+s30+$0x0], $0xffff;
	_ =	sdelay $0x4  }
0xe0: {  	v3 =	vmul.f32 v32, v3;
	_ =	sdelay $0x1  }
0xe1: {  	[tilespmem:v2+s30+$0x0] =	vst.idx.msk $0xffff, v3  }
0xe2: {  	v2 =	vld.idx.msk [tilespmem:v4+s30+$0x0], $0xffff;
	_ =	sdelay $0x4  }
0xe3: {  	v2 =	vmul.f32 v32, v2;
	_ =	sdelay $0x1  }
0xe4: {  	[tilespmem:v4+s30+$0x0] =	vst.idx.msk $0xffff, v2  }
0xe5: {  	v2 =	vld.idx.msk [tilespmem:v6+s30+$0x0], $0xffff;
	_ =	sdelay $0x4  }
0xe6: {  	v2 =	vmul.f32 v32, v2;
	_ =	sdelay $0x1  }
0xe7: {  	[tilespmem:v6+s30+$0x0] =	vst.idx.msk $0xffff, v2  }
0xe8: {  	v2 =	vld.idx.msk [tilespmem:v8+s30+$0x0], $0xffff;
	_ =	sdelay $0x4  }
0xe9: {  	v2 =	vmul.f32 v32, v2;
	_ =	sdelay $0x1  }
0xea: {  	[tilespmem:v8+s30+$0x0] =	vst.idx.msk $0xffff, v2  }
0xeb: {  	v2 =	vld.idx.msk [tilespmem:v9+s30+$0x0], $0xffff;
	_ =	sdelay $0x4  }
0xec: {  	v2 =	vmul.f32 v32, v2;
	_ =	sdelay $0x1  }
0xed: {  	[tilespmem:v9+s30+$0x0] =	vst.idx.msk $0xffff, v2  }
0xee: {  	v2 =	vld.idx.msk [tilespmem:v11+s30+$0x0], $0xffff;
	_ =	sdelay $0x4  }
0xef: {  	v2 =	vmul.f32 v2, v32;
	_ =	sdelay $0x1  }
0xf0: {  	[tilespmem:v11+s30+$0x0] =	vst.idx.msk $0xffff, v2  }
0xf1: {  	v2 =	vld.idx.msk [tilespmem:v12+s30+$0x0], $0xffff;
	_ =	sdelay $0x4  }
0xf2: {  	v2 =	vmul.f32 v2, v32;
	_ =	sdelay $0x1  }
0xf3: {  	[tilespmem:v12+s30+$0x0] =	vst.idx.msk $0xffff, v2  }
0xf4: {  	v2 =	vld.idx.msk [tilespmem:v14+s30+$0x0], $0xffff;
	_ =	sdelay $0x4  }
0xf5: {  	v2 =	vmul.f32 v2, v32;
	_ =	sdelay $0x1  }
0xf6: {  	[tilespmem:v14+s30+$0x0] =	vst.idx.msk $0xffff, v2  }
0xf7: {  	v2 =	vld.idx.msk [tilespmem:v15+s30+$0x0], $0xffff;
	_ =	sdelay $0x4  }
0xf8: {  	v2 =	vmul.f32 v2, v32;
	_ =	sdelay $0x1  }
0xf9: {  	[tilespmem:v15+s30+$0x0] =	vst.idx.msk $0xffff, v2  }
0xfa: {  	v2 =	vld.idx.msk [tilespmem:v16+s30+$0x0], $0xffff;
	_ =	sdelay $0x4  }
0xfb: {  	v2 =	vmul.f32 v2, v32;
	_ =	sdelay $0x1  }
0xfc: {  	[tilespmem:v16+s30+$0x0] =	vst.idx.msk $0xffff, v2  }
0xfd: {  	v2 =	vld.idx.msk [tilespmem:v17+s30+$0x0], $0xffff;
	_ =	sdelay $0x4  }
0xfe: {  	v2 =	vmul.f32 v2, v32;
	_ =	sdelay $0x1  }
0xff: {  	[tilespmem:v17+s30+$0x0] =	vst.idx.msk $0xffff, v2  }
0x100: {  	v2 =	vld.idx.msk [tilespmem:v19+s30+$0x0], $0xffff;
	_ =	sdelay $0x4  }
0x101: {  	v2 =	vmul.f32 v2, v32;
	_ =	sdelay $0x1  }
0x102: {  	[tilespmem:v19+s30+$0x0] =	vst.idx.msk $0xffff, v2  }
0x103: {  	v2 =	vld.idx.msk [tilespmem:v20+s30+$0x0], $0xffff;
	_ =	sdelay $0x4  }
0x104: {  	v2 =	vmul.f32 v2, v32;
	_ =	sdelay $0x1  }
0x105: {  	[tilespmem:v20+s30+$0x0] =	vst.idx.msk $0xffff, v2  }
0x106: {  	v2 =	vld.idx.msk [tilespmem:v21+s30+$0x0], $0xffff;
	_ =	sdelay $0x4  }
0x107: {  	v2 =	vmul.f32 v2, v32;
	_ =	sdelay $0x1  }
0x108: {  	[tilespmem:v21+s30+$0x0] =	vst.idx.msk $0xffff, v2  }
0x109: {  	v2 =	vld.idx.msk [tilespmem:v22+s30+$0x0], $0xffff;
	_ =	sdelay $0x4  }
0x10a: {  	v2 =	vmul.f32 v2, v32;
	_ =	sdelay $0x1  }
0x10b: {  	[tilespmem:v22+s30+$0x0] =	vst.idx.msk $0xffff, v2  }
0x10c: {  	v2 =	vld.idx.msk [tilespmem:v23+s30+$0x0], $0xffff;
	_ =	sdelay $0x4  }
0x10d: {  	v2 =	vmul.f32 v2, v32;
	_ =	sdelay $0x1  }
0x10e: {  	[tilespmem:v23+s30+$0x0] =	vst.idx.msk $0xffff, v2  }
0x10f: {  	v2 =	vld.idx.msk [tilespmem:v24+s30+$0x0], $0xffff;
	_ =	sdelay $0x4  }
0x110: {  	v2 =	vmul.f32 v2, v32;
	_ =	sdelay $0x1  }
0x111: {  	[tilespmem:v24+s30+$0x0] =	vst.idx.msk $0xffff, v2  }
0x112: {  	v2 =	vld.idx.msk [tilespmem:v42+s30+$0x0], $0xffff;
	_ =	sdelay $0x4  }
0x113: {  	v2 =	vmul.f32 v2, v32;
	_ =	sdelay $0x1  }
0x114: {  	[tilespmem:v42+s30+$0x0] =	vst.idx.msk $0xffff, v2  }
0x115: {  	v2 =	vld.idx.msk [tilespmem:v43+s30+$0x0], $0xffff;
	_ =	sdelay $0x4  }
0x116: {  	v2 =	vmul.f32 v2, v32;
	_ =	sdelay $0x1  }
0x117: {  	[tilespmem:v43+s30+$0x0] =	vst.idx.msk $0xffff, v2  }
0x118: {  	v2 =	vld.idx.msk [tilespmem:v44+s30+$0x0], $0xffff;
	_ =	sdelay $0x4  }
0x119: {  	v2 =	vmul.f32 v2, v32;
	_ =	sdelay $0x1  }
0x11a: {  	[tilespmem:v44+s30+$0x0] =	vst.idx.msk $0xffff, v2  }
0x11b: {  	v2 =	vld.idx.msk [tilespmem:v45+s30+$0x0], $0xffff;
	_ =	sdelay $0x4  }
0x11c: {  	v2 =	vmul.f32 v2, v32;
	_ =	sdelay $0x1  }
0x11d: {  	[tilespmem:v45+s30+$0x0] =	vst.idx.msk $0xffff, v2  }
0x11e: {  	v2 =	vld.idx.msk [tilespmem:v46+s30+$0x0], $0xffff;
	_ =	sdelay $0x4  }
0x11f: {  	v2 =	vmul.f32 v2, v32;
	_ =	sdelay $0x1  }
0x120: {  	[tilespmem:v46+s30+$0x0] =	vst.idx.msk $0xffff, v2  }
0x121: {  	v2 =	vld.idx.msk [tilespmem:v47+s30+$0x0], $0xffff;
	_ =	sdelay $0x4  }
0x122: {  	v2 =	vmul.f32 v2, v32;
	_ =	sdelay $0x1  }
0x123: {  	[tilespmem:v47+s30+$0x0] =	vst.idx.msk $0xffff, v2  }
0x124: {  	v2 =	vld.idx.msk [tilespmem:v48+s30+$0x0], $0xffff;
	_ =	sdelay $0x4  }
0x125: {  	v2 =	vmul.f32 v2, v32;
	_ =	sdelay $0x1  }
0x126: {  	[tilespmem:v48+s30+$0x0] =	vst.idx.msk $0xffff, v2  }
0x127: {  	v2 =	vld.idx.msk [tilespmem:v50+s30+$0x0], $0xffff;
	_ =	sdelay $0x4  }
0x128: {  	v2 =	vmul.f32 v2, v32;
	_ =	sdelay $0x1  }
0x129: {  	[tilespmem:v50+s30+$0x0] =	vst.idx.msk $0xffff, v2  }
0x12a: {  	v2 =	vld.idx.msk [tilespmem:v52+s30+$0x0], $0xffff;
	_ =	sdelay $0x4  }
0x12b: {  	v2 =	vmul.f32 v2, v32;
	_ =	sdelay $0x1  }
0x12c: {  	[tilespmem:v52+s30+$0x0] =	vst.idx.msk $0xffff, v2  }
0x12d: {  	v2 =	vld.idx.msk [tilespmem:v54+s30+$0x0], $0xffff;
	_ =	sdelay $0x1  }
0x12e: {  	p1 =	por p0, p0  }
.Ltmp0:
0x12f: {  	_ = 	snop;
	(pc) =	sbr.rel @p1 .LBB2_2-.Ltmp0, $3  }
0x130: {  	_ = 	snop  }
0x131: {  	v2 =	vmul.f32 v2, v32;
	_ =	sdelay $0x1  }
0x132: {  	s9 =	simm.s32 $0x0;
	s10 =	simm.s32 $0x10;
	p0 =	por $0x0, $0x0;
	[tilespmem:v54+s30+$0x0] =	vst.idx.msk $0xffff, v2  }
.LBB2_3:
0x133: {  	v2 =	vmov s9  }
0x134: {  	v2 =	vshll.u32 v2, $0x5  }
0x135: {  	v13 =	vor.u32 v1, v2  }
0x136: {  	v10 =	vor.u32 $0x1, v13;
	_ =	sdelay $0x1  }
0x137: {  	v7 =	vor.u32 $0x2, v13;
	_ =	sdelay $0x1  }
0x138: {  	v5 =	vor.u32 $0x3, v13;
	v18 =	vld.idx.msk [tilespmem:v13+s31+$0x0], $0xffff  }
0x139: {  	v4 =	vld.idx.msk [tilespmem:v10+s31+$0x0], $0xffff  }
0x13a: {  	v3 =	vor.u32 $0x4, v13  }
0x13b: {  	v6 =	vld.idx.msk [tilespmem:v7+s31+$0x0], $0xffff  }
0x13c: {  	v2 =	vor.u32 $0x5, v13  }
0x13d: {  	v8 =	vld.idx.msk [tilespmem:v5+s31+$0x0], $0xffff  }
0x13e: {  	v9 =	vmul.f32 v18, v18;
	v11 =	vmul.f32 v4, v4;
	v4 =	vor.u32 $0x6, v13  }
0x13f: {  	v12 =	vld.idx.msk [tilespmem:v3+s31+$0x0], $0xffff  }
0x140: {  	v40 =	vmul.f32 v6, v6;
	v6 =	vor.u32 $0x7, v13;
	v9 =	vadd.f32 v11, v9  }
0x141: {  	v14 =	vld.idx.msk [tilespmem:v2+s31+$0x0], $0xffff  }
0x142: {  	v41 =	vmul.f32 v8, v8;
	v8 =	vor.u32 $0x8, v13;
	v9 =	vadd.f32 v40, v9  }
0x143: {  	v15 =	vld.idx.msk [tilespmem:v4+s31+$0x0], $0xffff  }
0x144: {  	v12 =	vmul.f32 v12, v12;
	v11 =	vadd.f32 v41, v9;
	v9 =	vor.u32 $0x9, v13  }
0x145: {  	v16 =	vld.idx.msk [tilespmem:v6+s31+$0x0], $0xffff  }
0x146: {  	v14 =	vmul.f32 v14, v14;
	v12 =	vadd.f32 v12, v11;
	v11 =	vor.u32 $0xA, v13  }
0x147: {  	v17 =	vld.idx.msk [tilespmem:v8+s31+$0x0], $0xffff  }
0x148: {  	v14 =	vadd.f32 v14, v12;
	v15 =	vmul.f32 v15, v15;
	v12 =	vor.u32 $0xB, v13  }
0x149: {  	v19 =	vld.idx.msk [tilespmem:v9+s31+$0x0], $0xffff  }
0x14a: {  	v16 =	vmul.f32 v16, v16;
	v15 =	vadd.f32 v15, v14;
	v14 =	vor.u32 $0xC, v13  }
0x14b: {  	v20 =	vld.idx.msk [tilespmem:v11+s31+$0x0], $0xffff  }
0x14c: {  	v17 =	vmul.f32 v17, v17;
	v16 =	vadd.f32 v16, v15;
	v15 =	vor.u32 $0xD, v13  }
0x14d: {  	v21 =	vld.idx.msk [tilespmem:v12+s31+$0x0], $0xffff  }
0x14e: {  	v17 =	vadd.f32 v17, v16;
	v19 =	vmul.f32 v19, v19;
	v16 =	vor.u32 $0xE, v13  }
0x14f: {  	v22 =	vld.idx.msk [tilespmem:v14+s31+$0x0], $0xffff  }
0x150: {  	v19 =	vadd.f32 v19, v17;
	v20 =	vmul.f32 v20, v20;
	v17 =	vor.u32 $0xF, v13  }
0x151: {  	v23 =	vld.idx.msk [tilespmem:v15+s31+$0x0], $0xffff  }
0x152: {  	v20 =	vadd.f32 v20, v19;
	v21 =	vmul.f32 v21, v21;
	v19 =	vor.u32 $0x10, v13  }
0x153: {  	v24 =	vld.idx.msk [tilespmem:v16+s31+$0x0], $0xffff  }
0x154: {  	v21 =	vadd.f32 v21, v20;
	v22 =	vmul.f32 v22, v22;
	v20 =	vor.u32 $0x11, v13  }
0x155: {  	v25 =	vld.idx.msk [tilespmem:v17+s31+$0x0], $0xffff  }
0x156: {  	v22 =	vadd.f32 v22, v21;
	v23 =	vmul.f32 v23, v23;
	v21 =	vor.u32 $0x12, v13  }
0x157: {  	v26 =	vld.idx.msk [tilespmem:v19+s31+$0x0], $0xffff  }
0x158: {  	v23 =	vadd.f32 v23, v22;
	v24 =	vmul.f32 v24, v24;
	v22 =	vor.u32 $0x13, v13  }
0x159: {  	v27 =	vld.idx.msk [tilespmem:v20+s31+$0x0], $0xffff  }
0x15a: {  	v24 =	vadd.f32 v24, v23;
	v25 =	vmul.f32 v25, v25;
	v23 =	vor.u32 $0x14, v13  }
0x15b: {  	v28 =	vld.idx.msk [tilespmem:v21+s31+$0x0], $0xffff  }
0x15c: {  	v25 =	vadd.f32 v25, v24;
	v26 =	vmul.f32 v26, v26;
	v24 =	vor.u32 $0x15, v13  }
0x15d: {  	v29 =	vld.idx.msk [tilespmem:v22+s31+$0x0], $0xffff  }
0x15e: {  	v42 =	vor.u32 $0x16, v13;
	v26 =	vadd.f32 v26, v25;
	v27 =	vmul.f32 v27, v27  }
0x15f: {  	v30 =	vld.idx.msk [tilespmem:v23+s31+$0x0], $0xffff  }
0x160: {  	v43 =	vor.u32 $0x17, v13;
	v27 =	vadd.f32 v27, v26;
	v28 =	vmul.f32 v28, v28  }
0x161: {  	v31 =	vld.idx.msk [tilespmem:v24+s31+$0x0], $0xffff  }
0x162: {  	v44 =	vor.u32 $0x18, v13;
	v28 =	vadd.f32 v28, v27;
	v29 =	vmul.f32 v29, v29  }
0x163: {  	v32 =	vld.idx.msk [tilespmem:v42+s31+$0x0], $0xffff  }
0x164: {  	v45 =	vor.u32 $0x19, v13;
	v29 =	vadd.f32 v29, v28;
	v30 =	vmul.f32 v30, v30  }
0x165: {  	v33 =	vld.idx.msk [tilespmem:v43+s31+$0x0], $0xffff  }
0x166: {  	v46 =	vor.u32 $0x1A, v13;
	v30 =	vadd.f32 v30, v29;
	v31 =	vmul.f32 v31, v31  }
0x167: {  	v34 =	vld.idx.msk [tilespmem:v44+s31+$0x0], $0xffff  }
0x168: {  	v47 =	vor.u32 $0x1B, v13;
	v32 =	vmul.f32 v32, v32;
	v31 =	vadd.f32 v31, v30  }
0x169: {  	v35 =	vld.idx.msk [tilespmem:v45+s31+$0x0], $0xffff  }
0x16a: {  	v48 =	vor.u32 $0x1C, v13;
	v33 =	vmul.f32 v33, v33;
	v32 =	vadd.f32 v32, v31  }
0x16b: {  	v36 =	vld.idx.msk [tilespmem:v46+s31+$0x0], $0xffff  }
0x16c: {  	v50 =	vor.u32 $0x1D, v13;
	v49 =	vmul.f32 v34, v34;
	v32 =	vadd.f32 v33, v32  }
0x16d: {  	v37 =	vld.idx.msk [tilespmem:v47+s31+$0x0], $0xffff  }
0x16e: {  	v52 =	vor.u32 $0x1E, v13;
	v51 =	vmul.f32 v35, v35;
	v32 =	vadd.f32 v49, v32  }
0x16f: {  	v38 =	vld.idx.msk [tilespmem:v48+s31+$0x0], $0xffff  }
0x170: {  	v54 =	vor.u32 $0x1F, v13;
	v53 =	vmul.f32 v36, v36;
	v32 =	vadd.f32 v51, v32  }
0x171: {  	v39 =	vld.idx.msk [tilespmem:v50+s31+$0x0], $0xffff  }
0x172: {  	v55 =	vmul.f32 v37, v37;
	v32 =	vadd.f32 v53, v32  }
0x173: {  	v56 =	vld.idx.msk [tilespmem:v52+s31+$0x0], $0xffff  }
0x174: {  	v57 =	vmul.f32 v38, v38;
	v32 =	vadd.f32 v55, v32  }
0x175: {  	v58 =	vld.idx.msk [tilespmem:v54+s31+$0x0], $0xffff  }
0x176: {  	v59 =	vmul.f32 v39, v39;
	v32 =	vadd.f32 v57, v32;
	_ =	sdelay $0x1  }
0x177: {  	v60 =	vmul.f32 v56, v56;
	v32 =	vadd.f32 v59, v32;
	_ =	sdelay $0x1  }
0x178: {  	v61 =	vmul.f32 v58, v58;
	v32 =	vadd.f32 v60, v32;
	_ =	sdelay $0x1  }
0x179: {  	v32 =	vadd.f32 v61, v32;
	_ =	sdelay $0x1  }
0x17a: {  	v33 =	vshra.s32 v32, $0x1;
	v62 =	vmul.f32 $5.000000000e-01, v32  }
0x17b: {  	v33 =	vsub.s32 $0x5F3759DF, v33  }
0x17c: {  	v63 =	vmul.f32 v33, v62;
	_ =	sdelay $0x1  }
0x17d: {  	v38 =	vmul.f32 v33, v63;
	_ =	sdelay $0x1  }
0x17e: {  	v38 =	vsub.f32 $1.500000000e+00, v38;
	_ =	sdelay $0x1  }
0x17f: {  	v33 =	vmul.f32 v33, v38;
	_ =	sdelay $0x1  }
0x180: {  	v38 =	vmul.f32 v33, v62;
	_ =	sdelay $0x1  }
0x181: {  	v38 =	vmul.f32 v38, v33;
	_ =	sdelay $0x1  }
0x182: {  	v38 =	vsub.f32 $1.500000000e+00, v38;
	_ =	sdelay $0x1  }
0x183: {  	v33 =	vmul.f32 v38, v33;
	_ =	sdelay $0x1  }
0x184: {  	v37 =	vmul.f32 v33, v62;
	_ =	sdelay $0x1  }
0x185: {  	v37 =	vmul.f32 v37, v33;
	_ =	sdelay $0x1  }
0x186: {  	v37 =	vsub.f32 $1.500000000e+00, v37;
	_ =	sdelay $0x1  }
0x187: {  	v33 =	vmul.f32 v37, v33  }
0x188: {  	vm0 =	vgt.f32 v32, $1.000000020e-16  }
0x189: {  	v32 =	vnsel vm0, $0x4CBEBC20, v33  }
0x18a: {  	v18 =	vmul.f32 v32, v18;
	_ =	sdelay $0x1  }
0x18b: {  	[tilespmem:v13+s31+$0x0] =	vst.idx.msk $0xffff, v18  }
0x18c: {  	v13 =	vld.idx.msk [tilespmem:v10+s31+$0x0], $0xffff;
	_ =	sdelay $0x4  }
0x18d: {  	v13 =	vmul.f32 v32, v13;
	_ =	sdelay $0x1  }
0x18e: {  	[tilespmem:v10+s31+$0x0] =	vst.idx.msk $0xffff, v13  }
0x18f: {  	v10 =	vld.idx.msk [tilespmem:v7+s31+$0x0], $0xffff;
	_ =	sdelay $0x4  }
0x190: {  	v10 =	vmul.f32 v32, v10;
	_ =	sdelay $0x1  }
0x191: {  	[tilespmem:v7+s31+$0x0] =	vst.idx.msk $0xffff, v10  }
0x192: {  	v7 =	vld.idx.msk [tilespmem:v5+s31+$0x0], $0xffff;
	_ =	sdelay $0x4  }
0x193: {  	v7 =	vmul.f32 v32, v7;
	_ =	sdelay $0x1  }
0x194: {  	[tilespmem:v5+s31+$0x0] =	vst.idx.msk $0xffff, v7  }
0x195: {  	v5 =	vld.idx.msk [tilespmem:v3+s31+$0x0], $0xffff;
	_ =	sdelay $0x4  }
0x196: {  	v5 =	vmul.f32 v32, v5;
	_ =	sdelay $0x1  }
0x197: {  	[tilespmem:v3+s31+$0x0] =	vst.idx.msk $0xffff, v5  }
0x198: {  	v3 =	vld.idx.msk [tilespmem:v2+s31+$0x0], $0xffff;
	_ =	sdelay $0x4  }
0x199: {  	v3 =	vmul.f32 v32, v3;
	_ =	sdelay $0x1  }
0x19a: {  	[tilespmem:v2+s31+$0x0] =	vst.idx.msk $0xffff, v3  }
0x19b: {  	v2 =	vld.idx.msk [tilespmem:v4+s31+$0x0], $0xffff;
	_ =	sdelay $0x4  }
0x19c: {  	v2 =	vmul.f32 v32, v2;
	_ =	sdelay $0x1  }
0x19d: {  	[tilespmem:v4+s31+$0x0] =	vst.idx.msk $0xffff, v2  }
0x19e: {  	v2 =	vld.idx.msk [tilespmem:v6+s31+$0x0], $0xffff;
	_ =	sdelay $0x4  }
0x19f: {  	v2 =	vmul.f32 v32, v2;
	_ =	sdelay $0x1  }
0x1a0: {  	[tilespmem:v6+s31+$0x0] =	vst.idx.msk $0xffff, v2  }
0x1a1: {  	v2 =	vld.idx.msk [tilespmem:v8+s31+$0x0], $0xffff;
	_ =	sdelay $0x4  }
0x1a2: {  	v2 =	vmul.f32 v32, v2;
	_ =	sdelay $0x1  }
0x1a3: {  	[tilespmem:v8+s31+$0x0] =	vst.idx.msk $0xffff, v2  }
0x1a4: {  	v2 =	vld.idx.msk [tilespmem:v9+s31+$0x0], $0xffff;
	_ =	sdelay $0x4  }
0x1a5: {  	v2 =	vmul.f32 v32, v2;
	_ =	sdelay $0x1  }
0x1a6: {  	[tilespmem:v9+s31+$0x0] =	vst.idx.msk $0xffff, v2  }
0x1a7: {  	v2 =	vld.idx.msk [tilespmem:v11+s31+$0x0], $0xffff;
	_ =	sdelay $0x4  }
0x1a8: {  	v2 =	vmul.f32 v2, v32;
	_ =	sdelay $0x1  }
0x1a9: {  	[tilespmem:v11+s31+$0x0] =	vst.idx.msk $0xffff, v2  }
0x1aa: {  	v2 =	vld.idx.msk [tilespmem:v12+s31+$0x0], $0xffff;
	_ =	sdelay $0x4  }
0x1ab: {  	v2 =	vmul.f32 v2, v32;
	_ =	sdelay $0x1  }
0x1ac: {  	[tilespmem:v12+s31+$0x0] =	vst.idx.msk $0xffff, v2  }
0x1ad: {  	v2 =	vld.idx.msk [tilespmem:v14+s31+$0x0], $0xffff;
	_ =	sdelay $0x4  }
0x1ae: {  	v2 =	vmul.f32 v2, v32;
	_ =	sdelay $0x1  }
0x1af: {  	[tilespmem:v14+s31+$0x0] =	vst.idx.msk $0xffff, v2  }
0x1b0: {  	v2 =	vld.idx.msk [tilespmem:v15+s31+$0x0], $0xffff;
	_ =	sdelay $0x4  }
0x1b1: {  	v2 =	vmul.f32 v2, v32;
	_ =	sdelay $0x1  }
0x1b2: {  	[tilespmem:v15+s31+$0x0] =	vst.idx.msk $0xffff, v2  }
0x1b3: {  	v2 =	vld.idx.msk [tilespmem:v16+s31+$0x0], $0xffff;
	_ =	sdelay $0x4  }
0x1b4: {  	v2 =	vmul.f32 v2, v32;
	_ =	sdelay $0x1  }
0x1b5: {  	[tilespmem:v16+s31+$0x0] =	vst.idx.msk $0xffff, v2  }
0x1b6: {  	v2 =	vld.idx.msk [tilespmem:v17+s31+$0x0], $0xffff;
	_ =	sdelay $0x4  }
0x1b7: {  	v2 =	vmul.f32 v2, v32;
	_ =	sdelay $0x1  }
0x1b8: {  	[tilespmem:v17+s31+$0x0] =	vst.idx.msk $0xffff, v2  }
0x1b9: {  	v2 =	vld.idx.msk [tilespmem:v19+s31+$0x0], $0xffff;
	_ =	sdelay $0x4  }
0x1ba: {  	v2 =	vmul.f32 v2, v32;
	_ =	sdelay $0x1  }
0x1bb: {  	[tilespmem:v19+s31+$0x0] =	vst.idx.msk $0xffff, v2  }
0x1bc: {  	v2 =	vld.idx.msk [tilespmem:v20+s31+$0x0], $0xffff;
	_ =	sdelay $0x4  }
0x1bd: {  	v2 =	vmul.f32 v2, v32;
	_ =	sdelay $0x1  }
0x1be: {  	[tilespmem:v20+s31+$0x0] =	vst.idx.msk $0xffff, v2  }
0x1bf: {  	v2 =	vld.idx.msk [tilespmem:v21+s31+$0x0], $0xffff;
	_ =	sdelay $0x4  }
0x1c0: {  	v2 =	vmul.f32 v2, v32;
	_ =	sdelay $0x1  }
0x1c1: {  	[tilespmem:v21+s31+$0x0] =	vst.idx.msk $0xffff, v2  }
0x1c2: {  	v2 =	vld.idx.msk [tilespmem:v22+s31+$0x0], $0xffff;
	_ =	sdelay $0x4  }
0x1c3: {  	v2 =	vmul.f32 v2, v32;
	_ =	sdelay $0x1  }
0x1c4: {  	[tilespmem:v22+s31+$0x0] =	vst.idx.msk $0xffff, v2  }
0x1c5: {  	v2 =	vld.idx.msk [tilespmem:v23+s31+$0x0], $0xffff;
	_ =	sdelay $0x4  }
0x1c6: {  	v2 =	vmul.f32 v2, v32;
	_ =	sdelay $0x1  }
0x1c7: {  	[tilespmem:v23+s31+$0x0] =	vst.idx.msk $0xffff, v2  }
0x1c8: {  	v2 =	vld.idx.msk [tilespmem:v24+s31+$0x0], $0xffff;
	_ =	sdelay $0x4  }
0x1c9: {  	v2 =	vmul.f32 v2, v32;
	_ =	sdelay $0x1  }
0x1ca: {  	[tilespmem:v24+s31+$0x0] =	vst.idx.msk $0xffff, v2  }
0x1cb: {  	v2 =	vld.idx.msk [tilespmem:v42+s31+$0x0], $0xffff;
	_ =	sdelay $0x4  }
0x1cc: {  	v2 =	vmul.f32 v2, v32;
	_ =	sdelay $0x1  }
0x1cd: {  	[tilespmem:v42+s31+$0x0] =	vst.idx.msk $0xffff, v2  }
0x1ce: {  	v2 =	vld.idx.msk [tilespmem:v43+s31+$0x0], $0xffff;
	_ =	sdelay $0x4  }
0x1cf: {  	v2 =	vmul.f32 v2, v32;
	_ =	sdelay $0x1  }
0x1d0: {  	[tilespmem:v43+s31+$0x0] =	vst.idx.msk $0xffff, v2  }
0x1d1: {  	v2 =	vld.idx.msk [tilespmem:v44+s31+$0x0], $0xffff;
	_ =	sdelay $0x4  }
0x1d2: {  	v2 =	vmul.f32 v2, v32;
	_ =	sdelay $0x1  }
0x1d3: {  	[tilespmem:v44+s31+$0x0] =	vst.idx.msk $0xffff, v2  }
0x1d4: {  	v2 =	vld.idx.msk [tilespmem:v45+s31+$0x0], $0xffff;
	_ =	sdelay $0x4  }
0x1d5: {  	v2 =	vmul.f32 v2, v32;
	_ =	sdelay $0x1  }
0x1d6: {  	[tilespmem:v45+s31+$0x0] =	vst.idx.msk $0xffff, v2  }
0x1d7: {  	v2 =	vld.idx.msk [tilespmem:v46+s31+$0x0], $0xffff;
	_ =	sdelay $0x4  }
0x1d8: {  	v2 =	vmul.f32 v2, v32;
	_ =	sdelay $0x1  }
0x1d9: {  	[tilespmem:v46+s31+$0x0] =	vst.idx.msk $0xffff, v2  }
0x1da: {  	v2 =	vld.idx.msk [tilespmem:v47+s31+$0x0], $0xffff;
	_ =	sdelay $0x4  }
0x1db: {  	v2 =	vmul.f32 v2, v32;
	_ =	sdelay $0x1  }
0x1dc: {  	[tilespmem:v47+s31+$0x0] =	vst.idx.msk $0xffff, v2  }
0x1dd: {  	v2 =	vld.idx.msk [tilespmem:v48+s31+$0x0], $0xffff;
	_ =	sdelay $0x4  }
0x1de: {  	v2 =	vmul.f32 v2, v32;
	_ =	sdelay $0x1  }
0x1df: {  	[tilespmem:v48+s31+$0x0] =	vst.idx.msk $0xffff, v2  }
0x1e0: {  	v2 =	vld.idx.msk [tilespmem:v50+s31+$0x0], $0xffff;
	_ =	sdelay $0x4  }
0x1e1: {  	v2 =	vmul.f32 v2, v32;
	_ =	sdelay $0x1  }
0x1e2: {  	[tilespmem:v50+s31+$0x0] =	vst.idx.msk $0xffff, v2  }
0x1e3: {  	v2 =	vld.idx.msk [tilespmem:v52+s31+$0x0], $0xffff;
	_ =	sdelay $0x4  }
0x1e4: {  	v2 =	vmul.f32 v2, v32;
	_ =	sdelay $0x1  }
0x1e5: {  	[tilespmem:v52+s31+$0x0] =	vst.idx.msk $0xffff, v2  }
0x1e6: {  	v2 =	vld.idx.msk [tilespmem:v54+s31+$0x0], $0xffff;
	_ =	sdelay $0x1  }
0x1e7: {  	p0 =	sne.s32 s9, $0x70  }
.Ltmp1:
0x1e8: {  	_ = 	snop;
	(pc) =	sbr.rel @p0 .LBB2_3-.Ltmp1, $3  }
0x1e9: {  	_ = 	snop  }
0x1ea: {  	v2 =	vmul.f32 v2, v32;
	_ =	sdelay $0x1  }
0x1eb: {  	s9 =	sadd.s32 $0x10, s9;
	[tilespmem:v54+s31+$0x0] =	vst.idx.msk $0xffff, v2  }
0x1ec: {  	_ =	swait.ge [sflag:s7], $0x1000  }
0x1ed: {  	[sflag:s7] =	ssyncset.done $0x0  }
0x1ee: {  	[sflag:s7] =	ssyncadd.s32 $0xFFFFF000  }
0x1ef: {  	_ =	swait.ge [sflag:s7], $0x1000  }
0x1f0: {  	[sflag:s7] =	ssyncset.done $0x0  }
0x1f1: {  	[sflag:s7] =	ssyncadd.s32 $0xFFFFF000  }
0x1f2: {  	_ =	swait.ge [sflag:s7], $0x80  }
0x1f3: {  	[sflag:s7] =	ssyncset.done $0x0  }
0x1f4: {  	[sflag:s7] =	ssyncadd.s32 $0xFFFFFF80  }
0x1f5: {  	_ =	swait.ge [sflag:s7], $0x80  }
0x1f6: {  	[sflag:s7] =	ssyncset.done $0x0  }
0x1f7: {  	[sflag:s7] =	ssyncadd.s32 $0xFFFFFF80  }
0x1f8: {  	_ =	swait.ge [sflag:s7], $0x1000  }
0x1f9: {  	[sflag:s7] =	ssyncset.done $0x0  }
0x1fa: {  	[sflag:s7] =	ssyncadd.s32 $0xFFFFF000  }
0x1fb: {  	_ =	swait.ge [sflag:s7], $0x1000  }
0x1fc: {  	[sflag:s7] =	ssyncset.done $0x0  }
0x1fd: {  	[sflag:s7] =	ssyncadd.s32 $0xFFFFF000  }
0x1fe: {  	_ =	swait.ge [sflag:s7], $0x80  }
0x1ff: {  	[sflag:s7] =	ssyncset.done $0x0  }
0x200: {  	[sflag:s7] =	ssyncadd.s32 $0xFFFFFF80  }
0x201: {  	_ =	swait.ge [sflag:s7], $0x80  }
0x202: {  	[sflag:s7] =	ssyncset.done $0x0  }
0x203: {  	[sflag:s7] =	ssyncadd.s32 $0xFFFFFF80  }
0x204: {  	_ =	swait.ge [sflag:s7], $0x1000  }
0x205: {  	[sflag:s7] =	ssyncset.done $0x0  }
0x206: {  	[sflag:s7] =	ssyncadd.s32 $0xFFFFF000  }
0x207: {  	_ =	swait.ge [sflag:s7], $0x1000  }
0x208: {  	[sflag:s7] =	ssyncset.done $0x0  }
0x209: {  	[sflag:s7] =	ssyncadd.s32 $0xFFFFF000  }
0x20a: {  	_ =	swait.ge [sflag:s7], $0x80  }
0x20b: {  	[sflag:s7] =	ssyncset.done $0x0  }
0x20c: {  	[sflag:s7] =	ssyncadd.s32 $0xFFFFFF80  }
0x20d: {  	_ =	swait.ge [sflag:s7], $0x80  }
0x20e: {  	[sflag:s7] =	ssyncset.done $0x0  }
0x20f: {  	[sflag:s7] =	ssyncadd.s32 $0xFFFFFF80  }
0x210: {  	_ =	swait.ge [sflag:s7], $0x1000  }
0x211: {  	[sflag:s7] =	ssyncset.done $0x0  }
0x212: {  	[sflag:s7] =	ssyncadd.s32 $0xFFFFF000  }
0x213: {  	_ =	swait.ge [sflag:s7], $0x1000  }
0x214: {  	[sflag:s7] =	ssyncset.done $0x0  }
0x215: {  	[sflag:s7] =	ssyncadd.s32 $0xFFFFF000  }
0x216: {  	_ =	swait.ge [sflag:s7], $0x80  }
0x217: {  	[sflag:s7] =	ssyncset.done $0x0  }
0x218: {  	[sflag:s7] =	ssyncadd.s32 $0xFFFFFF80  }
0x219: {  	s9 =	simm.s32 $0x0;
	s10 =	simm.s32 $0x400;
	_ =	swait.ge [sflag:s7], $0x80  }
0x21a: {  	s11 =	simm.s32 $0x600;
	s12 =	simm.s32 $0x8800;
	[sflag:s7] =	ssyncset.done $0x0  }
0x21b: {  	s13 =	simm.s32 $0x8A00;
	s14 =	simm.s32 $0xA000;
	[sflag:s7] =	ssyncadd.s32 $0xFFFFFF80  }
.LBB2_5:
0x21c: {  	v3 =	vmov s9  }
0x21d: {  	v3 =	vshll.u32 v3, $0x5  }
0x21e: {  	v4 =	vor.u32 v1, v3;
	_ =	sdelay $0x1  }
0x21f: {  	v2 =	vld [tilespmem:s10+$0x0];
	v25 =	vor.u32 $0x1, v4  }
0x220: {  	v5 =	vld [tilespmem:s11+$0x0]  }
0x221: {  	v13 =	vor.u32 $0x2, v4  }
0x222: {  	v6 =	vld.idx.msk [tilespmem:v4+s0+$0x0], $0xffff  }
0x223: {  	v17 =	vor.u32 $0x3, v4;
	v7 =	vld.idx.msk [tilespmem:v4+s3+$0x0], $0xffff  }
0x224: {  	v12 =	vld.idx.msk [tilespmem:v25+s0+$0x0], $0xffff  }
0x225: {  	v22 =	vor.u32 $0x4, v4;
	v3 =	vshll.u32 v2, $0x5;
	v2 =	vshll.u32 v5, $0x5;
	v5 =	vld.idx.msk [tilespmem:v25+s3+$0x0], $0xffff  }
0x226: {  	v18 =	vld.idx.msk [tilespmem:v13+s0+$0x0], $0xffff  }
0x227: {  	v35 =	vor.u32 $0x5, v4;
	v13 =	vld.idx.msk [tilespmem:v13+s3+$0x0], $0xffff  }
0x228: {  	v26 =	vld.idx.msk [tilespmem:v17+s0+$0x0], $0xffff  }
0x229: {  	v48 =	vor.u32 $0x6, v4;
	v28 =	vld.idx.msk [tilespmem:v17+s3+$0x0], $0xffff  }
0x22a: {  	v37 =	vld.idx.msk [tilespmem:v22+s0+$0x0], $0xffff  }
0x22b: {  	v39 =	vld.idx.msk [tilespmem:v22+s3+$0x0], $0xffff  }
0x22c: {  	v47 =	vld.idx.msk [tilespmem:v35+s0+$0x0], $0xffff  }
0x22d: {  	v8 =	vor.u32 $0x1, v3;
	v49 =	vld.idx.msk [tilespmem:v35+s3+$0x0], $0xffff  }
0x22e: {  	v10 =	vor.u32 $0x1, v2;
	v58 =	vld.idx.msk [tilespmem:v48+s0+$0x0], $0xffff  }
0x22f: {  	v14 =	vor.u32 $0x2, v3;
	v60 =	vld.idx.msk [tilespmem:v48+s3+$0x0], $0xffff  }
0x230: {  	v16 =	vor.u32 $0x2, v2;
	v9 =	vld.idx.msk [tilespmem:v3+s30+$0x0], $0xffff  }
0x231: {  	v56 =	vor.u32 $0x7, v4;
	v19 =	vor.u32 $0x3, v3;
	v11 =	vld.idx.msk [tilespmem:v2+s31+$0x0], $0xffff  }
0x232: {  	v23 =	vor.u32 $0x11, v4;
	v21 =	vor.u32 $0x3, v2;
	v8 =	vld.idx.msk [tilespmem:v8+s30+$0x0], $0xffff;
	v15 =	vmul.f32 v7, v6  }
0x233: {  	v33 =	vor.u32 $0x4, v2;
	v10 =	vld.idx.msk [tilespmem:v10+s31+$0x0], $0xffff;
	v7 =	vmul.f32 v7, v7;
	v20 =	vmul.f32 v5, v12  }
0x234: {  	v40 =	vor.u32 $0x5, v3;
	v14 =	vld.idx.msk [tilespmem:v14+s30+$0x0], $0xffff;
	v5 =	vmul.f32 v5, v5;
	v31 =	vmul.f32 v13, v18  }
0x235: {  	v30 =	vor.u32 $0x4, v3;
	v16 =	vld.idx.msk [tilespmem:v16+s31+$0x0], $0xffff;
	v36 =	vmul.f32 v18, v18;
	v38 =	vmul.f32 v13, v13  }
0x236: {  	v42 =	vor.u32 $0x5, v2;
	v29 =	vld.idx.msk [tilespmem:v19+s30+$0x0], $0xffff;
	v41 =	vmul.f32 v28, v26;
	v46 =	vmul.f32 v26, v26  }
0x237: {  	v51 =	vor.u32 $0x6, v3;
	v32 =	vld.idx.msk [tilespmem:v21+s31+$0x0], $0xffff;
	v52 =	vmul.f32 v39, v37;
	v57 =	vmul.f32 v37, v37  }
0x238: {  	v54 =	vor.u32 $0x6, v2;
	v45 =	vld.idx.msk [tilespmem:v33+s31+$0x0], $0xffff;
	v59 =	vmul.f32 v39, v39;
	v62 =	vmul.f32 v49, v47  }
0x239: {  	v61 =	vor.u32 $0x7, v3;
	v50 =	vld.idx.msk [tilespmem:v40+s30+$0x0], $0xffff;
	v33 =	vmul.f32 v60, v58;
	v40 =	vmul.f32 v60, v60  }
0x23a: {  	v63 =	vor.u32 $0x7, v2;
	v9 =	vmul.f32 v9, v6;
	v11 =	vmul.f32 v11, v6  }
0x23b: {  	v35 =	vor.u32 $0x8, v2;
	v53 =	vld.idx.msk [tilespmem:v42+s31+$0x0], $0xffff;
	v6 =	vmul.f32 v6, v6;
	v8 =	vmul.f32 v8, v12  }
0x23c: {  	v42 =	vor.u32 $0x9, v3;
	v10 =	vmul.f32 v10, v12;
	v12 =	vmul.f32 v12, v12  }
0x23d: {  	v15 =	vadd.f32 $0.0e+00, v15;
	v14 =	vmul.f32 v14, v18;
	v34 =	vmul.f32 v16, v18  }
0x23e: {  	v5 =	vadd.f32 v5, v7;
	v43 =	vmul.f32 v29, v26;
	v44 =	vmul.f32 v32, v26  }
0x23f: {  	v15 =	vadd.f32 v20, v15;
	v55 =	vmul.f32 v45, v37;
	v24 =	vmul.f32 v50, v47  }
0x240: {  	v25 =	vmul.f32 v53, v47;
	v29 =	vor.u32 $0x8, v4;
	v32 =	vor.u32 $0x8, v3  }
0x241: {  	v26 =	vld.idx.msk [tilespmem:v54+s31+$0x0], $0xffff;
	v50 =	vor.u32 $0xA, v4;
	v9 =	vadd.f32 $0.0e+00, v9;
	v11 =	vadd.f32 $0.0e+00, v11  }
0x242: {  	v53 =	vor.u32 $0xA, v3;
	v5 =	vadd.f32 v38, v5;
	v6 =	vadd.f32 v12, v6;
	v12 =	vld.idx.msk [tilespmem:v30+s30+$0x0], $0xffff  }
0x243: {  	v38 =	vmul.f32 v58, v58;
	v30 =	vld.idx.msk [tilespmem:v56+s3+$0x0], $0xffff;
	v8 =	vadd.f32 v8, v9;
	v27 =	vadd.f32 v10, v11  }
0x244: {  	v15 =	vadd.f32 v31, v15;
	v31 =	vld.idx.msk [tilespmem:v61+s30+$0x0], $0xffff;
	v10 =	vmul.f32 v28, v28;
	v6 =	vadd.f32 v36, v6  }
0x245: {  	v28 =	vld.idx.msk [tilespmem:v56+s0+$0x0], $0xffff;
	v9 =	vmul.f32 v49, v49;
	v8 =	vadd.f32 v14, v8;
	v7 =	vadd.f32 v34, v27  }
0x246: {  	v56 =	vor.u32 $0xA, v2;
	v14 =	vadd.f32 v41, v15;
	v5 =	vadd.f32 v10, v5;
	v15 =	vld.idx.msk [tilespmem:v51+s30+$0x0], $0xffff  }
0x247: {  	v27 =	vmul.f32 v47, v47;
	v34 =	vld.idx.msk [tilespmem:v63+s31+$0x0], $0xffff;
	v36 =	vmul.f32 v26, v58;
	v63 =	vor.u32 $0xB, v3  }
0x248: {  	v47 =	vld.idx.msk [tilespmem:v35+s31+$0x0], $0xffff;
	v35 =	vor.u32 $0xC, v3;
	v6 =	vadd.f32 v46, v6;
	v8 =	vadd.f32 v43, v8  }
0x249: {  	v39 =	vld.idx.msk [tilespmem:v29+s0+$0x0], $0xffff;
	v7 =	vadd.f32 v44, v7;
	v12 =	vmul.f32 v12, v37;
	v14 =	vadd.f32 v52, v14  }
0x24a: {  	v41 =	vld.idx.msk [tilespmem:v29+s3+$0x0], $0xffff;
	v5 =	vadd.f32 v59, v5;
	v37 =	vor.u32 $0x9, v4;
	v44 =	vor.u32 $0x9, v2  }
0x24b: {  	v10 =	vmul.f32 v30, v30;
	v52 =	vld.idx.msk [tilespmem:v42+s30+$0x0], $0xffff;
	v42 =	vor.u32 $0xD, v4;
	v43 =	vmul.f32 v30, v28  }
0x24c: {  	v60 =	vld.idx.msk [tilespmem:v50+s0+$0x0], $0xffff;
	v6 =	vadd.f32 v57, v6;
	v45 =	vmul.f32 v31, v28;
	v48 =	vmul.f32 v28, v28  }
0x24d: {  	v31 =	vor.u32 $0xC, v4;
	v8 =	vadd.f32 v12, v8;
	v7 =	vadd.f32 v55, v7  }
0x24e: {  	v12 =	vadd.f32 v62, v14;
	v5 =	vadd.f32 v9, v5;
	v14 =	vld.idx.msk [tilespmem:v32+s30+$0x0], $0xffff;
	v15 =	vmul.f32 v15, v58  }
0x24f: {  	v62 =	vld.idx.msk [tilespmem:v50+s3+$0x0], $0xffff;
	v6 =	vadd.f32 v27, v6;
	v46 =	vmul.f32 v34, v28;
	v54 =	vmul.f32 v41, v39  }
0x250: {  	v57 =	vmul.f32 v47, v39;
	v58 =	vor.u32 $0xB, v4;
	v59 =	vmul.f32 v39, v39;
	v28 =	vld.idx.msk [tilespmem:v56+s31+$0x0], $0xffff  }
0x251: {  	v61 =	vmul.f32 v41, v41;
	v34 =	vld.idx.msk [tilespmem:v63+s30+$0x0], $0xffff;
	v16 =	vmul.f32 v60, v60;
	v8 =	vadd.f32 v24, v8  }
0x252: {  	v47 =	vor.u32 $0xD, v2;
	v7 =	vadd.f32 v25, v7;
	v12 =	vadd.f32 v33, v12;
	v49 =	vld.idx.msk [tilespmem:v37+s0+$0x0], $0xffff  }
0x253: {  	v63 =	vor.u32 $0xF, v2;
	v5 =	vadd.f32 v40, v5;
	v6 =	vadd.f32 v38, v6;
	v51 =	vld.idx.msk [tilespmem:v37+s3+$0x0], $0xffff  }
0x254: {  	v25 =	vor.u32 $0xB, v2;
	v55 =	vld.idx.msk [tilespmem:v44+s31+$0x0], $0xffff;
	v8 =	vadd.f32 v15, v8;
	v7 =	vadd.f32 v36, v7  }
0x255: {  	v38 =	vor.u32 $0xC, v2;
	v12 =	vadd.f32 v43, v12;
	v5 =	vadd.f32 v10, v5;
	v41 =	vld.idx.msk [tilespmem:v31+s0+$0x0], $0xffff  }
0x256: {  	v43 =	vld.idx.msk [tilespmem:v31+s3+$0x0], $0xffff;
	v31 =	vor.u32 $0x10, v3;
	v6 =	vadd.f32 v48, v6;
	v14 =	vmul.f32 v14, v39  }
0x257: {  	v33 =	vmul.f32 v62, v60;
	v8 =	vadd.f32 v45, v8;
	v7 =	vadd.f32 v46, v7  }
0x258: {  	v15 =	vld.idx.msk [tilespmem:v53+s30+$0x0], $0xffff;
	v40 =	vmul.f32 v62, v62;
	v12 =	vadd.f32 v54, v12;
	v5 =	vadd.f32 v61, v5  }
0x259: {  	v50 =	vld.idx.msk [tilespmem:v42+s0+$0x0], $0xffff;
	v39 =	vmul.f32 v28, v60;
	v46 =	vor.u32 $0xD, v3;
	v54 =	vor.u32 $0xE, v2  }
0x25a: {  	v30 =	vld.idx.msk [tilespmem:v58+s0+$0x0], $0xffff;
	v61 =	vor.u32 $0xF, v3;
	v6 =	vadd.f32 v59, v6;
	v24 =	vmul.f32 v51, v49  }
0x25b: {  	v32 =	vld.idx.msk [tilespmem:v58+s3+$0x0], $0xffff;
	v8 =	vadd.f32 v14, v8;
	v26 =	vmul.f32 v52, v49;
	v27 =	vmul.f32 v55, v49  }
0x25c: {  	v45 =	vld.idx.msk [tilespmem:v35+s30+$0x0], $0xffff;
	v7 =	vadd.f32 v57, v7;
	v29 =	vmul.f32 v49, v49;
	v9 =	vmul.f32 v51, v51  }
0x25d: {  	v56 =	vld.idx.msk [tilespmem:v47+s31+$0x0], $0xffff;
	v49 =	vor.u32 $0xE, v4;
	v52 =	vor.u32 $0xE, v3;
	v36 =	vmul.f32 v15, v60  }
0x25e: {  	v47 =	vld.idx.msk [tilespmem:v23+s3+$0x0], $0xffff;
	v57 =	vor.u32 $0xF, v4;
	v53 =	vmul.f32 v43, v41;
	v13 =	vmul.f32 v41, v41  }
0x25f: {  	v37 =	vld.idx.msk [tilespmem:v25+s31+$0x0], $0xffff;
	v59 =	vmul.f32 v43, v43;
	v12 =	vadd.f32 v24, v12;
	v8 =	vadd.f32 v26, v8  }
0x260: {  	v19 =	vld.idx.msk [tilespmem:v38+s31+$0x0], $0xffff;
	v7 =	vadd.f32 v27, v7;
	v6 =	vadd.f32 v29, v6;
	v44 =	vmul.f32 v32, v30  }
0x261: {  	v51 =	vld.idx.msk [tilespmem:v42+s3+$0x0], $0xffff;
	v5 =	vadd.f32 v9, v5;
	v14 =	vmul.f32 v34, v30;
	v48 =	vmul.f32 v30, v30  }
0x262: {  	v26 =	vor.u32 $0x10, v4;
	v10 =	vmul.f32 v32, v32;
	v17 =	vld.idx.msk [tilespmem:v46+s30+$0x0], $0xffff;
	v27 =	vmul.f32 v56, v50  }
0x263: {  	v25 =	vld.idx.msk [tilespmem:v54+s31+$0x0], $0xffff;
	v46 =	vor.u32 $0x12, v4;
	v11 =	vadd.f32 v33, v12;
	v8 =	vadd.f32 v36, v8  }
0x264: {  	v32 =	vld.idx.msk [tilespmem:v61+s30+$0x0], $0xffff;
	v61 =	vor.u32 $0x14, v3;
	v7 =	vadd.f32 v39, v7;
	v6 =	vadd.f32 v16, v6  }
0x265: {  	v5 =	vadd.f32 v40, v5;
	v15 =	vmul.f32 v37, v30;
	v16 =	vmul.f32 v45, v41;
	v45 =	vld.idx.msk [tilespmem:v23+s0+$0x0], $0xffff  }
0x266: {  	v33 =	vor.u32 $0x10, v2;
	v40 =	vor.u32 $0x11, v3;
	v55 =	vmul.f32 v19, v41;
	v58 =	vld.idx.msk [tilespmem:v49+s0+$0x0], $0xffff  }
0x267: {  	v60 =	vld.idx.msk [tilespmem:v49+s3+$0x0], $0xffff;
	v62 =	vmul.f32 v51, v50;
	v29 =	vmul.f32 v51, v51;
	v9 =	vadd.f32 v44, v11  }
0x268: {  	v28 =	vld.idx.msk [tilespmem:v57+s0+$0x0], $0xffff;
	v49 =	vor.u32 $0x12, v3;
	v8 =	vadd.f32 v14, v8;
	v7 =	vadd.f32 v15, v7  }
0x269: {  	v30 =	vld.idx.msk [tilespmem:v57+s3+$0x0], $0xffff;
	v57 =	vor.u32 $0x13, v2;
	v6 =	vadd.f32 v48, v6;
	v5 =	vadd.f32 v10, v5  }
0x26a: {  	v15 =	vld.idx.msk [tilespmem:v52+s30+$0x0], $0xffff;
	v14 =	vmul.f32 v50, v50;
	v44 =	vor.u32 $0x11, v2;
	v9 =	vadd.f32 v53, v9  }
0x26b: {  	v52 =	vor.u32 $0x13, v4;
	v36 =	vld.idx.msk [tilespmem:v26+s0+$0x0], $0xffff;
	v8 =	vadd.f32 v16, v8;
	v7 =	vadd.f32 v55, v7  }
0x26c: {  	v38 =	vld.idx.msk [tilespmem:v26+s3+$0x0], $0xffff;
	v26 =	vor.u32 $0x1C, v4;
	v6 =	vadd.f32 v13, v6;
	v5 =	vadd.f32 v59, v5  }
0x26d: {  	v35 =	vld.idx.msk [tilespmem:v63+s31+$0x0], $0xffff;
	v24 =	vmul.f32 v17, v50;
	v50 =	vor.u32 $0x12, v2;
	v55 =	vor.u32 $0x13, v3  }
0x26e: {  	v59 =	vor.u32 $0x14, v4;
	v56 =	vmul.f32 v47, v45;
	v10 =	vmul.f32 v45, v45  }
0x26f: {  	v9 =	vadd.f32 v62, v9;
	v8 =	vadd.f32 v24, v8;
	v34 =	vmul.f32 v60, v58  }
0x270: {  	v7 =	vadd.f32 v27, v7;
	v17 =	vmul.f32 v25, v58;
	v16 =	vmul.f32 v58, v58  }
0x271: {  	v39 =	vld.idx.msk [tilespmem:v31+s30+$0x0], $0xffff;
	v6 =	vadd.f32 v14, v6;
	v37 =	vmul.f32 v60, v60;
	v41 =	vmul.f32 v30, v28  }
0x272: {  	v53 =	vld.idx.msk [tilespmem:v46+s0+$0x0], $0xffff;
	v5 =	vadd.f32 v29, v5;
	v13 =	vmul.f32 v32, v28;
	v42 =	vmul.f32 v35, v28  }
0x273: {  	v20 =	vld.idx.msk [tilespmem:v61+s30+$0x0], $0xffff;
	v43 =	vmul.f32 v28, v28;
	v11 =	vmul.f32 v30, v30;
	v24 =	vor.u32 $0x14, v2  }
0x274: {  	v14 =	vld.idx.msk [tilespmem:v33+s31+$0x0], $0xffff;
	v27 =	vor.u32 $0x15, v4;
	v29 =	vor.u32 $0x15, v3;
	v30 =	vor.u32 $0x15, v2  }
0x275: {  	v21 =	vld.idx.msk [tilespmem:v49+s30+$0x0], $0xffff;
	v32 =	vor.u32 $0x16, v4;
	v35 =	vor.u32 $0x16, v3;
	v25 =	vor.u32 $0x16, v2  }
0x276: {  	v15 =	vmul.f32 v15, v58;
	v51 =	vld.idx.msk [tilespmem:v44+s31+$0x0], $0xffff;
	v44 =	vor.u32 $0x18, v4;
	v9 =	vadd.f32 v34, v9  }
0x277: {  	v63 =	vld.idx.msk [tilespmem:v57+s31+$0x0], $0xffff;
	v7 =	vadd.f32 v17, v7;
	v6 =	vadd.f32 v16, v6;
	v48 =	vmul.f32 v38, v36  }
0x278: {  	v60 =	vld.idx.msk [tilespmem:v52+s0+$0x0], $0xffff;
	v5 =	vadd.f32 v37, v5;
	v54 =	vmul.f32 v36, v36;
	v12 =	vmul.f32 v38, v38  }
0x279: {  	v18 =	vld.idx.msk [tilespmem:v52+s3+$0x0], $0xffff;
	v17 =	vmul.f32 v47, v47;
	v37 =	vor.u32 $0x17, v4;
	v8 =	vadd.f32 v15, v8  }
0x27a: {  	v16 =	vld.idx.msk [tilespmem:v40+s30+$0x0], $0xffff;
	v15 =	vmul.f32 v39, v36;
	v9 =	vadd.f32 v41, v9;
	v7 =	vadd.f32 v42, v7  }
0x27b: {  	v58 =	vld.idx.msk [tilespmem:v50+s31+$0x0], $0xffff;
	v6 =	vadd.f32 v43, v6;
	v5 =	vadd.f32 v11, v5;
	v41 =	vor.u32 $0x17, v3  }
0x27c: {  	v8 =	vadd.f32 v13, v8;
	v14 =	vmul.f32 v14, v36;
	v21 =	vmul.f32 v21, v53;
	v22 =	vld.idx.msk [tilespmem:v29+s30+$0x0], $0xffff  }
0x27d: {  	v36 =	vld.idx.msk [tilespmem:v30+s31+$0x0], $0xffff;
	v29 =	vor.u32 $0x1E, v4;
	v30 =	vor.u32 $0x1F, v4;
	v9 =	vadd.f32 v48, v9  }
0x27e: {  	v19 =	vld.idx.msk [tilespmem:v55+s30+$0x0], $0xffff;
	v6 =	vadd.f32 v54, v6;
	v5 =	vadd.f32 v12, v5;
	v11 =	vmul.f32 v51, v45  }
0x27f: {  	v28 =	vld.idx.msk [tilespmem:v59+s0+$0x0], $0xffff;
	v34 =	vmul.f32 v18, v60;
	v38 =	vmul.f32 v18, v18;
	v48 =	vor.u32 $0x19, v4  }
0x280: {  	v13 =	vld.idx.msk [tilespmem:v46+s3+$0x0], $0xffff;
	v51 =	vor.u32 $0x1A, v4;
	v54 =	vor.u32 $0x1B, v4;
	v8 =	vadd.f32 v15, v8  }
0x281: {  	v31 =	vld.idx.msk [tilespmem:v24+s31+$0x0], $0xffff;
	v7 =	vadd.f32 v14, v7;
	v16 =	vmul.f32 v16, v45;
	v14 =	vmul.f32 v53, v53  }
0x282: {  	v33 =	vld.idx.msk [tilespmem:v27+s0+$0x0], $0xffff;
	v9 =	vadd.f32 v56, v9;
	v6 =	vadd.f32 v10, v6;
	v12 =	vmul.f32 v58, v53  }
0x283: {  	v39 =	vld.idx.msk [tilespmem:v32+s0+$0x0], $0xffff;
	v5 =	vadd.f32 v17, v5;
	v19 =	vmul.f32 v19, v60;
	v10 =	vmul.f32 v63, v60  }
0x284: {  	v43 =	vld.idx.msk [tilespmem:v35+s30+$0x0], $0xffff;
	v20 =	vmul.f32 v20, v28;
	v17 =	vmul.f32 v28, v28;
	v8 =	vadd.f32 v16, v8  }
0x285: {  	v15 =	vld.idx.msk [tilespmem:v59+s3+$0x0], $0xffff;
	v7 =	vadd.f32 v11, v7;
	v16 =	vmul.f32 v60, v60;
	v62 =	vmul.f32 v13, v53  }
0x286: {  	v11 =	vld.idx.msk [tilespmem:v27+s3+$0x0], $0xffff;
	v27 =	vor.u32 $0x1D, v4;
	v13 =	vmul.f32 v13, v13;
	v42 =	vmul.f32 v31, v28  }
0x287: {  	v45 =	vld.idx.msk [tilespmem:v25+s31+$0x0], $0xffff;
	v6 =	vadd.f32 v14, v6;
	v22 =	vmul.f32 v22, v33;
	v50 =	vmul.f32 v33, v33  }
0x288: {  	v47 =	vld.idx.msk [tilespmem:v37+s0+$0x0], $0xffff;
	v52 =	vmul.f32 v39, v39;
	v8 =	vadd.f32 v21, v8;
	v5 =	vadd.f32 v13, v5  }
0x289: {  	v31 =	vor.u32 $0x17, v2;
	v7 =	vadd.f32 v12, v7;
	v21 =	vld.idx.msk [tilespmem:v32+s3+$0x0], $0xffff;
	v6 =	vadd.f32 v16, v6  }
0x28a: {  	v23 =	vld.idx.msk [tilespmem:v41+s30+$0x0], $0xffff;
	v9 =	vadd.f32 v62, v9;
	v46 =	vmul.f32 v15, v15;
	v5 =	vadd.f32 v38, v5  }
0x28b: {  	v12 =	vmul.f32 v43, v39;
	v8 =	vadd.f32 v19, v8;
	v19 =	vld.idx.msk [tilespmem:v37+s3+$0x0], $0xffff;
	v6 =	vadd.f32 v17, v6  }
0x28c: {  	v49 =	vmul.f32 v11, v33;
	v11 =	vmul.f32 v11, v11;
	v17 =	vld.idx.msk [tilespmem:v44+s0+$0x0], $0xffff;
	v5 =	vadd.f32 v46, v5  }
0x28d: {  	v53 =	vld.idx.msk [tilespmem:v44+s3+$0x0], $0xffff;
	v40 =	vmul.f32 v15, v28;
	v13 =	vmul.f32 v36, v33;
	v6 =	vadd.f32 v50, v6  }
0x28e: {  	v14 =	vld.idx.msk [tilespmem:v48+s0+$0x0], $0xffff;
	v56 =	vmul.f32 v47, v47;
	v55 =	vmul.f32 v21, v21;
	v5 =	vadd.f32 v11, v5  }
0x28f: {  	v16 =	vmul.f32 v45, v39;
	v8 =	vadd.f32 v20, v8;
	v20 =	vld.idx.msk [tilespmem:v48+s3+$0x0], $0xffff;
	v6 =	vadd.f32 v52, v6  }
0x290: {  	v7 =	vadd.f32 v10, v7;
	v57 =	vmul.f32 v19, v19;
	v11 =	vld.idx.msk [tilespmem:v51+s0+$0x0], $0xffff;
	v5 =	vadd.f32 v55, v5  }
0x291: {  	v25 =	vld.idx.msk [tilespmem:v51+s3+$0x0], $0xffff;
	v9 =	vadd.f32 v34, v9;
	v58 =	vmul.f32 v17, v17;
	v6 =	vadd.f32 v56, v6  }
0x292: {  	v28 =	vld.idx.msk [tilespmem:v54+s0+$0x0], $0xffff;
	v7 =	vadd.f32 v42, v7;
	v59 =	vmul.f32 v53, v53;
	v5 =	vadd.f32 v57, v5  }
0x293: {  	v24 =	vld.idx.msk [tilespmem:v54+s3+$0x0], $0xffff;
	v43 =	vmul.f32 v23, v47;
	v60 =	vmul.f32 v14, v14;
	v6 =	vadd.f32 v58, v6  }
0x294: {  	v13 =	vadd.f32 v13, v7;
	v7 =	vld.idx.msk [tilespmem:v26+s0+$0x0], $0xffff;
	v61 =	vmul.f32 v20, v20;
	v5 =	vadd.f32 v59, v5  }
0x295: {  	v4 =	vld.idx.msk [tilespmem:v27+s0+$0x0], $0xffff;
	v44 =	vor.u32 $0x18, v2;
	v62 =	vmul.f32 v11, v11;
	v6 =	vadd.f32 v60, v6  }
0x296: {  	v9 =	vadd.f32 v40, v9;
	v63 =	vmul.f32 v25, v25;
	v26 =	vld.idx.msk [tilespmem:v26+s3+$0x0], $0xffff;
	v5 =	vadd.f32 v61, v5  }
0x297: {  	v27 =	vld.idx.msk [tilespmem:v27+s3+$0x0], $0xffff;
	v21 =	vmul.f32 v21, v39;
	v32 =	vmul.f32 v28, v28;
	v6 =	vadd.f32 v62, v6  }
0x298: {  	v34 =	vmul.f32 v24, v24;
	v40 =	vor.u32 $0x18, v3;
	v33 =	vadd.f32 v63, v5;
	v5 =	vld.idx.msk [tilespmem:v29+s0+$0x0], $0xffff  }
0x299: {  	v8 =	vadd.f32 v22, v8;
	v35 =	vmul.f32 v7, v7;
	v10 =	vadd.f32 v32, v6;
	v29 =	vld.idx.msk [tilespmem:v29+s3+$0x0], $0xffff  }
0x29a: {  	v9 =	vadd.f32 v49, v9;
	v19 =	vmul.f32 v19, v47;
	v39 =	vmul.f32 v4, v4;
	v6 =	vld.idx.msk [tilespmem:v30+s0+$0x0], $0xffff  }
0x29b: {  	v38 =	vld.idx.msk [tilespmem:v31+s31+$0x0], $0xffff;
	v37 =	vmul.f32 v26, v26;
	v36 =	vadd.f32 v34, v33;
	v10 =	vadd.f32 v35, v10  }
0x29c: {  	v49 =	vor.u32 $0x1A, v3;
	v13 =	vadd.f32 v16, v13;
	v41 =	vmul.f32 v27, v27;
	v30 =	vld.idx.msk [tilespmem:v30+s3+$0x0], $0xffff  }
0x29d: {  	v16 =	vadd.f32 v37, v36;
	v10 =	vadd.f32 v39, v10;
	v42 =	vmul.f32 v5, v5  }
0x29e: {  	v8 =	vadd.f32 v12, v8;
	v22 =	vmul.f32 v53, v17;
	v45 =	vmul.f32 v29, v29  }
0x29f: {  	v46 =	vmul.f32 v6, v6;
	v16 =	vadd.f32 v41, v16;
	v10 =	vadd.f32 v42, v10  }
0x2a0: {  	v53 =	vor.u32 $0x1A, v2;
	v9 =	vadd.f32 v21, v9;
	v15 =	vmul.f32 v38, v47  }
0x2a1: {  	v48 =	vmul.f32 v30, v30;
	v12 =	vadd.f32 v45, v16;
	v10 =	vadd.f32 v46, v10  }
0x2a2: {  	v47 =	vor.u32 $0x19, v3;
	v56 =	vmul.f32 v20, v14;
	v31 =	vld.idx.msk [tilespmem:v40+s30+$0x0], $0xffff;
	v40 =	vor.u32 $0x1D, v3  }
0x2a3: {  	v12 =	vadd.f32 v48, v12;
	v51 =	vshra.s32 v10, $0x1;
	v52 =	vmul.f32 $5.000000000e-01, v10  }
0x2a4: {  	v50 =	vld.idx.msk [tilespmem:v44+s31+$0x0], $0xffff;
	v13 =	vadd.f32 v15, v13;
	v32 =	vor.u32 $0x19, v2;
	v16 =	vsub.s32 $0x5F3759DF, v51  }
0x2a5: {  	v15 =	vld.idx.msk [tilespmem:v49+s30+$0x0], $0xffff;
	v34 =	vshra.s32 v12, $0x1;
	v35 =	vmul.f32 $5.000000000e-01, v12;
	v33 =	vmul.f32 v16, v52  }
0x2a6: {  	v8 =	vadd.f32 v43, v8;
	v9 =	vadd.f32 v19, v9;
	v23 =	vld.idx.msk [tilespmem:v53+s31+$0x0], $0xffff;
	v34 =	vsub.s32 $0x5F3759DF, v34  }
0x2a7: {  	v43 =	vor.u32 $0x1D, v2;
	v21 =	vld.idx.msk [tilespmem:v47+s30+$0x0], $0xffff;
	v55 =	vmul.f32 v34, v35;
	v54 =	vmul.f32 v16, v33  }
0x2a8: {  	v57 =	vor.u32 $0x1B, v2;
	v9 =	vadd.f32 v22, v9;
	v47 =	vor.u32 $0x1E, v2;
	v49 =	vld.idx.msk [tilespmem:v40+s30+$0x0], $0xffff  }
0x2a9: {  	v31 =	vmul.f32 v31, v17;
	v32 =	vld.idx.msk [tilespmem:v32+s31+$0x0], $0xffff;
	v58 =	vmul.f32 v34, v55;
	v22 =	vsub.f32 $1.500000000e+00, v54  }
0x2aa: {  	v17 =	vmul.f32 v50, v17;
	v9 =	vadd.f32 v56, v9;
	v62 =	vmul.f32 v25, v11  }
0x2ab: {  	v15 =	vmul.f32 v15, v11;
	v61 =	vsub.f32 $1.500000000e+00, v58;
	v16 =	vmul.f32 v16, v22  }
0x2ac: {  	v11 =	vmul.f32 v23, v11;
	v59 =	vmul.f32 v21, v14;
	v36 =	vor.u32 $0x1B, v3  }
0x2ad: {  	v8 =	vadd.f32 v31, v8;
	v25 =	vmul.f32 v34, v61;
	v31 =	vmul.f32 v16, v52  }
0x2ae: {  	v13 =	vadd.f32 v17, v13;
	v63 =	vld.idx.msk [tilespmem:v57+s31+$0x0], $0xffff;
	v57 =	vmul.f32 v49, v4;
	v14 =	vmul.f32 v32, v14  }
0x2af: {  	v9 =	vadd.f32 v62, v9;
	v34 =	vmul.f32 v25, v35;
	v33 =	vmul.f32 v31, v16  }
0x2b0: {  	v8 =	vadd.f32 v59, v8;
	v37 =	vor.u32 $0x1C, v2;
	v32 =	vor.u32 $0x1C, v3  }
0x2b1: {  	v60 =	vld.idx.msk [tilespmem:v36+s30+$0x0], $0xffff;
	v13 =	vadd.f32 v14, v13;
	v39 =	vmul.f32 v34, v25;
	v38 =	vsub.f32 $1.500000000e+00, v33  }
0x2b2: {  	v2 =	vor.u32 $0x1F, v2;
	v50 =	vmul.f32 v29, v5;
	v36 =	vmul.f32 v24, v28  }
0x2b3: {  	v11 =	vadd.f32 v11, v13;
	v17 =	vsub.f32 $1.500000000e+00, v39;
	v13 =	vmul.f32 v38, v16  }
0x2b4: {  	v8 =	vadd.f32 v15, v8;
	v42 =	vmul.f32 v26, v7;
	v9 =	vadd.f32 v36, v9  }
0x2b5: {  	v45 =	vor.u32 $0x1E, v3;
	v17 =	vmul.f32 v17, v25;
	v19 =	vmul.f32 v13, v52  }
0x2b6: {  	v46 =	vmul.f32 v27, v4;
	v9 =	vadd.f32 v42, v9;
	v18 =	vmul.f32 v60, v28;
	v41 =	vld.idx.msk [tilespmem:v32+s30+$0x0], $0xffff  }
0x2b7: {  	v44 =	vld.idx.msk [tilespmem:v37+s31+$0x0], $0xffff;
	v3 =	vor.u32 $0x1F, v3;
	v48 =	vmul.f32 v17, v35;
	v19 =	vmul.f32 v19, v13  }
0x2b8: {  	vm0 =	vgt.f32 v10, $1.000000020e-16;
	v14 =	vmul.f32 v63, v28;
	v9 =	vadd.f32 v46, v9  }
0x2b9: {  	v8 =	vadd.f32 v18, v8;
	v18 =	vld.idx.msk [tilespmem:v43+s31+$0x0], $0xffff;
	v23 =	vmul.f32 v48, v17;
	v19 =	vsub.f32 $1.500000000e+00, v19  }
0x2ba: {  	v51 =	vld.idx.msk [tilespmem:v45+s30+$0x0], $0xffff;
	v11 =	vadd.f32 v14, v11;
	v9 =	vadd.f32 v50, v9;
	v52 =	vmul.f32 v30, v6  }
0x2bb: {  	v53 =	vld.idx.msk [tilespmem:v47+s31+$0x0], $0xffff;
	v14 =	vmul.f32 v41, v7;
	v54 =	vsub.f32 $1.500000000e+00, v23;
	v13 =	vmul.f32 v19, v13  }
0x2bc: {  	vm15 =	vgt.f32 v12, $1.000000020e-16;
	v3 =	vld.idx.msk [tilespmem:v3+s30+$0x0], $0xffff;
	v7 =	vmul.f32 v44, v7;
	v9 =	vadd.f32 v52, v9  }
0x2bd: {  	v2 =	vld.idx.msk [tilespmem:v2+s31+$0x0], $0xffff;
	v8 =	vadd.f32 v14, v8;
	v55 =	vmul.f32 v54, v17;
	v56 =	vnsel vm0, $0x4CBEBC20, v13  }
0x2be: {  	v4 =	vmul.f32 v18, v4;
	v7 =	vadd.f32 v7, v11;
	v9 =	vmul.f32 v56, v9  }
0x2bf: {  	v58 =	vmul.f32 v51, v5;
	v8 =	vadd.f32 v57, v8;
	v10 =	vnsel vm15, $0x4CBEBC20, v55  }
0x2c0: {  	v5 =	vmul.f32 v53, v5;
	v4 =	vadd.f32 v4, v7;
	v59 =	vmul.f32 v10, v9  }
0x2c1: {  	v60 =	vld [tilespmem:s12+$0x0];
	v3 =	vmul.f32 v3, v6;
	v8 =	vadd.f32 v58, v8  }
0x2c2: {  	v2 =	vmul.f32 v2, v6;
	v4 =	vadd.f32 v5, v4;
	v61 =	vmul.f32 $2.500000000e+00, v59  }
0x2c3: {  	v62 =	vld [tilespmem:s13+$0x0];
	v3 =	vadd.f32 v3, v8  }
0x2c4: {  	v2 =	vadd.f32 v2, v4;
	v63 =	vadd.f32 $2.750000000e+00, v61;
	_ =	sdelay $0x1  }
0x2c5: {  	v2 =	vadd.f32 v2, v3;
	v4 =	vadd.f32 v63, v60  }
0x2c6: {  	p0 =	sne.s32 s9, $0x1F0  }
.Ltmp2:
0x2c7: {  	v2 =	vmul.f32 v56, v2;
	v3 =	vadd.f32 v4, v62;
	(pc) =	sbr.rel @p0 .LBB2_5-.Ltmp2, $4  }
0x2c8: {  	_ = 	snop  }
0x2c9: {  	v2 =	vadd.f32 v3, v2  }
0x2ca: {  	s10 =	sadd.s32 $0x10, s10;
	s11 =	sadd.s32 $0x10, s11;
	s9 =	sadd.s32 $0x10, s9  }
0x2cb: {  	s13 =	sadd.s32 $0x10, s13;
	s12 =	sadd.s32 $0x10, s12;
	[tilespmem:s14+$0x0] =	vst v2;
	s14 =	sadd.s32 $0x10, s14  }
0x2cc: {  	s8 =	sadd.s32 $0x1, s8  }
0x2cd: {  	p0 =	sne.s32 s8, s20  }
.Ltmp3:
0x2ce: {  	s9 =	simm.s32 $0xA000;
	(pc) =	sbr.rel @p0 .LBB2_1-.Ltmp3, $4  }
0x2cf: {  	[hbm4b:s19+s1] =	stream.linear.scatter [tilespmem:s9], [sflag:$0x2], $0x200, $0x38;
	[tilespmem:$0xA200] =	vst v63  }
0x2d0: {  	_ =	swait.ge [sflag:s21], $0x200  }
0x2d1: {  	[sflag:s21] =	ssyncset.done $0x0  }
0x2d2: {  	[sflag:s21] =	ssyncadd.s32 $0xFFFFFE00  }
0x2d3: {  	_ =	sfence.sel $0x180000  }
0x2d4: {  	[bflag:$0x0] =	sbarrier.arrive $0xFFFF  }
0x2d5: {  	_ =	strace $0x90000047  }
0x2d6: {  	s0 =	stileid.u32;
	[bflag:$0x2] =	sbarrier.arrive $0xFFFF  }
0x2d7: {  	p0 =	sne.s32 s0, $0x0;
	s0 =	rddreg [dreg:$0x6]  }
0x2d8: {  	s0 =	sadd.s32 @!p0 $0x100000, s0  }
0x2d9: {  	[sflag:s0] =	ssyncadd.tile.s32 @!p0 $0x1;
	_ =	shalt  }
.Lfunc_end2:
_tile_overlayer_lowered:
.L_overlay_start_2:
0x2da: {  	(tag) =	ssettag $0x2  }
0x2db: {  	s0 =	rddreg [dreg:$0x0];
	s2 =	stileid.u32  }
0x2dc: {  	s1 =	rddreg [dreg:$0x1];
	p0 =	sne.s32 s2, $0x0  }
0x2dd: {  	s3 =	rddreg [dreg:$0x2];
	[bflag:$0x3] =	sbarrier.arrive $0xFFFF;
	s2 =	simm.s32 @!p0 $0x1C02  }
0x2de: {  	[timem:s3], [sflag:s2] =	dma.local @!p0 [hbm:s0], s1  }
0x2df: {  	s0 =	simm.s32 @!p0 $0x2  }
0x2e0: {  	_ =	swait.ge @!p0 [sflag:s0], s1  }
0x2e1: {  	s1 =	ssub.s32 @!p0 $0x0, s1;
	[sflag:s0] =	ssyncset.done @!p0 $0x0  }
0x2e2: {  	[sflag:s0] =	ssyncadd.s32 @!p0 s1  }
0x2e3: {  	[bflag:$0x3] =	sbarrier.arrive $0xFFFF  }
0x2e4: {  	_ =	shalt  }

</sc_bundles>
